<compile_context>
chip_gen: v7x
topology: tpu7x:2x2x1
jax: 0.10.2.dev20260603
libtpu: 0.0.44.dev20260713+nightly
codegen_flags: <defaults>
</compile_context>

<pallas_src>
import functools

import numpy as np

import jax
import jax.numpy as jnp
from jax import lax
from jax.experimental import pallas as pl
from jax.experimental.pallas import tpu as pltpu
from jax.experimental.pallas import tpu_sc as plsc

D_MODEL = 64
NUM_ROWS = 1025
NUM_CORES = 2
NUM_SUBCORES = 16
NUM_WORKERS = NUM_CORES * NUM_SUBCORES
LANES = 16
DH = D_MODEL // 8
D2 = D_MODEL // 2
MASK_HI = np.int32(-65536)


def _make_kernel(batch, seq):
    assert batch % 128 == 0 and D_MODEL % 8 == 0
    bh_n = batch // 128
    n_units_total = seq * bh_n
    assert n_units_total % (NUM_WORKERS * 2) == 0
    units_pw = n_units_total // NUM_WORKERS
    idx_pw = units_pw * 128
    bgroups = 128 // LANES
    mesh = plsc.VectorSubcoreMesh(core_axis_name="c", subcore_axis_name="s")

    @functools.partial(
        pl.kernel,
        out_type=jax.ShapeDtypeStruct((seq, DH, bh_n, 8, 128), jnp.float32),
        mesh=mesh,
        scratch_types=[
            pltpu.VMEM((NUM_ROWS * D2,), jnp.int32),
            pltpu.VMEM((NUM_ROWS * D2,), jnp.int32),
            pltpu.VMEM((idx_pw,), jnp.int32),
            pltpu.VMEM((DH, 8, 128), jnp.float32),
            pltpu.VMEM((DH, 8, 128), jnp.float32),
            pltpu.SemaphoreType.DMA,
            pltpu.SemaphoreType.DMA,
        ],
        compiler_params=pltpu.CompilerParams(use_tc_tiling_on_sc=False, needs_layout_passes=False),
    )
    def body(pxy_hbm, exp_hbm, eyp_hbm, out_hbm,
             exp, eyp, idx, blk0, blk1, semo0, semo1):
        wid = lax.axis_index("s") * NUM_CORES + lax.axis_index("c")
        u_base = wid * units_pw

        pltpu.sync_copy(exp_hbm, exp)
        pltpu.sync_copy(eyp_hbm, eyp)
        pltpu.sync_copy(pxy_hbm.at[pl.ds(u_base * 128, idx_pw)], idx)

        slots = ((blk0, semo0), (blk1, semo1))

        def compute(i, slot):
            blk, _ = slots[slot]

            def bgroup(bg, carry):
                pxy = idx[pl.ds(i * 128 + bg * LANES, LANES)]
                pxv = pxy & jnp.int32(0xFFFF)
                pyv = lax.shift_right_logical(pxy, 16)
                sl = pl.ds(bg * LANES, LANES)
                for d2b in range(0, D2, 16):
                    vxs = [plsc.load_gather(exp, [pxv + (d2b + k) * NUM_ROWS])
                           for k in range(16)]
                    vys = [plsc.load_gather(eyp, [pyv + (d2b + k) * NUM_ROWS])
                           for k in range(16)]
                    outs = []
                    for k in range(16):
                        vx, vy = vxs[k], vys[k]
                        fe = (lax.bitcast_convert_type(lax.shift_left(vx, 16), jnp.float32)
                              + lax.bitcast_convert_type(lax.shift_left(vy, 16), jnp.float32))
                        fo = (lax.bitcast_convert_type(vx & MASK_HI, jnp.float32)
                              + lax.bitcast_convert_type(vy & MASK_HI, jnp.float32))
                        outs.append((fe, fo))
                    for k in range(16):
                        de = 2 * (d2b + k)
                        blk[de // 8, de % 8, sl] = outs[k][0]
                        blk[de // 8, de % 8 + 1, sl] = outs[k][1]
                return carry

            lax.fori_loop(0, bgroups, bgroup, 0)

        def writeout(i, slot):
            blk, so = slots[slot]
            u = u_base + i
            s = u // bh_n
            bh = u - s * bh_n
            pltpu.async_copy(blk, out_hbm.at[s, :, bh], so)

        def wait_out(slot):
            blk, so = slots[slot]
            pltpu.make_async_copy(blk, out_hbm.at[0, :, 0], so).wait()

        def loop_body(pp, carry):
            i0 = pp * 2

            @pl.when(pp > 0)
            def _():
                wait_out(0)
            compute(i0, 0)
            writeout(i0, 0)

            @pl.when(pp > 0)
            def _():
                wait_out(1)
            compute(i0 + 1, 1)
            writeout(i0 + 1, 1)
            return carry

        lax.fori_loop(0, units_pw // 2, loop_body, 0)
        wait_out(0)
        wait_out(1)

    return body


def _pack_table(w):
    bits = lax.bitcast_convert_type(w.astype(jnp.bfloat16), jnp.uint16)
    lo = bits[:, 0::2].astype(jnp.uint32)
    hi = bits[:, 1::2].astype(jnp.uint32)
    packed = lax.bitcast_convert_type(lo | (hi << 16), jnp.int32)
    return packed.T.reshape(-1)


def kernel(pos_x, pos_y, ex_weight, ey_weight):
    b, s = pos_x.shape
    px = pos_x.astype(jnp.uint32)
    py = pos_y.astype(jnp.uint32)
    pxy = lax.bitcast_convert_type(px | (py << 16), jnp.int32)
    pxy_t = pxy.T.reshape(-1)
    out5 = _make_kernel(b, s)(pxy_t, _pack_table(ex_weight),
                              _pack_table(ey_weight))
    return jnp.transpose(out5, (2, 4, 0, 1, 3)).reshape(b, s, D_MODEL)

# --- scband reference (transcript-rebuilt; emitter-appended) ---
"""Pipeline reference for scband-two-dpositional-encoding-59493886984353 (READ-ONLY COPY).

The authoritative reference and input builder live on the scoring server;
editing this copy changes nothing except your own understanding.
"""

import jax, jax.numpy as jnp
import numpy as np

D_MODEL = 64
MAX_X = 1024
MAX_Y = 1024
BATCH = 4096
SEQ = 200

def setup_inputs(seed: int = 0) -> dict:
    key = jax.random.key(seed)
    k1, k2, k3, k4 = jax.random.split(key, 4)
    pos_x = jax.random.randint(k1, (BATCH, SEQ), 0, MAX_X + 1, dtype=jnp.int64 if jax.config.jax_enable_x64 else jnp.int32)
    pos_y = jax.random.randint(k2, (BATCH, SEQ), 0, MAX_Y + 1, dtype=jnp.int64 if jax.config.jax_enable_x64 else jnp.int32)
    ex_weight = jax.random.normal(k3, (MAX_X + 1, D_MODEL), dtype=jnp.float32)
    ey_weight = jax.random.normal(k4, (MAX_Y + 1, D_MODEL), dtype=jnp.float32)
    # pad index 0 => zero embedding
    ex_weight = ex_weight.at[0].set(0.0)
    ey_weight = ey_weight.at[0].set(0.0)
    return {"pos_x": pos_x, "pos_y": pos_y, "ex_weight": ex_weight, "ey_weight": ey_weight}

def reference(pos_x, pos_y, ex_weight, ey_weight):
    # 2D learned positional encoding: gather from column table + row table
    ex = jnp.take(ex_weight, pos_x, axis=0)
    ey = jnp.take(ey_weight, pos_y, axis=0)
    return ex + ey

if __name__ == "__main__":
    import jax
    _d = setup_inputs()
    print(jax.jit(kernel)(*tuple(_d.values())))

</pallas_src>

<mosaic_0001>
#map = affine_map<(d0, d1) -> (0)>
#map1 = affine_map<(d0, d1) -> (0, 0, 0, 0, 0)>
module attributes {stable_mosaic.version = 14 : i64} {
  func.func @body(%arg0: i32, %arg1: i32, %arg2: memref<819200xi32, #tpu.memory_space<hbm>>, %arg3: memref<32800xi32, #tpu.memory_space<hbm>>, %arg4: memref<32800xi32, #tpu.memory_space<hbm>>, %arg5: memref<200x8x32x8x128xf32, #tpu.memory_space<hbm>>, %arg6: memref<32800xi32, #tpu.memory_space<vmem>>, %arg7: memref<32800xi32, #tpu.memory_space<vmem>>, %arg8: memref<25600xi32, #tpu.memory_space<vmem>>, %arg9: memref<8x8x128xf32, #tpu.memory_space<vmem>>, %arg10: memref<8x8x128xf32, #tpu.memory_space<vmem>>, %arg11: memref<!tpu.dma_semaphore, #tpu.memory_space<semaphore_mem>>, %arg12: memref<!tpu.dma_semaphore, #tpu.memory_space<semaphore_mem>>) attributes {dimension_semantics = [#tpu.dimension_semantics<core_parallel>, #tpu.dimension_semantics<subcore_parallel>], iteration_bounds = array<i64: 2, 16>, scalar_prefetch = 0 : i64, scratch_operands = 7 : i64, tpu.core_type = #tpu.core_type<sc_vector_subcore>, window_params = [{transform_indices = #map}, {transform_indices = #map}, {transform_indices = #map}, {transform_indices = #map1}]} {
    %mul3A = arith.constant 2 : i32
    %mul3A_0 = arith.muli %arg1, %mul3A : i32
    %add3A = arith.addi %mul3A_0, %arg0 : i32
    %mul3A_1 = arith.constant 200 : i32
    %mul3A_2 = arith.muli %add3A, %mul3A_1 : i32
    "tpu.region"() ({
      %run_scoped3A = tpu.sem_alloc : memref<!tpu.dma_semaphore, #tpu.memory_space<semaphore_mem>>
      tpu.enqueue_dma source(%arg3 : memref<32800xi32, #tpu.memory_space<hbm>>) target(%arg6 : memref<32800xi32, #tpu.memory_space<vmem>>) target_semaphore(%run_scoped3A : memref<!tpu.dma_semaphore, #tpu.memory_space<semaphore_mem>>)
      tpu.wait_dma2 semaphore(%run_scoped3A : memref<!tpu.dma_semaphore, #tpu.memory_space<semaphore_mem>>) src(%arg3 : memref<32800xi32, #tpu.memory_space<hbm>>) dst(%arg6 : memref<32800xi32, #tpu.memory_space<vmem>>)
      tpu.yield
    }) : () -> ()
    "tpu.region"() ({
      %run_scoped3A = tpu.sem_alloc : memref<!tpu.dma_semaphore, #tpu.memory_space<semaphore_mem>>
      tpu.enqueue_dma source(%arg4 : memref<32800xi32, #tpu.memory_space<hbm>>) target(%arg7 : memref<32800xi32, #tpu.memory_space<vmem>>) target_semaphore(%run_scoped3A : memref<!tpu.dma_semaphore, #tpu.memory_space<semaphore_mem>>)
      tpu.wait_dma2 semaphore(%run_scoped3A : memref<!tpu.dma_semaphore, #tpu.memory_space<semaphore_mem>>) src(%arg4 : memref<32800xi32, #tpu.memory_space<hbm>>) dst(%arg7 : memref<32800xi32, #tpu.memory_space<vmem>>)
      tpu.yield
    }) : () -> ()
    %mul3A_3 = arith.constant 128 : i32
    %mul3A_4 = arith.muli %mul3A_2, %mul3A_3 : i32
    "tpu.region"() ({
      %run_scoped3A = tpu.sem_alloc : memref<!tpu.dma_semaphore, #tpu.memory_space<semaphore_mem>>
      %dma_start3A = tpu.memref_slice %arg2[%mul3A_4] : memref<819200xi32, #tpu.memory_space<hbm>> -> memref<25600xi32, #tpu.memory_space<hbm>>
      %dma_start3A_33 = tpu.memref_slice %arg2[%mul3A_4] : memref<819200xi32, #tpu.memory_space<hbm>> -> memref<25600xi32, #tpu.memory_space<hbm>>
      tpu.enqueue_dma source(%dma_start3A_33 : memref<25600xi32, #tpu.memory_space<hbm>>) target(%arg8 : memref<25600xi32, #tpu.memory_space<vmem>>) target_semaphore(%run_scoped3A : memref<!tpu.dma_semaphore, #tpu.memory_space<semaphore_mem>>)
      %dma_wait3A_34 = tpu.memref_slice %arg2[%mul3A_4] : memref<819200xi32, #tpu.memory_space<hbm>> -> memref<25600xi32, #tpu.memory_space<hbm>>
      %dma_wait3A_35 = tpu.memref_slice %arg2[%mul3A_4] : memref<819200xi32, #tpu.memory_space<hbm>> -> memref<25600xi32, #tpu.memory_space<hbm>>
      tpu.wait_dma2 semaphore(%run_scoped3A : memref<!tpu.dma_semaphore, #tpu.memory_space<semaphore_mem>>) src(%dma_wait3A_35 : memref<25600xi32, #tpu.memory_space<hbm>>) dst(%arg8 : memref<25600xi32, #tpu.memory_space<vmem>>)
      tpu.yield
    }) : () -> ()
    %scan3A = arith.constant 0 : i32
    %scan3A_5 = arith.constant 0 : i32
    %scan3A_6 = arith.constant 100 : i32
    %scan3A_7 = arith.addi %scan3A_5, %scan3A_6 : i32
    %scan3A_8 = arith.constant 1 : i32
    scf.for %scan3A_33 = %scan3A_5 to %scan3A_7 step %scan3A_8  : i32 {
      %mul3A_34 = arith.constant 2 : i32
      %mul3A_35 = arith.muli %scan3A_33, %mul3A_34 : i32
      %gt3A = arith.constant 0 : i32
      %gt3A_36 = arith.cmpi sgt, %scan3A_33, %gt3A : i32
      %convert_element_type3A = arith.extui %gt3A_36 : i1 to i32
      %cond3A = arith.constant 0 : i32
      %cond3A_37 = arith.cmpi ne, %convert_element_type3A, %cond3A : i32
      scf.if %cond3A_37 {
        %dma_wait3A_126 = arith.constant 0 : i32
        %dma_wait3A_127 = arith.constant 0 : i32
        %dma_wait3A_128 = arith.constant 0 : i32
        %dma_wait3A_129 = arith.constant 0 : i32
        %dma_wait3A_130 = arith.constant 0 : i32
        %dma_wait3A_131 = tpu.memref_slice %arg5[%dma_wait3A_126, %dma_wait3A_128, %dma_wait3A_127, %dma_wait3A_129, %dma_wait3A_130] : memref<200x8x32x8x128xf32, #tpu.memory_space<hbm>> -> memref<1x8x1x8x128xf32, #tpu.memory_space<hbm>>
        %dma_wait3A_132 = tpu.memref_squeeze %dma_wait3A_131 : memref<1x8x1x8x128xf32, #tpu.memory_space<hbm>> -> memref<8x8x128xf32, #tpu.memory_space<hbm>>
        %dma_wait3A_133 = arith.constant 0 : i32
        %dma_wait3A_134 = arith.constant 0 : i32
        %dma_wait3A_135 = arith.constant 0 : i32
        %dma_wait3A_136 = tpu.memref_slice %arg5[%dma_wait3A_126, %dma_wait3A_133, %dma_wait3A_127, %dma_wait3A_134, %dma_wait3A_135] : memref<200x8x32x8x128xf32, #tpu.memory_space<hbm>> -> memref<1x8x1x8x128xf32, #tpu.memory_space<hbm>>
        %dma_wait3A_137 = tpu.memref_squeeze %dma_wait3A_136 : memref<1x8x1x8x128xf32, #tpu.memory_space<hbm>> -> memref<8x8x128xf32, #tpu.memory_space<hbm>>
        tpu.wait_dma2 semaphore(%arg11 : memref<!tpu.dma_semaphore, #tpu.memory_space<semaphore_mem>>) src(%arg9 : memref<8x8x128xf32, #tpu.memory_space<vmem>>) dst(%dma_wait3A_137 : memref<8x8x128xf32, #tpu.memory_space<hbm>>)
      } else {
      }
      %scan3A_38 = arith.constant 0 : i32
      %scan3A_39 = arith.constant 0 : i32
      %scan3A_40 = arith.constant 8 : i32
      %scan3A_41 = arith.addi %scan3A_39, %scan3A_40 : i32
      %scan3A_42 = arith.constant 1 : i32
      scf.for %scan3A_126 = %scan3A_39 to %scan3A_41 step %scan3A_42  : i32 {
        %mul3A_127 = arith.constant 128 : i32
        %mul3A_128 = arith.muli %mul3A_35, %mul3A_127 : i32
        %mul3A_129 = arith.constant 16 : i32
        %mul3A_130 = arith.muli %scan3A_126, %mul3A_129 : i32
        %add3A_131 = arith.addi %mul3A_128, %mul3A_130 : i32
        %get3A = arith.index_cast %add3A_131 : i32 to index
        %get3A_132 = tpu.vector_load %arg8[%get3A] {strides = array<i32>} : memref<25600xi32, #tpu.memory_space<vmem>>, vector<16xi32>,
        %and3A_133 = arith.constant 65535 : i32
        %and3A_134 = vector.broadcast %and3A_133 : i32 to vector<16xi32>
        %and3A_135 = arith.andi %get3A_132, %and3A_134 : vector<16xi32>
        %shift_right_logical3A = arith.constant 16 : i32
        %shift_right_logical3A_136 = vector.broadcast %shift_right_logical3A : i32 to vector<16xi32>
        %shift_right_logical3A_137 = arith.shrui %get3A_132, %shift_right_logical3A_136 : vector<16xi32>
        %mul3A_138 = arith.constant 16 : i32
        %mul3A_139 = arith.muli %scan3A_126, %mul3A_138 : i32
        %add3A_140 = arith.constant 0 : i32
        %add3A_141 = vector.broadcast %add3A_140 : i32 to vector<16xi32>
        %add3A_142 = arith.addi %and3A_135, %add3A_141 : vector<16xi32>
        %gather3A = tpu.vector_load_idx %arg6[%add3A_142] : memref<32800xi32, #tpu.memory_space<vmem>>[vector<16xi32>], vector<16xi32>,
        %add3A_143 = arith.constant 1025 : i32
        %add3A_144 = vector.broadcast %add3A_143 : i32 to vector<16xi32>
        %add3A_145 = arith.addi %and3A_135, %add3A_144 : vector<16xi32>
        %gather3A_146 = tpu.vector_load_idx %arg6[%add3A_145] : memref<32800xi32, #tpu.memory_space<vmem>>[vector<16xi32>], vector<16xi32>,
        %add3A_147 = arith.constant 2050 : i32
        %add3A_148 = vector.broadcast %add3A_147 : i32 to vector<16xi32>
        %add3A_149 = arith.addi %and3A_135, %add3A_148 : vector<16xi32>
        %gather3A_150 = tpu.vector_load_idx %arg6[%add3A_149] : memref<32800xi32, #tpu.memory_space<vmem>>[vector<16xi32>], vector<16xi32>,
        %add3A_151 = arith.constant 3075 : i32
        %add3A_152 = vector.broadcast %add3A_151 : i32 to vector<16xi32>
        %add3A_153 = arith.addi %and3A_135, %add3A_152 : vector<16xi32>
        %gather3A_154 = tpu.vector_load_idx %arg6[%add3A_153] : memref<32800xi32, #tpu.memory_space<vmem>>[vector<16xi32>], vector<16xi32>,
        %add3A_155 = arith.constant 4100 : i32
        %add3A_156 = vector.broadcast %add3A_155 : i32 to vector<16xi32>
        %add3A_157 = arith.addi %and3A_135, %add3A_156 : vector<16xi32>
        %gather3A_158 = tpu.vector_load_idx %arg6[%add3A_157] : memref<32800xi32, #tpu.memory_space<vmem>>[vector<16xi32>], vector<16xi32>,
        %add3A_159 = arith.constant 5125 : i32
        %add3A_160 = vector.broadcast %add3A_159 : i32 to vector<16xi32>
        %add3A_161 = arith.addi %and3A_135, %add3A_160 : vector<16xi32>
        %gather3A_162 = tpu.vector_load_idx %arg6[%add3A_161] : memref<32800xi32, #tpu.memory_space<vmem>>[vector<16xi32>], vector<16xi32>,
        %add3A_163 = arith.constant 6150 : i32
        %add3A_164 = vector.broadcast %add3A_163 : i32 to vector<16xi32>
        %add3A_165 = arith.addi %and3A_135, %add3A_164 : vector<16xi32>
        %gather3A_166 = tpu.vector_load_idx %arg6[%add3A_165] : memref<32800xi32, #tpu.memory_space<vmem>>[vector<16xi32>], vector<16xi32>,
        %add3A_167 = arith.constant 7175 : i32
        %add3A_168 = vector.broadcast %add3A_167 : i32 to vector<16xi32>
        %add3A_169 = arith.addi %and3A_135, %add3A_168 : vector<16xi32>
        %gather3A_170 = tpu.vector_load_idx %arg6[%add3A_169] : memref<32800xi32, #tpu.memory_space<vmem>>[vector<16xi32>], vector<16xi32>,
        %add3A_171 = arith.constant 8200 : i32
        %add3A_172 = vector.broadcast %add3A_171 : i32 to vector<16xi32>
        %add3A_173 = arith.addi %and3A_135, %add3A_172 : vector<16xi32>
        %gather3A_174 = tpu.vector_load_idx %arg6[%add3A_173] : memref<32800xi32, #tpu.memory_space<vmem>>[vector<16xi32>], vector<16xi32>,
        %add3A_175 = arith.constant 9225 : i32
        %add3A_176 = vector.broadcast %add3A_175 : i32 to vector<16xi32>
        %add3A_177 = arith.addi %and3A_135, %add3A_176 : vector<16xi32>
        %gather3A_178 = tpu.vector_load_idx %arg6[%add3A_177] : memref<32800xi32, #tpu.memory_space<vmem>>[vector<16xi32>], vector<16xi32>,
        %add3A_179 = arith.constant 10250 : i32
        %add3A_180 = vector.broadcast %add3A_179 : i32 to vector<16xi32>
        %add3A_181 = arith.addi %and3A_135, %add3A_180 : vector<16xi32>
        %gather3A_182 = tpu.vector_load_idx %arg6[%add3A_181] : memref<32800xi32, #tpu.memory_space<vmem>>[vector<16xi32>], vector<16xi32>,
        %add3A_183 = arith.constant 11275 : i32
        %add3A_184 = vector.broadcast %add3A_183 : i32 to vector<16xi32>
        %add3A_185 = arith.addi %and3A_135, %add3A_184 : vector<16xi32>
        %gather3A_186 = tpu.vector_load_idx %arg6[%add3A_185] : memref<32800xi32, #tpu.memory_space<vmem>>[vector<16xi32>], vector<16xi32>,
        %add3A_187 = arith.constant 12300 : i32
        %add3A_188 = vector.broadcast %add3A_187 : i32 to vector<16xi32>
        %add3A_189 = arith.addi %and3A_135, %add3A_188 : vector<16xi32>
        %gather3A_190 = tpu.vector_load_idx %arg6[%add3A_189] : memref<32800xi32, #tpu.memory_space<vmem>>[vector<16xi32>], vector<16xi32>,
        %add3A_191 = arith.constant 13325 : i32
        %add3A_192 = vector.broadcast %add3A_191 : i32 to vector<16xi32>
        %add3A_193 = arith.addi %and3A_135, %add3A_192 : vector<16xi32>
        %gather3A_194 = tpu.vector_load_idx %arg6[%add3A_193] : memref<32800xi32, #tpu.memory_space<vmem>>[vector<16xi32>], vector<16xi32>,
        %add3A_195 = arith.constant 14350 : i32
        %add3A_196 = vector.broadcast %add3A_195 : i32 to vector<16xi32>
        %add3A_197 = arith.addi %and3A_135, %add3A_196 : vector<16xi32>
        %gather3A_198 = tpu.vector_load_idx %arg6[%add3A_197] : memref<32800xi32, #tpu.memory_space<vmem>>[vector<16xi32>], vector<16xi32>,
        %add3A_199 = arith.constant 15375 : i32
        %add3A_200 = vector.broadcast %add3A_199 : i32 to vector<16xi32>
        %add3A_201 = arith.addi %and3A_135, %add3A_200 : vector<16xi32>
        %gather3A_202 = tpu.vector_load_idx %arg6[%add3A_201] : memref<32800xi32, #tpu.memory_space<vmem>>[vector<16xi32>], vector<16xi32>,
        %add3A_203 = arith.constant 0 : i32
        %add3A_204 = vector.broadcast %add3A_203 : i32 to vector<16xi32>
        %add3A_205 = arith.addi %shift_right_logical3A_137, %add3A_204 : vector<16xi32>
        %gather3A_206 = tpu.vector_load_idx %arg7[%add3A_205] : memref<32800xi32, #tpu.memory_space<vmem>>[vector<16xi32>], vector<16xi32>,
        %add3A_207 = arith.constant 1025 : i32
        %add3A_208 = vector.broadcast %add3A_207 : i32 to vector<16xi32>
        %add3A_209 = arith.addi %shift_right_logical3A_137, %add3A_208 : vector<16xi32>
        %gather3A_210 = tpu.vector_load_idx %arg7[%add3A_209] : memref<32800xi32, #tpu.memory_space<vmem>>[vector<16xi32>], vector<16xi32>,
        %add3A_211 = arith.constant 2050 : i32
        %add3A_212 = vector.broadcast %add3A_211 : i32 to vector<16xi32>
        %add3A_213 = arith.addi %shift_right_logical3A_137, %add3A_212 : vector<16xi32>
        %gather3A_214 = tpu.vector_load_idx %arg7[%add3A_213] : memref<32800xi32, #tpu.memory_space<vmem>>[vector<16xi32>], vector<16xi32>,
        %add3A_215 = arith.constant 3075 : i32
        %add3A_216 = vector.broadcast %add3A_215 : i32 to vector<16xi32>
        %add3A_217 = arith.addi %shift_right_logical3A_137, %add3A_216 : vector<16xi32>
        %gather3A_218 = tpu.vector_load_idx %arg7[%add3A_217] : memref<32800xi32, #tpu.memory_space<vmem>>[vector<16xi32>], vector<16xi32>,
        %add3A_219 = arith.constant 4100 : i32
        %add3A_220 = vector.broadcast %add3A_219 : i32 to vector<16xi32>
        %add3A_221 = arith.addi %shift_right_logical3A_137, %add3A_220 : vector<16xi32>
        %gather3A_222 = tpu.vector_load_idx %arg7[%add3A_221] : memref<32800xi32, #tpu.memory_space<vmem>>[vector<16xi32>], vector<16xi32>,
        %add3A_223 = arith.constant 5125 : i32
        %add3A_224 = vector.broadcast %add3A_223 : i32 to vector<16xi32>
        %add3A_225 = arith.addi %shift_right_logical3A_137, %add3A_224 : vector<16xi32>
        %gather3A_226 = tpu.vector_load_idx %arg7[%add3A_225] : memref<32800xi32, #tpu.memory_space<vmem>>[vector<16xi32>], vector<16xi32>,
        %add3A_227 = arith.constant 6150 : i32
        %add3A_228 = vector.broadcast %add3A_227 : i32 to vector<16xi32>
        %add3A_229 = arith.addi %shift_right_logical3A_137, %add3A_228 : vector<16xi32>
        %gather3A_230 = tpu.vector_load_idx %arg7[%add3A_229] : memref<32800xi32, #tpu.memory_space<vmem>>[vector<16xi32>], vector<16xi32>,
        %add3A_231 = arith.constant 7175 : i32
        %add3A_232 = vector.broadcast %add3A_231 : i32 to vector<16xi32>
        %add3A_233 = arith.addi %shift_right_logical3A_137, %add3A_232 : vector<16xi32>
        %gather3A_234 = tpu.vector_load_idx %arg7[%add3A_233] : memref<32800xi32, #tpu.memory_space<vmem>>[vector<16xi32>], vector<16xi32>,
        %add3A_235 = arith.constant 8200 : i32
        %add3A_236 = vector.broadcast %add3A_235 : i32 to vector<16xi32>
        %add3A_237 = arith.addi %shift_right_logical3A_137, %add3A_236 : vector<16xi32>
        %gather3A_238 = tpu.vector_load_idx %arg7[%add3A_237] : memref<32800xi32, #tpu.memory_space<vmem>>[vector<16xi32>], vector<16xi32>,
        %add3A_239 = arith.constant 9225 : i32
        %add3A_240 = vector.broadcast %add3A_239 : i32 to vector<16xi32>
        %add3A_241 = arith.addi %shift_right_logical3A_137, %add3A_240 : vector<16xi32>
        %gather3A_242 = tpu.vector_load_idx %arg7[%add3A_241] : memref<32800xi32, #tpu.memory_space<vmem>>[vector<16xi32>], vector<16xi32>,
        %add3A_243 = arith.constant 10250 : i32
        %add3A_244 = vector.broadcast %add3A_243 : i32 to vector<16xi32>
        %add3A_245 = arith.addi %shift_right_logical3A_137, %add3A_244 : vector<16xi32>
        %gather3A_246 = tpu.vector_load_idx %arg7[%add3A_245] : memref<32800xi32, #tpu.memory_space<vmem>>[vector<16xi32>], vector<16xi32>,
        %add3A_247 = arith.constant 11275 : i32
        %add3A_248 = vector.broadcast %add3A_247 : i32 to vector<16xi32>
        %add3A_249 = arith.addi %shift_right_logical3A_137, %add3A_248 : vector<16xi32>
        %gather3A_250 = tpu.vector_load_idx %arg7[%add3A_249] : memref<32800xi32, #tpu.memory_space<vmem>>[vector<16xi32>], vector<16xi32>,
        %add3A_251 = arith.constant 12300 : i32
        %add3A_252 = vector.broadcast %add3A_251 : i32 to vector<16xi32>
        %add3A_253 = arith.addi %shift_right_logical3A_137, %add3A_252 : vector<16xi32>
        %gather3A_254 = tpu.vector_load_idx %arg7[%add3A_253] : memref<32800xi32, #tpu.memory_space<vmem>>[vector<16xi32>], vector<16xi32>,
        %add3A_255 = arith.constant 13325 : i32
        %add3A_256 = vector.broadcast %add3A_255 : i32 to vector<16xi32>
        %add3A_257 = arith.addi %shift_right_logical3A_137, %add3A_256 : vector<16xi32>
        %gather3A_258 = tpu.vector_load_idx %arg7[%add3A_257] : memref<32800xi32, #tpu.memory_space<vmem>>[vector<16xi32>], vector<16xi32>,
        %add3A_259 = arith.constant 14350 : i32
        %add3A_260 = vector.broadcast %add3A_259 : i32 to vector<16xi32>
        %add3A_261 = arith.addi %shift_right_logical3A_137, %add3A_260 : vector<16xi32>
        %gather3A_262 = tpu.vector_load_idx %arg7[%add3A_261] : memref<32800xi32, #tpu.memory_space<vmem>>[vector<16xi32>], vector<16xi32>,
        %add3A_263 = arith.constant 15375 : i32
        %add3A_264 = vector.broadcast %add3A_263 : i32 to vector<16xi32>
        %add3A_265 = arith.addi %shift_right_logical3A_137, %add3A_264 : vector<16xi32>
        %gather3A_266 = tpu.vector_load_idx %arg7[%add3A_265] : memref<32800xi32, #tpu.memory_space<vmem>>[vector<16xi32>], vector<16xi32>,
        %shift_left3A = arith.constant 16 : i32
        %shift_left3A_267 = vector.broadcast %shift_left3A : i32 to vector<16xi32>
        %shift_left3A_268 = arith.shli %gather3A, %shift_left3A_267 : vector<16xi32>
        %bitcast_convert_type3A = tpu.bitcast %shift_left3A_268 : vector<16xi32> -> vector<16xf32>
        %shift_left3A_269 = arith.constant 16 : i32
        %shift_left3A_270 = vector.broadcast %shift_left3A_269 : i32 to vector<16xi32>
        %shift_left3A_271 = arith.shli %gather3A_206, %shift_left3A_270 : vector<16xi32>
        %bitcast_convert_type3A_272 = tpu.bitcast %shift_left3A_271 : vector<16xi32> -> vector<16xf32>
        %add3A_273 = arith.addf %bitcast_convert_type3A, %bitcast_convert_type3A_272 : vector<16xf32>
        %and3A_274 = arith.constant -65536 : i32
        %and3A_275 = vector.broadcast %and3A_274 : i32 to vector<16xi32>
        %and3A_276 = arith.andi %gather3A, %and3A_275 : vector<16xi32>
        %bitcast_convert_type3A_277 = tpu.bitcast %and3A_276 : vector<16xi32> -> vector<16xf32>
        %and3A_278 = arith.constant -65536 : i32
        %and3A_279 = vector.broadcast %and3A_278 : i32 to vector<16xi32>
        %and3A_280 = arith.andi %gather3A_206, %and3A_279 : vector<16xi32>
        %bitcast_convert_type3A_281 = tpu.bitcast %and3A_280 : vector<16xi32> -> vector<16xf32>
        %add3A_282 = arith.addf %bitcast_convert_type3A_277, %bitcast_convert_type3A_281 : vector<16xf32>
        %shift_left3A_283 = arith.constant 16 : i32
        %shift_left3A_284 = vector.broadcast %shift_left3A_283 : i32 to vector<16xi32>
        %shift_left3A_285 = arith.shli %gather3A_146, %shift_left3A_284 : vector<16xi32>
        %bitcast_convert_type3A_286 = tpu.bitcast %shift_left3A_285 : vector<16xi32> -> vector<16xf32>
        %shift_left3A_287 = arith.constant 16 : i32
        %shift_left3A_288 = vector.broadcast %shift_left3A_287 : i32 to vector<16xi32>
        %shift_left3A_289 = arith.shli %gather3A_210, %shift_left3A_288 : vector<16xi32>
        %bitcast_convert_type3A_290 = tpu.bitcast %shift_left3A_289 : vector<16xi32> -> vector<16xf32>
        %add3A_291 = arith.addf %bitcast_convert_type3A_286, %bitcast_convert_type3A_290 : vector<16xf32>
        %and3A_292 = arith.constant -65536 : i32
        %and3A_293 = vector.broadcast %and3A_292 : i32 to vector<16xi32>
        %and3A_294 = arith.andi %gather3A_146, %and3A_293 : vector<16xi32>
        %bitcast_convert_type3A_295 = tpu.bitcast %and3A_294 : vector<16xi32> -> vector<16xf32>
        %and3A_296 = arith.constant -65536 : i32
        %and3A_297 = vector.broadcast %and3A_296 : i32 to vector<16xi32>
        %and3A_298 = arith.andi %gather3A_210, %and3A_297 : vector<16xi32>
        %bitcast_convert_type3A_299 = tpu.bitcast %and3A_298 : vector<16xi32> -> vector<16xf32>
        %add3A_300 = arith.addf %bitcast_convert_type3A_295, %bitcast_convert_type3A_299 : vector<16xf32>
        %shift_left3A_301 = arith.constant 16 : i32
        %shift_left3A_302 = vector.broadcast %shift_left3A_301 : i32 to vector<16xi32>
        %shift_left3A_303 = arith.shli %gather3A_150, %shift_left3A_302 : vector<16xi32>
        %bitcast_convert_type3A_304 = tpu.bitcast %shift_left3A_303 : vector<16xi32> -> vector<16xf32>
        %shift_left3A_305 = arith.constant 16 : i32
        %shift_left3A_306 = vector.broadcast %shift_left3A_305 : i32 to vector<16xi32>
        %shift_left3A_307 = arith.shli %gather3A_214, %shift_left3A_306 : vector<16xi32>
        %bitcast_convert_type3A_308 = tpu.bitcast %shift_left3A_307 : vector<16xi32> -> vector<16xf32>
        %add3A_309 = arith.addf %bitcast_convert_type3A_304, %bitcast_convert_type3A_308 : vector<16xf32>
        %and3A_310 = arith.constant -65536 : i32
        %and3A_311 = vector.broadcast %and3A_310 : i32 to vector<16xi32>
        %and3A_312 = arith.andi %gather3A_150, %and3A_311 : vector<16xi32>
        %bitcast_convert_type3A_313 = tpu.bitcast %and3A_312 : vector<16xi32> -> vector<16xf32>
        %and3A_314 = arith.constant -65536 : i32
        %and3A_315 = vector.broadcast %and3A_314 : i32 to vector<16xi32>
        %and3A_316 = arith.andi %gather3A_214, %and3A_315 : vector<16xi32>
        %bitcast_convert_type3A_317 = tpu.bitcast %and3A_316 : vector<16xi32> -> vector<16xf32>
        %add3A_318 = arith.addf %bitcast_convert_type3A_313, %bitcast_convert_type3A_317 : vector<16xf32>
        %shift_left3A_319 = arith.constant 16 : i32
        %shift_left3A_320 = vector.broadcast %shift_left3A_319 : i32 to vector<16xi32>
        %shift_left3A_321 = arith.shli %gather3A_154, %shift_left3A_320 : vector<16xi32>
        %bitcast_convert_type3A_322 = tpu.bitcast %shift_left3A_321 : vector<16xi32> -> vector<16xf32>
        %shift_left3A_323 = arith.constant 16 : i32
        %shift_left3A_324 = vector.broadcast %shift_left3A_323 : i32 to vector<16xi32>
        %shift_left3A_325 = arith.shli %gather3A_218, %shift_left3A_324 : vector<16xi32>
        %bitcast_convert_type3A_326 = tpu.bitcast %shift_left3A_325 : vector<16xi32> -> vector<16xf32>
        %add3A_327 = arith.addf %bitcast_convert_type3A_322, %bitcast_convert_type3A_326 : vector<16xf32>
        %and3A_328 = arith.constant -65536 : i32
        %and3A_329 = vector.broadcast %and3A_328 : i32 to vector<16xi32>
        %and3A_330 = arith.andi %gather3A_154, %and3A_329 : vector<16xi32>
        %bitcast_convert_type3A_331 = tpu.bitcast %and3A_330 : vector<16xi32> -> vector<16xf32>
        %and3A_332 = arith.constant -65536 : i32
        %and3A_333 = vector.broadcast %and3A_332 : i32 to vector<16xi32>
        %and3A_334 = arith.andi %gather3A_218, %and3A_333 : vector<16xi32>
        %bitcast_convert_type3A_335 = tpu.bitcast %and3A_334 : vector<16xi32> -> vector<16xf32>
        %add3A_336 = arith.addf %bitcast_convert_type3A_331, %bitcast_convert_type3A_335 : vector<16xf32>
        %shift_left3A_337 = arith.constant 16 : i32
        %shift_left3A_338 = vector.broadcast %shift_left3A_337 : i32 to vector<16xi32>
        %shift_left3A_339 = arith.shli %gather3A_158, %shift_left3A_338 : vector<16xi32>
        %bitcast_convert_type3A_340 = tpu.bitcast %shift_left3A_339 : vector<16xi32> -> vector<16xf32>
        %shift_left3A_341 = arith.constant 16 : i32
        %shift_left3A_342 = vector.broadcast %shift_left3A_341 : i32 to vector<16xi32>
        %shift_left3A_343 = arith.shli %gather3A_222, %shift_left3A_342 : vector<16xi32>
        %bitcast_convert_type3A_344 = tpu.bitcast %shift_left3A_343 : vector<16xi32> -> vector<16xf32>
        %add3A_345 = arith.addf %bitcast_convert_type3A_340, %bitcast_convert_type3A_344 : vector<16xf32>
        %and3A_346 = arith.constant -65536 : i32
        %and3A_347 = vector.broadcast %and3A_346 : i32 to vector<16xi32>
        %and3A_348 = arith.andi %gather3A_158, %and3A_347 : vector<16xi32>
        %bitcast_convert_type3A_349 = tpu.bitcast %and3A_348 : vector<16xi32> -> vector<16xf32>
        %and3A_350 = arith.constant -65536 : i32
        %and3A_351 = vector.broadcast %and3A_350 : i32 to vector<16xi32>
        %and3A_352 = arith.andi %gather3A_222, %and3A_351 : vector<16xi32>
        %bitcast_convert_type3A_353 = tpu.bitcast %and3A_352 : vector<16xi32> -> vector<16xf32>
        %add3A_354 = arith.addf %bitcast_convert_type3A_349, %bitcast_convert_type3A_353 : vector<16xf32>
        %shift_left3A_355 = arith.constant 16 : i32
        %shift_left3A_356 = vector.broadcast %shift_left3A_355 : i32 to vector<16xi32>
        %shift_left3A_357 = arith.shli %gather3A_162, %shift_left3A_356 : vector<16xi32>
        %bitcast_convert_type3A_358 = tpu.bitcast %shift_left3A_357 : vector<16xi32> -> vector<16xf32>
        %shift_left3A_359 = arith.constant 16 : i32
        %shift_left3A_360 = vector.broadcast %shift_left3A_359 : i32 to vector<16xi32>
        %shift_left3A_361 = arith.shli %gather3A_226, %shift_left3A_360 : vector<16xi32>
        %bitcast_convert_type3A_362 = tpu.bitcast %shift_left3A_361 : vector<16xi32> -> vector<16xf32>
        %add3A_363 = arith.addf %bitcast_convert_type3A_358, %bitcast_convert_type3A_362 : vector<16xf32>
        %and3A_364 = arith.constant -65536 : i32
        %and3A_365 = vector.broadcast %and3A_364 : i32 to vector<16xi32>
        %and3A_366 = arith.andi %gather3A_162, %and3A_365 : vector<16xi32>
        %bitcast_convert_type3A_367 = tpu.bitcast %and3A_366 : vector<16xi32> -> vector<16xf32>
        %and3A_368 = arith.constant -65536 : i32
        %and3A_369 = vector.broadcast %and3A_368 : i32 to vector<16xi32>
        %and3A_370 = arith.andi %gather3A_226, %and3A_369 : vector<16xi32>
        %bitcast_convert_type3A_371 = tpu.bitcast %and3A_370 : vector<16xi32> -> vector<16xf32>
        %add3A_372 = arith.addf %bitcast_convert_type3A_367, %bitcast_convert_type3A_371 : vector<16xf32>
        %shift_left3A_373 = arith.constant 16 : i32
        %shift_left3A_374 = vector.broadcast %shift_left3A_373 : i32 to vector<16xi32>
        %shift_left3A_375 = arith.shli %gather3A_166, %shift_left3A_374 : vector<16xi32>
        %bitcast_convert_type3A_376 = tpu.bitcast %shift_left3A_375 : vector<16xi32> -> vector<16xf32>
        %shift_left3A_377 = arith.constant 16 : i32
        %shift_left3A_378 = vector.broadcast %shift_left3A_377 : i32 to vector<16xi32>
        %shift_left3A_379 = arith.shli %gather3A_230, %shift_left3A_378 : vector<16xi32>
        %bitcast_convert_type3A_380 = tpu.bitcast %shift_left3A_379 : vector<16xi32> -> vector<16xf32>
        %add3A_381 = arith.addf %bitcast_convert_type3A_376, %bitcast_convert_type3A_380 : vector<16xf32>
        %and3A_382 = arith.constant -65536 : i32
        %and3A_383 = vector.broadcast %and3A_382 : i32 to vector<16xi32>
        %and3A_384 = arith.andi %gather3A_166, %and3A_383 : vector<16xi32>
        %bitcast_convert_type3A_385 = tpu.bitcast %and3A_384 : vector<16xi32> -> vector<16xf32>
        %and3A_386 = arith.constant -65536 : i32
        %and3A_387 = vector.broadcast %and3A_386 : i32 to vector<16xi32>
        %and3A_388 = arith.andi %gather3A_230, %and3A_387 : vector<16xi32>
        %bitcast_convert_type3A_389 = tpu.bitcast %and3A_388 : vector<16xi32> -> vector<16xf32>
        %add3A_390 = arith.addf %bitcast_convert_type3A_385, %bitcast_convert_type3A_389 : vector<16xf32>
        %shift_left3A_391 = arith.constant 16 : i32
        %shift_left3A_392 = vector.broadcast %shift_left3A_391 : i32 to vector<16xi32>
        %shift_left3A_393 = arith.shli %gather3A_170, %shift_left3A_392 : vector<16xi32>
        %bitcast_convert_type3A_394 = tpu.bitcast %shift_left3A_393 : vector<16xi32> -> vector<16xf32>
        %shift_left3A_395 = arith.constant 16 : i32
        %shift_left3A_396 = vector.broadcast %shift_left3A_395 : i32 to vector<16xi32>
        %shift_left3A_397 = arith.shli %gather3A_234, %shift_left3A_396 : vector<16xi32>
        %bitcast_convert_type3A_398 = tpu.bitcast %shift_left3A_397 : vector<16xi32> -> vector<16xf32>
        %add3A_399 = arith.addf %bitcast_convert_type3A_394, %bitcast_convert_type3A_398 : vector<16xf32>
        %and3A_400 = arith.constant -65536 : i32
        %and3A_401 = vector.broadcast %and3A_400 : i32 to vector<16xi32>
        %and3A_402 = arith.andi %gather3A_170, %and3A_401 : vector<16xi32>
        %bitcast_convert_type3A_403 = tpu.bitcast %and3A_402 : vector<16xi32> -> vector<16xf32>
        %and3A_404 = arith.constant -65536 : i32
        %and3A_405 = vector.broadcast %and3A_404 : i32 to vector<16xi32>
        %and3A_406 = arith.andi %gather3A_234, %and3A_405 : vector<16xi32>
        %bitcast_convert_type3A_407 = tpu.bitcast %and3A_406 : vector<16xi32> -> vector<16xf32>
        %add3A_408 = arith.addf %bitcast_convert_type3A_403, %bitcast_convert_type3A_407 : vector<16xf32>
        %shift_left3A_409 = arith.constant 16 : i32
        %shift_left3A_410 = vector.broadcast %shift_left3A_409 : i32 to vector<16xi32>
        %shift_left3A_411 = arith.shli %gather3A_174, %shift_left3A_410 : vector<16xi32>
        %bitcast_convert_type3A_412 = tpu.bitcast %shift_left3A_411 : vector<16xi32> -> vector<16xf32>
        %shift_left3A_413 = arith.constant 16 : i32
        %shift_left3A_414 = vector.broadcast %shift_left3A_413 : i32 to vector<16xi32>
        %shift_left3A_415 = arith.shli %gather3A_238, %shift_left3A_414 : vector<16xi32>
        %bitcast_convert_type3A_416 = tpu.bitcast %shift_left3A_415 : vector<16xi32> -> vector<16xf32>
        %add3A_417 = arith.addf %bitcast_convert_type3A_412, %bitcast_convert_type3A_416 : vector<16xf32>
        %and3A_418 = arith.constant -65536 : i32
        %and3A_419 = vector.broadcast %and3A_418 : i32 to vector<16xi32>
        %and3A_420 = arith.andi %gather3A_174, %and3A_419 : vector<16xi32>
        %bitcast_convert_type3A_421 = tpu.bitcast %and3A_420 : vector<16xi32> -> vector<16xf32>
        %and3A_422 = arith.constant -65536 : i32
        %and3A_423 = vector.broadcast %and3A_422 : i32 to vector<16xi32>
        %and3A_424 = arith.andi %gather3A_238, %and3A_423 : vector<16xi32>
        %bitcast_convert_type3A_425 = tpu.bitcast %and3A_424 : vector<16xi32> -> vector<16xf32>
        %add3A_426 = arith.addf %bitcast_convert_type3A_421, %bitcast_convert_type3A_425 : vector<16xf32>
        %shift_left3A_427 = arith.constant 16 : i32
        %shift_left3A_428 = vector.broadcast %shift_left3A_427 : i32 to vector<16xi32>
        %shift_left3A_429 = arith.shli %gather3A_178, %shift_left3A_428 : vector<16xi32>
        %bitcast_convert_type3A_430 = tpu.bitcast %shift_left3A_429 : vector<16xi32> -> vector<16xf32>
        %shift_left3A_431 = arith.constant 16 : i32
        %shift_left3A_432 = vector.broadcast %shift_left3A_431 : i32 to vector<16xi32>
        %shift_left3A_433 = arith.shli %gather3A_242, %shift_left3A_432 : vector<16xi32>
        %bitcast_convert_type3A_434 = tpu.bitcast %shift_left3A_433 : vector<16xi32> -> vector<16xf32>
        %add3A_435 = arith.addf %bitcast_convert_type3A_430, %bitcast_convert_type3A_434 : vector<16xf32>
        %and3A_436 = arith.constant -65536 : i32
        %and3A_437 = vector.broadcast %and3A_436 : i32 to vector<16xi32>
        %and3A_438 = arith.andi %gather3A_178, %and3A_437 : vector<16xi32>
        %bitcast_convert_type3A_439 = tpu.bitcast %and3A_438 : vector<16xi32> -> vector<16xf32>
        %and3A_440 = arith.constant -65536 : i32
        %and3A_441 = vector.broadcast %and3A_440 : i32 to vector<16xi32>
        %and3A_442 = arith.andi %gather3A_242, %and3A_441 : vector<16xi32>
        %bitcast_convert_type3A_443 = tpu.bitcast %and3A_442 : vector<16xi32> -> vector<16xf32>
        %add3A_444 = arith.addf %bitcast_convert_type3A_439, %bitcast_convert_type3A_443 : vector<16xf32>
        %shift_left3A_445 = arith.constant 16 : i32
        %shift_left3A_446 = vector.broadcast %shift_left3A_445 : i32 to vector<16xi32>
        %shift_left3A_447 = arith.shli %gather3A_182, %shift_left3A_446 : vector<16xi32>
        %bitcast_convert_type3A_448 = tpu.bitcast %shift_left3A_447 : vector<16xi32> -> vector<16xf32>
        %shift_left3A_449 = arith.constant 16 : i32
        %shift_left3A_450 = vector.broadcast %shift_left3A_449 : i32 to vector<16xi32>
        %shift_left3A_451 = arith.shli %gather3A_246, %shift_left3A_450 : vector<16xi32>
        %bitcast_convert_type3A_452 = tpu.bitcast %shift_left3A_451 : vector<16xi32> -> vector<16xf32>
        %add3A_453 = arith.addf %bitcast_convert_type3A_448, %bitcast_convert_type3A_452 : vector<16xf32>
        %and3A_454 = arith.constant -65536 : i32
        %and3A_455 = vector.broadcast %and3A_454 : i32 to vector<16xi32>
        %and3A_456 = arith.andi %gather3A_182, %and3A_455 : vector<16xi32>
        %bitcast_convert_type3A_457 = tpu.bitcast %and3A_456 : vector<16xi32> -> vector<16xf32>
        %and3A_458 = arith.constant -65536 : i32
        %and3A_459 = vector.broadcast %and3A_458 : i32 to vector<16xi32>
        %and3A_460 = arith.andi %gather3A_246, %and3A_459 : vector<16xi32>
        %bitcast_convert_type3A_461 = tpu.bitcast %and3A_460 : vector<16xi32> -> vector<16xf32>
        %add3A_462 = arith.addf %bitcast_convert_type3A_457, %bitcast_convert_type3A_461 : vector<16xf32>
        %shift_left3A_463 = arith.constant 16 : i32
        %shift_left3A_464 = vector.broadcast %shift_left3A_463 : i32 to vector<16xi32>
        %shift_left3A_465 = arith.shli %gather3A_186, %shift_left3A_464 : vector<16xi32>
        %bitcast_convert_type3A_466 = tpu.bitcast %shift_left3A_465 : vector<16xi32> -> vector<16xf32>
        %shift_left3A_467 = arith.constant 16 : i32
        %shift_left3A_468 = vector.broadcast %shift_left3A_467 : i32 to vector<16xi32>
        %shift_left3A_469 = arith.shli %gather3A_250, %shift_left3A_468 : vector<16xi32>
        %bitcast_convert_type3A_470 = tpu.bitcast %shift_left3A_469 : vector<16xi32> -> vector<16xf32>
        %add3A_471 = arith.addf %bitcast_convert_type3A_466, %bitcast_convert_type3A_470 : vector<16xf32>
        %and3A_472 = arith.constant -65536 : i32
        %and3A_473 = vector.broadcast %and3A_472 : i32 to vector<16xi32>
        %and3A_474 = arith.andi %gather3A_186, %and3A_473 : vector<16xi32>
        %bitcast_convert_type3A_475 = tpu.bitcast %and3A_474 : vector<16xi32> -> vector<16xf32>
        %and3A_476 = arith.constant -65536 : i32
        %and3A_477 = vector.broadcast %and3A_476 : i32 to vector<16xi32>
        %and3A_478 = arith.andi %gather3A_250, %and3A_477 : vector<16xi32>
        %bitcast_convert_type3A_479 = tpu.bitcast %and3A_478 : vector<16xi32> -> vector<16xf32>
        %add3A_480 = arith.addf %bitcast_convert_type3A_475, %bitcast_convert_type3A_479 : vector<16xf32>
        %shift_left3A_481 = arith.constant 16 : i32
        %shift_left3A_482 = vector.broadcast %shift_left3A_481 : i32 to vector<16xi32>
        %shift_left3A_483 = arith.shli %gather3A_190, %shift_left3A_482 : vector<16xi32>
        %bitcast_convert_type3A_484 = tpu.bitcast %shift_left3A_483 : vector<16xi32> -> vector<16xf32>
        %shift_left3A_485 = arith.constant 16 : i32
        %shift_left3A_486 = vector.broadcast %shift_left3A_485 : i32 to vector<16xi32>
        %shift_left3A_487 = arith.shli %gather3A_254, %shift_left3A_486 : vector<16xi32>
        %bitcast_convert_type3A_488 = tpu.bitcast %shift_left3A_487 : vector<16xi32> -> vector<16xf32>
        %add3A_489 = arith.addf %bitcast_convert_type3A_484, %bitcast_convert_type3A_488 : vector<16xf32>
        %and3A_490 = arith.constant -65536 : i32
        %and3A_491 = vector.broadcast %and3A_490 : i32 to vector<16xi32>
        %and3A_492 = arith.andi %gather3A_190, %and3A_491 : vector<16xi32>
        %bitcast_convert_type3A_493 = tpu.bitcast %and3A_492 : vector<16xi32> -> vector<16xf32>
        %and3A_494 = arith.constant -65536 : i32
        %and3A_495 = vector.broadcast %and3A_494 : i32 to vector<16xi32>
        %and3A_496 = arith.andi %gather3A_254, %and3A_495 : vector<16xi32>
        %bitcast_convert_type3A_497 = tpu.bitcast %and3A_496 : vector<16xi32> -> vector<16xf32>
        %add3A_498 = arith.addf %bitcast_convert_type3A_493, %bitcast_convert_type3A_497 : vector<16xf32>
        %shift_left3A_499 = arith.constant 16 : i32
        %shift_left3A_500 = vector.broadcast %shift_left3A_499 : i32 to vector<16xi32>
        %shift_left3A_501 = arith.shli %gather3A_194, %shift_left3A_500 : vector<16xi32>
        %bitcast_convert_type3A_502 = tpu.bitcast %shift_left3A_501 : vector<16xi32> -> vector<16xf32>
        %shift_left3A_503 = arith.constant 16 : i32
        %shift_left3A_504 = vector.broadcast %shift_left3A_503 : i32 to vector<16xi32>
        %shift_left3A_505 = arith.shli %gather3A_258, %shift_left3A_504 : vector<16xi32>
        %bitcast_convert_type3A_506 = tpu.bitcast %shift_left3A_505 : vector<16xi32> -> vector<16xf32>
        %add3A_507 = arith.addf %bitcast_convert_type3A_502, %bitcast_convert_type3A_506 : vector<16xf32>
        %and3A_508 = arith.constant -65536 : i32
        %and3A_509 = vector.broadcast %and3A_508 : i32 to vector<16xi32>
        %and3A_510 = arith.andi %gather3A_194, %and3A_509 : vector<16xi32>
        %bitcast_convert_type3A_511 = tpu.bitcast %and3A_510 : vector<16xi32> -> vector<16xf32>
        %and3A_512 = arith.constant -65536 : i32
        %and3A_513 = vector.broadcast %and3A_512 : i32 to vector<16xi32>
        %and3A_514 = arith.andi %gather3A_258, %and3A_513 : vector<16xi32>
        %bitcast_convert_type3A_515 = tpu.bitcast %and3A_514 : vector<16xi32> -> vector<16xf32>
        %add3A_516 = arith.addf %bitcast_convert_type3A_511, %bitcast_convert_type3A_515 : vector<16xf32>
        %shift_left3A_517 = arith.constant 16 : i32
        %shift_left3A_518 = vector.broadcast %shift_left3A_517 : i32 to vector<16xi32>
        %shift_left3A_519 = arith.shli %gather3A_198, %shift_left3A_518 : vector<16xi32>
        %bitcast_convert_type3A_520 = tpu.bitcast %shift_left3A_519 : vector<16xi32> -> vector<16xf32>
        %shift_left3A_521 = arith.constant 16 : i32
        %shift_left3A_522 = vector.broadcast %shift_left3A_521 : i32 to vector<16xi32>
        %shift_left3A_523 = arith.shli %gather3A_262, %shift_left3A_522 : vector<16xi32>
        %bitcast_convert_type3A_524 = tpu.bitcast %shift_left3A_523 : vector<16xi32> -> vector<16xf32>
        %add3A_525 = arith.addf %bitcast_convert_type3A_520, %bitcast_convert_type3A_524 : vector<16xf32>
        %and3A_526 = arith.constant -65536 : i32
        %and3A_527 = vector.broadcast %and3A_526 : i32 to vector<16xi32>
        %and3A_528 = arith.andi %gather3A_198, %and3A_527 : vector<16xi32>
        %bitcast_convert_type3A_529 = tpu.bitcast %and3A_528 : vector<16xi32> -> vector<16xf32>
        %and3A_530 = arith.constant -65536 : i32
        %and3A_531 = vector.broadcast %and3A_530 : i32 to vector<16xi32>
        %and3A_532 = arith.andi %gather3A_262, %and3A_531 : vector<16xi32>
        %bitcast_convert_type3A_533 = tpu.bitcast %and3A_532 : vector<16xi32> -> vector<16xf32>
        %add3A_534 = arith.addf %bitcast_convert_type3A_529, %bitcast_convert_type3A_533 : vector<16xf32>
        %shift_left3A_535 = arith.constant 16 : i32
        %shift_left3A_536 = vector.broadcast %shift_left3A_535 : i32 to vector<16xi32>
        %shift_left3A_537 = arith.shli %gather3A_202, %shift_left3A_536 : vector<16xi32>
        %bitcast_convert_type3A_538 = tpu.bitcast %shift_left3A_537 : vector<16xi32> -> vector<16xf32>
        %shift_left3A_539 = arith.constant 16 : i32
        %shift_left3A_540 = vector.broadcast %shift_left3A_539 : i32 to vector<16xi32>
        %shift_left3A_541 = arith.shli %gather3A_266, %shift_left3A_540 : vector<16xi32>
        %bitcast_convert_type3A_542 = tpu.bitcast %shift_left3A_541 : vector<16xi32> -> vector<16xf32>
        %add3A_543 = arith.addf %bitcast_convert_type3A_538, %bitcast_convert_type3A_542 : vector<16xf32>
        %and3A_544 = arith.constant -65536 : i32
        %and3A_545 = vector.broadcast %and3A_544 : i32 to vector<16xi32>
        %and3A_546 = arith.andi %gather3A_202, %and3A_545 : vector<16xi32>
        %bitcast_convert_type3A_547 = tpu.bitcast %and3A_546 : vector<16xi32> -> vector<16xf32>
        %and3A_548 = arith.constant -65536 : i32
        %and3A_549 = vector.broadcast %and3A_548 : i32 to vector<16xi32>
        %and3A_550 = arith.andi %gather3A_266, %and3A_549 : vector<16xi32>
        %bitcast_convert_type3A_551 = tpu.bitcast %and3A_550 : vector<16xi32> -> vector<16xf32>
        %add3A_552 = arith.addf %bitcast_convert_type3A_547, %bitcast_convert_type3A_551 : vector<16xf32>
        %swap3A = arith.constant 0 : i32
        %swap3A_553 = arith.constant 0 : i32
        %swap3A_554 = arith.index_cast %swap3A : i32 to index
        %swap3A_555 = arith.index_cast %swap3A_553 : i32 to index
        %swap3A_556 = arith.index_cast %mul3A_139 : i32 to index
        %swap3A_557 = tpu.vector_load %arg9[%swap3A_554, %swap3A_555, %swap3A_556] {strides = array<i32>} : memref<8x8x128xf32, #tpu.memory_space<vmem>>, vector<16xf32>,
        tpu.vector_store %arg9[%swap3A_554, %swap3A_555, %swap3A_556], %add3A_273 {strides = array<i32>} : memref<8x8x128xf32, #tpu.memory_space<vmem>>, vector<16xf32>,
        %swap3A_558 = arith.constant 0 : i32
        %swap3A_559 = arith.constant 1 : i32
        %swap3A_560 = arith.index_cast %swap3A_558 : i32 to index
        %swap3A_561 = arith.index_cast %swap3A_559 : i32 to index
        %swap3A_562 = arith.index_cast %mul3A_139 : i32 to index
        %swap3A_563 = tpu.vector_load %arg9[%swap3A_560, %swap3A_561, %swap3A_562] {strides = array<i32>} : memref<8x8x128xf32, #tpu.memory_space<vmem>>, vector<16xf32>,
        tpu.vector_store %arg9[%swap3A_560, %swap3A_561, %swap3A_562], %add3A_282 {strides = array<i32>} : memref<8x8x128xf32, #tpu.memory_space<vmem>>, vector<16xf32>,
        %swap3A_564 = arith.constant 0 : i32
        %swap3A_565 = arith.constant 2 : i32
        %swap3A_566 = arith.index_cast %swap3A_564 : i32 to index
        %swap3A_567 = arith.index_cast %swap3A_565 : i32 to index
        %swap3A_568 = arith.index_cast %mul3A_139 : i32 to index
        %swap3A_569 = tpu.vector_load %arg9[%swap3A_566, %swap3A_567, %swap3A_568] {strides = array<i32>} : memref<8x8x128xf32, #tpu.memory_space<vmem>>, vector<16xf32>,
        tpu.vector_store %arg9[%swap3A_566, %swap3A_567, %swap3A_568], %add3A_291 {strides = array<i32>} : memref<8x8x128xf32, #tpu.memory_space<vmem>>, vector<16xf32>,
        %swap3A_570 = arith.constant 0 : i32
        %swap3A_571 = arith.constant 3 : i32
        %swap3A_572 = arith.index_cast %swap3A_570 : i32 to index
        %swap3A_573 = arith.index_cast %swap3A_571 : i32 to index
        %swap3A_574 = arith.index_cast %mul3A_139 : i32 to index
        %swap3A_575 = tpu.vector_load %arg9[%swap3A_572, %swap3A_573, %swap3A_574] {strides = array<i32>} : memref<8x8x128xf32, #tpu.memory_space<vmem>>, vector<16xf32>,
        tpu.vector_store %arg9[%swap3A_572, %swap3A_573, %swap3A_574], %add3A_300 {strides = array<i32>} : memref<8x8x128xf32, #tpu.memory_space<vmem>>, vector<16xf32>,
        %swap3A_576 = arith.constant 0 : i32
        %swap3A_577 = arith.constant 4 : i32
        %swap3A_578 = arith.index_cast %swap3A_576 : i32 to index
        %swap3A_579 = arith.index_cast %swap3A_577 : i32 to index
        %swap3A_580 = arith.index_cast %mul3A_139 : i32 to index
        %swap3A_581 = tpu.vector_load %arg9[%swap3A_578, %swap3A_579, %swap3A_580] {strides = array<i32>} : memref<8x8x128xf32, #tpu.memory_space<vmem>>, vector<16xf32>,
        tpu.vector_store %arg9[%swap3A_578, %swap3A_579, %swap3A_580], %add3A_309 {strides = array<i32>} : memref<8x8x128xf32, #tpu.memory_space<vmem>>, vector<16xf32>,
        %swap3A_582 = arith.constant 0 : i32
        %swap3A_583 = arith.constant 5 : i32
        %swap3A_584 = arith.index_cast %swap3A_582 : i32 to index
        %swap3A_585 = arith.index_cast %swap3A_583 : i32 to index
        %swap3A_586 = arith.index_cast %mul3A_139 : i32 to index
        %swap3A_587 = tpu.vector_load %arg9[%swap3A_584, %swap3A_585, %swap3A_586] {strides = array<i32>} : memref<8x8x128xf32, #tpu.memory_space<vmem>>, vector<16xf32>,
        tpu.vector_store %arg9[%swap3A_584, %swap3A_585, %swap3A_586], %add3A_318 {strides = array<i32>} : memref<8x8x128xf32, #tpu.memory_space<vmem>>, vector<16xf32>,
        %swap3A_588 = arith.constant 0 : i32
        %swap3A_589 = arith.constant 6 : i32
        %swap3A_590 = arith.index_cast %swap3A_588 : i32 to index
        %swap3A_591 = arith.index_cast %swap3A_589 : i32 to index
        %swap3A_592 = arith.index_cast %mul3A_139 : i32 to index
        %swap3A_593 = tpu.vector_load %arg9[%swap3A_590, %swap3A_591, %swap3A_592] {strides = array<i32>} : memref<8x8x128xf32, #tpu.memory_space<vmem>>, vector<16xf32>,
        tpu.vector_store %arg9[%swap3A_590, %swap3A_591, %swap3A_592], %add3A_327 {strides = array<i32>} : memref<8x8x128xf32, #tpu.memory_space<vmem>>, vector<16xf32>,
        %swap3A_594 = arith.constant 0 : i32
        %swap3A_595 = arith.constant 7 : i32
        %swap3A_596 = arith.index_cast %swap3A_594 : i32 to index
        %swap3A_597 = arith.index_cast %swap3A_595 : i32 to index
        %swap3A_598 = arith.index_cast %mul3A_139 : i32 to index
        %swap3A_599 = tpu.vector_load %arg9[%swap3A_596, %swap3A_597, %swap3A_598] {strides = array<i32>} : memref<8x8x128xf32, #tpu.memory_space<vmem>>, vector<16xf32>,
        tpu.vector_store %arg9[%swap3A_596, %swap3A_597, %swap3A_598], %add3A_336 {strides = array<i32>} : memref<8x8x128xf32, #tpu.memory_space<vmem>>, vector<16xf32>,
        %swap3A_600 = arith.constant 1 : i32
        %swap3A_601 = arith.constant 0 : i32
        %swap3A_602 = arith.index_cast %swap3A_600 : i32 to index
        %swap3A_603 = arith.index_cast %swap3A_601 : i32 to index
        %swap3A_604 = arith.index_cast %mul3A_139 : i32 to index
        %swap3A_605 = tpu.vector_load %arg9[%swap3A_602, %swap3A_603, %swap3A_604] {strides = array<i32>} : memref<8x8x128xf32, #tpu.memory_space<vmem>>, vector<16xf32>,
        tpu.vector_store %arg9[%swap3A_602, %swap3A_603, %swap3A_604], %add3A_345 {strides = array<i32>} : memref<8x8x128xf32, #tpu.memory_space<vmem>>, vector<16xf32>,
        %swap3A_606 = arith.constant 1 : i32
        %swap3A_607 = arith.constant 1 : i32
        %swap3A_608 = arith.index_cast %swap3A_606 : i32 to index
        %swap3A_609 = arith.index_cast %swap3A_607 : i32 to index
        %swap3A_610 = arith.index_cast %mul3A_139 : i32 to index
        %swap3A_611 = tpu.vector_load %arg9[%swap3A_608, %swap3A_609, %swap3A_610] {strides = array<i32>} : memref<8x8x128xf32, #tpu.memory_space<vmem>>, vector<16xf32>,
        tpu.vector_store %arg9[%swap3A_608, %swap3A_609, %swap3A_610], %add3A_354 {strides = array<i32>} : memref<8x8x128xf32, #tpu.memory_space<vmem>>, vector<16xf32>,
        %swap3A_612 = arith.constant 1 : i32
        %swap3A_613 = arith.constant 2 : i32
        %swap3A_614 = arith.index_cast %swap3A_612 : i32 to index
        %swap3A_615 = arith.index_cast %swap3A_613 : i32 to index
        %swap3A_616 = arith.index_cast %mul3A_139 : i32 to index
        %swap3A_617 = tpu.vector_load %arg9[%swap3A_614, %swap3A_615, %swap3A_616] {strides = array<i32>} : memref<8x8x128xf32, #tpu.memory_space<vmem>>, vector<16xf32>,
        tpu.vector_store %arg9[%swap3A_614, %swap3A_615, %swap3A_616], %add3A_363 {strides = array<i32>} : memref<8x8x128xf32, #tpu.memory_space<vmem>>, vector<16xf32>,
        %swap3A_618 = arith.constant 1 : i32
        %swap3A_619 = arith.constant 3 : i32
        %swap3A_620 = arith.index_cast %swap3A_618 : i32 to index
        %swap3A_621 = arith.index_cast %swap3A_619 : i32 to index
        %swap3A_622 = arith.index_cast %mul3A_139 : i32 to index
        %swap3A_623 = tpu.vector_load %arg9[%swap3A_620, %swap3A_621, %swap3A_622] {strides = array<i32>} : memref<8x8x128xf32, #tpu.memory_space<vmem>>, vector<16xf32>,
        tpu.vector_store %arg9[%swap3A_620, %swap3A_621, %swap3A_622], %add3A_372 {strides = array<i32>} : memref<8x8x128xf32, #tpu.memory_space<vmem>>, vector<16xf32>,
        %swap3A_624 = arith.constant 1 : i32
        %swap3A_625 = arith.constant 4 : i32
        %swap3A_626 = arith.index_cast %swap3A_624 : i32 to index
        %swap3A_627 = arith.index_cast %swap3A_625 : i32 to index
        %swap3A_628 = arith.index_cast %mul3A_139 : i32 to index
        %swap3A_629 = tpu.vector_load %arg9[%swap3A_626, %swap3A_627, %swap3A_628] {strides = array<i32>} : memref<8x8x128xf32, #tpu.memory_space<vmem>>, vector<16xf32>,
        tpu.vector_store %arg9[%swap3A_626, %swap3A_627, %swap3A_628], %add3A_381 {strides = array<i32>} : memref<8x8x128xf32, #tpu.memory_space<vmem>>, vector<16xf32>,
        %swap3A_630 = arith.constant 1 : i32
        %swap3A_631 = arith.constant 5 : i32
        %swap3A_632 = arith.index_cast %swap3A_630 : i32 to index
        %swap3A_633 = arith.index_cast %swap3A_631 : i32 to index
        %swap3A_634 = arith.index_cast %mul3A_139 : i32 to index
        %swap3A_635 = tpu.vector_load %arg9[%swap3A_632, %swap3A_633, %swap3A_634] {strides = array<i32>} : memref<8x8x128xf32, #tpu.memory_space<vmem>>, vector<16xf32>,
        tpu.vector_store %arg9[%swap3A_632, %swap3A_633, %swap3A_634], %add3A_390 {strides = array<i32>} : memref<8x8x128xf32, #tpu.memory_space<vmem>>, vector<16xf32>,
        %swap3A_636 = arith.constant 1 : i32
        %swap3A_637 = arith.constant 6 : i32
        %swap3A_638 = arith.index_cast %swap3A_636 : i32 to index
        %swap3A_639 = arith.index_cast %swap3A_637 : i32 to index
        %swap3A_640 = arith.index_cast %mul3A_139 : i32 to index
        %swap3A_641 = tpu.vector_load %arg9[%swap3A_638, %swap3A_639, %swap3A_640] {strides = array<i32>} : memref<8x8x128xf32, #tpu.memory_space<vmem>>, vector<16xf32>,
        tpu.vector_store %arg9[%swap3A_638, %swap3A_639, %swap3A_640], %add3A_399 {strides = array<i32>} : memref<8x8x128xf32, #tpu.memory_space<vmem>>, vector<16xf32>,
        %swap3A_642 = arith.constant 1 : i32
        %swap3A_643 = arith.constant 7 : i32
        %swap3A_644 = arith.index_cast %swap3A_642 : i32 to index
        %swap3A_645 = arith.index_cast %swap3A_643 : i32 to index
        %swap3A_646 = arith.index_cast %mul3A_139 : i32 to index
        %swap3A_647 = tpu.vector_load %arg9[%swap3A_644, %swap3A_645, %swap3A_646] {strides = array<i32>} : memref<8x8x128xf32, #tpu.memory_space<vmem>>, vector<16xf32>,
        tpu.vector_store %arg9[%swap3A_644, %swap3A_645, %swap3A_646], %add3A_408 {strides = array<i32>} : memref<8x8x128xf32, #tpu.memory_space<vmem>>, vector<16xf32>,
        %swap3A_648 = arith.constant 2 : i32
        %swap3A_649 = arith.constant 0 : i32
        %swap3A_650 = arith.index_cast %swap3A_648 : i32 to index
        %swap3A_651 = arith.index_cast %swap3A_649 : i32 to index
        %swap3A_652 = arith.index_cast %mul3A_139 : i32 to index
        %swap3A_653 = tpu.vector_load %arg9[%swap3A_650, %swap3A_651, %swap3A_652] {strides = array<i32>} : memref<8x8x128xf32, #tpu.memory_space<vmem>>, vector<16xf32>,
        tpu.vector_store %arg9[%swap3A_650, %swap3A_651, %swap3A_652], %add3A_417 {strides = array<i32>} : memref<8x8x128xf32, #tpu.memory_space<vmem>>, vector<16xf32>,
        %swap3A_654 = arith.constant 2 : i32
        %swap3A_655 = arith.constant 1 : i32
        %swap3A_656 = arith.index_cast %swap3A_654 : i32 to index
        %swap3A_657 = arith.index_cast %swap3A_655 : i32 to index
        %swap3A_658 = arith.index_cast %mul3A_139 : i32 to index
        %swap3A_659 = tpu.vector_load %arg9[%swap3A_656, %swap3A_657, %swap3A_658] {strides = array<i32>} : memref<8x8x128xf32, #tpu.memory_space<vmem>>, vector<16xf32>,
        tpu.vector_store %arg9[%swap3A_656, %swap3A_657, %swap3A_658], %add3A_426 {strides = array<i32>} : memref<8x8x128xf32, #tpu.memory_space<vmem>>, vector<16xf32>,
        %swap3A_660 = arith.constant 2 : i32
        %swap3A_661 = arith.constant 2 : i32
        %swap3A_662 = arith.index_cast %swap3A_660 : i32 to index
        %swap3A_663 = arith.index_cast %swap3A_661 : i32 to index
        %swap3A_664 = arith.index_cast %mul3A_139 : i32 to index
        %swap3A_665 = tpu.vector_load %arg9[%swap3A_662, %swap3A_663, %swap3A_664] {strides = array<i32>} : memref<8x8x128xf32, #tpu.memory_space<vmem>>, vector<16xf32>,
        tpu.vector_store %arg9[%swap3A_662, %swap3A_663, %swap3A_664], %add3A_435 {strides = array<i32>} : memref<8x8x128xf32, #tpu.memory_space<vmem>>, vector<16xf32>,
        %swap3A_666 = arith.constant 2 : i32
        %swap3A_667 = arith.constant 3 : i32
        %swap3A_668 = arith.index_cast %swap3A_666 : i32 to index
        %swap3A_669 = arith.index_cast %swap3A_667 : i32 to index
        %swap3A_670 = arith.index_cast %mul3A_139 : i32 to index
        %swap3A_671 = tpu.vector_load %arg9[%swap3A_668, %swap3A_669, %swap3A_670] {strides = array<i32>} : memref<8x8x128xf32, #tpu.memory_space<vmem>>, vector<16xf32>,
        tpu.vector_store %arg9[%swap3A_668, %swap3A_669, %swap3A_670], %add3A_444 {strides = array<i32>} : memref<8x8x128xf32, #tpu.memory_space<vmem>>, vector<16xf32>,
        %swap3A_672 = arith.constant 2 : i32
        %swap3A_673 = arith.constant 4 : i32
        %swap3A_674 = arith.index_cast %swap3A_672 : i32 to index
        %swap3A_675 = arith.index_cast %swap3A_673 : i32 to index
        %swap3A_676 = arith.index_cast %mul3A_139 : i32 to index
        %swap3A_677 = tpu.vector_load %arg9[%swap3A_674, %swap3A_675, %swap3A_676] {strides = array<i32>} : memref<8x8x128xf32, #tpu.memory_space<vmem>>, vector<16xf32>,
        tpu.vector_store %arg9[%swap3A_674, %swap3A_675, %swap3A_676], %add3A_453 {strides = array<i32>} : memref<8x8x128xf32, #tpu.memory_space<vmem>>, vector<16xf32>,
        %swap3A_678 = arith.constant 2 : i32
        %swap3A_679 = arith.constant 5 : i32
        %swap3A_680 = arith.index_cast %swap3A_678 : i32 to index
        %swap3A_681 = arith.index_cast %swap3A_679 : i32 to index
        %swap3A_682 = arith.index_cast %mul3A_139 : i32 to index
        %swap3A_683 = tpu.vector_load %arg9[%swap3A_680, %swap3A_681, %swap3A_682] {strides = array<i32>} : memref<8x8x128xf32, #tpu.memory_space<vmem>>, vector<16xf32>,
        tpu.vector_store %arg9[%swap3A_680, %swap3A_681, %swap3A_682], %add3A_462 {strides = array<i32>} : memref<8x8x128xf32, #tpu.memory_space<vmem>>, vector<16xf32>,
        %swap3A_684 = arith.constant 2 : i32
        %swap3A_685 = arith.constant 6 : i32
        %swap3A_686 = arith.index_cast %swap3A_684 : i32 to index
        %swap3A_687 = arith.index_cast %swap3A_685 : i32 to index
        %swap3A_688 = arith.index_cast %mul3A_139 : i32 to index
        %swap3A_689 = tpu.vector_load %arg9[%swap3A_686, %swap3A_687, %swap3A_688] {strides = array<i32>} : memref<8x8x128xf32, #tpu.memory_space<vmem>>, vector<16xf32>,
        tpu.vector_store %arg9[%swap3A_686, %swap3A_687, %swap3A_688], %add3A_471 {strides = array<i32>} : memref<8x8x128xf32, #tpu.memory_space<vmem>>, vector<16xf32>,
        %swap3A_690 = arith.constant 2 : i32
        %swap3A_691 = arith.constant 7 : i32
        %swap3A_692 = arith.index_cast %swap3A_690 : i32 to index
        %swap3A_693 = arith.index_cast %swap3A_691 : i32 to index
        %swap3A_694 = arith.index_cast %mul3A_139 : i32 to index
        %swap3A_695 = tpu.vector_load %arg9[%swap3A_692, %swap3A_693, %swap3A_694] {strides = array<i32>} : memref<8x8x128xf32, #tpu.memory_space<vmem>>, vector<16xf32>,
        tpu.vector_store %arg9[%swap3A_692, %swap3A_693, %swap3A_694], %add3A_480 {strides = array<i32>} : memref<8x8x128xf32, #tpu.memory_space<vmem>>, vector<16xf32>,
        %swap3A_696 = arith.constant 3 : i32
        %swap3A_697 = arith.constant 0 : i32
        %swap3A_698 = arith.index_cast %swap3A_696 : i32 to index
        %swap3A_699 = arith.index_cast %swap3A_697 : i32 to index
        %swap3A_700 = arith.index_cast %mul3A_139 : i32 to index
        %swap3A_701 = tpu.vector_load %arg9[%swap3A_698, %swap3A_699, %swap3A_700] {strides = array<i32>} : memref<8x8x128xf32, #tpu.memory_space<vmem>>, vector<16xf32>,
        tpu.vector_store %arg9[%swap3A_698, %swap3A_699, %swap3A_700], %add3A_489 {strides = array<i32>} : memref<8x8x128xf32, #tpu.memory_space<vmem>>, vector<16xf32>,
        %swap3A_702 = arith.constant 3 : i32
        %swap3A_703 = arith.constant 1 : i32
        %swap3A_704 = arith.index_cast %swap3A_702 : i32 to index
        %swap3A_705 = arith.index_cast %swap3A_703 : i32 to index
        %swap3A_706 = arith.index_cast %mul3A_139 : i32 to index
        %swap3A_707 = tpu.vector_load %arg9[%swap3A_704, %swap3A_705, %swap3A_706] {strides = array<i32>} : memref<8x8x128xf32, #tpu.memory_space<vmem>>, vector<16xf32>,
        tpu.vector_store %arg9[%swap3A_704, %swap3A_705, %swap3A_706], %add3A_498 {strides = array<i32>} : memref<8x8x128xf32, #tpu.memory_space<vmem>>, vector<16xf32>,
        %swap3A_708 = arith.constant 3 : i32
        %swap3A_709 = arith.constant 2 : i32
        %swap3A_710 = arith.index_cast %swap3A_708 : i32 to index
        %swap3A_711 = arith.index_cast %swap3A_709 : i32 to index
        %swap3A_712 = arith.index_cast %mul3A_139 : i32 to index
        %swap3A_713 = tpu.vector_load %arg9[%swap3A_710, %swap3A_711, %swap3A_712] {strides = array<i32>} : memref<8x8x128xf32, #tpu.memory_space<vmem>>, vector<16xf32>,
        tpu.vector_store %arg9[%swap3A_710, %swap3A_711, %swap3A_712], %add3A_507 {strides = array<i32>} : memref<8x8x128xf32, #tpu.memory_space<vmem>>, vector<16xf32>,
        %swap3A_714 = arith.constant 3 : i32
        %swap3A_715 = arith.constant 3 : i32
        %swap3A_716 = arith.index_cast %swap3A_714 : i32 to index
        %swap3A_717 = arith.index_cast %swap3A_715 : i32 to index
        %swap3A_718 = arith.index_cast %mul3A_139 : i32 to index
        %swap3A_719 = tpu.vector_load %arg9[%swap3A_716, %swap3A_717, %swap3A_718] {strides = array<i32>} : memref<8x8x128xf32, #tpu.memory_space<vmem>>, vector<16xf32>,
        tpu.vector_store %arg9[%swap3A_716, %swap3A_717, %swap3A_718], %add3A_516 {strides = array<i32>} : memref<8x8x128xf32, #tpu.memory_space<vmem>>, vector<16xf32>,
        %swap3A_720 = arith.constant 3 : i32
        %swap3A_721 = arith.constant 4 : i32
        %swap3A_722 = arith.index_cast %swap3A_720 : i32 to index
        %swap3A_723 = arith.index_cast %swap3A_721 : i32 to index
        %swap3A_724 = arith.index_cast %mul3A_139 : i32 to index
        %swap3A_725 = tpu.vector_load %arg9[%swap3A_722, %swap3A_723, %swap3A_724] {strides = array<i32>} : memref<8x8x128xf32, #tpu.memory_space<vmem>>, vector<16xf32>,
        tpu.vector_store %arg9[%swap3A_722, %swap3A_723, %swap3A_724], %add3A_525 {strides = array<i32>} : memref<8x8x128xf32, #tpu.memory_space<vmem>>, vector<16xf32>,
        %swap3A_726 = arith.constant 3 : i32
        %swap3A_727 = arith.constant 5 : i32
        %swap3A_728 = arith.index_cast %swap3A_726 : i32 to index
        %swap3A_729 = arith.index_cast %swap3A_727 : i32 to index
        %swap3A_730 = arith.index_cast %mul3A_139 : i32 to index
        %swap3A_731 = tpu.vector_load %arg9[%swap3A_728, %swap3A_729, %swap3A_730] {strides = array<i32>} : memref<8x8x128xf32, #tpu.memory_space<vmem>>, vector<16xf32>,
        tpu.vector_store %arg9[%swap3A_728, %swap3A_729, %swap3A_730], %add3A_534 {strides = array<i32>} : memref<8x8x128xf32, #tpu.memory_space<vmem>>, vector<16xf32>,
        %swap3A_732 = arith.constant 3 : i32
        %swap3A_733 = arith.constant 6 : i32
        %swap3A_734 = arith.index_cast %swap3A_732 : i32 to index
        %swap3A_735 = arith.index_cast %swap3A_733 : i32 to index
        %swap3A_736 = arith.index_cast %mul3A_139 : i32 to index
        %swap3A_737 = tpu.vector_load %arg9[%swap3A_734, %swap3A_735, %swap3A_736] {strides = array<i32>} : memref<8x8x128xf32, #tpu.memory_space<vmem>>, vector<16xf32>,
        tpu.vector_store %arg9[%swap3A_734, %swap3A_735, %swap3A_736], %add3A_543 {strides = array<i32>} : memref<8x8x128xf32, #tpu.memory_space<vmem>>, vector<16xf32>,
        %swap3A_738 = arith.constant 3 : i32
        %swap3A_739 = arith.constant 7 : i32
        %swap3A_740 = arith.index_cast %swap3A_738 : i32 to index
        %swap3A_741 = arith.index_cast %swap3A_739 : i32 to index
        %swap3A_742 = arith.index_cast %mul3A_139 : i32 to index
        %swap3A_743 = tpu.vector_load %arg9[%swap3A_740, %swap3A_741, %swap3A_742] {strides = array<i32>} : memref<8x8x128xf32, #tpu.memory_space<vmem>>, vector<16xf32>,
        tpu.vector_store %arg9[%swap3A_740, %swap3A_741, %swap3A_742], %add3A_552 {strides = array<i32>} : memref<8x8x128xf32, #tpu.memory_space<vmem>>, vector<16xf32>,
        %add3A_744 = arith.constant 16400 : i32
        %add3A_745 = vector.broadcast %add3A_744 : i32 to vector<16xi32>
        %add3A_746 = arith.addi %and3A_135, %add3A_745 : vector<16xi32>
        %gather3A_747 = tpu.vector_load_idx %arg6[%add3A_746] : memref<32800xi32, #tpu.memory_space<vmem>>[vector<16xi32>], vector<16xi32>,
        %add3A_748 = arith.constant 17425 : i32
        %add3A_749 = vector.broadcast %add3A_748 : i32 to vector<16xi32>
        %add3A_750 = arith.addi %and3A_135, %add3A_749 : vector<16xi32>
        %gather3A_751 = tpu.vector_load_idx %arg6[%add3A_750] : memref<32800xi32, #tpu.memory_space<vmem>>[vector<16xi32>], vector<16xi32>,
        %add3A_752 = arith.constant 18450 : i32
        %add3A_753 = vector.broadcast %add3A_752 : i32 to vector<16xi32>
        %add3A_754 = arith.addi %and3A_135, %add3A_753 : vector<16xi32>
        %gather3A_755 = tpu.vector_load_idx %arg6[%add3A_754] : memref<32800xi32, #tpu.memory_space<vmem>>[vector<16xi32>], vector<16xi32>,
        %add3A_756 = arith.constant 19475 : i32
        %add3A_757 = vector.broadcast %add3A_756 : i32 to vector<16xi32>
        %add3A_758 = arith.addi %and3A_135, %add3A_757 : vector<16xi32>
        %gather3A_759 = tpu.vector_load_idx %arg6[%add3A_758] : memref<32800xi32, #tpu.memory_space<vmem>>[vector<16xi32>], vector<16xi32>,
        %add3A_760 = arith.constant 20500 : i32
        %add3A_761 = vector.broadcast %add3A_760 : i32 to vector<16xi32>
        %add3A_762 = arith.addi %and3A_135, %add3A_761 : vector<16xi32>
        %gather3A_763 = tpu.vector_load_idx %arg6[%add3A_762] : memref<32800xi32, #tpu.memory_space<vmem>>[vector<16xi32>], vector<16xi32>,
        %add3A_764 = arith.constant 21525 : i32
        %add3A_765 = vector.broadcast %add3A_764 : i32 to vector<16xi32>
        %add3A_766 = arith.addi %and3A_135, %add3A_765 : vector<16xi32>
        %gather3A_767 = tpu.vector_load_idx %arg6[%add3A_766] : memref<32800xi32, #tpu.memory_space<vmem>>[vector<16xi32>], vector<16xi32>,
        %add3A_768 = arith.constant 22550 : i32
        %add3A_769 = vector.broadcast %add3A_768 : i32 to vector<16xi32>
        %add3A_770 = arith.addi %and3A_135, %add3A_769 : vector<16xi32>
        %gather3A_771 = tpu.vector_load_idx %arg6[%add3A_770] : memref<32800xi32, #tpu.memory_space<vmem>>[vector<16xi32>], vector<16xi32>,
        %add3A_772 = arith.constant 23575 : i32
        %add3A_773 = vector.broadcast %add3A_772 : i32 to vector<16xi32>
        %add3A_774 = arith.addi %and3A_135, %add3A_773 : vector<16xi32>
        %gather3A_775 = tpu.vector_load_idx %arg6[%add3A_774] : memref<32800xi32, #tpu.memory_space<vmem>>[vector<16xi32>], vector<16xi32>,
        %add3A_776 = arith.constant 24600 : i32
        %add3A_777 = vector.broadcast %add3A_776 : i32 to vector<16xi32>
        %add3A_778 = arith.addi %and3A_135, %add3A_777 : vector<16xi32>
        %gather3A_779 = tpu.vector_load_idx %arg6[%add3A_778] : memref<32800xi32, #tpu.memory_space<vmem>>[vector<16xi32>], vector<16xi32>,
        %add3A_780 = arith.constant 25625 : i32
        %add3A_781 = vector.broadcast %add3A_780 : i32 to vector<16xi32>
        %add3A_782 = arith.addi %and3A_135, %add3A_781 : vector<16xi32>
        %gather3A_783 = tpu.vector_load_idx %arg6[%add3A_782] : memref<32800xi32, #tpu.memory_space<vmem>>[vector<16xi32>], vector<16xi32>,
        %add3A_784 = arith.constant 26650 : i32
        %add3A_785 = vector.broadcast %add3A_784 : i32 to vector<16xi32>
        %add3A_786 = arith.addi %and3A_135, %add3A_785 : vector<16xi32>
        %gather3A_787 = tpu.vector_load_idx %arg6[%add3A_786] : memref<32800xi32, #tpu.memory_space<vmem>>[vector<16xi32>], vector<16xi32>,
        %add3A_788 = arith.constant 27675 : i32
        %add3A_789 = vector.broadcast %add3A_788 : i32 to vector<16xi32>
        %add3A_790 = arith.addi %and3A_135, %add3A_789 : vector<16xi32>
        %gather3A_791 = tpu.vector_load_idx %arg6[%add3A_790] : memref<32800xi32, #tpu.memory_space<vmem>>[vector<16xi32>], vector<16xi32>,
        %add3A_792 = arith.constant 28700 : i32
        %add3A_793 = vector.broadcast %add3A_792 : i32 to vector<16xi32>
        %add3A_794 = arith.addi %and3A_135, %add3A_793 : vector<16xi32>
        %gather3A_795 = tpu.vector_load_idx %arg6[%add3A_794] : memref<32800xi32, #tpu.memory_space<vmem>>[vector<16xi32>], vector<16xi32>,
        %add3A_796 = arith.constant 29725 : i32
        %add3A_797 = vector.broadcast %add3A_796 : i32 to vector<16xi32>
        %add3A_798 = arith.addi %and3A_135, %add3A_797 : vector<16xi32>
        %gather3A_799 = tpu.vector_load_idx %arg6[%add3A_798] : memref<32800xi32, #tpu.memory_space<vmem>>[vector<16xi32>], vector<16xi32>,
        %add3A_800 = arith.constant 30750 : i32
        %add3A_801 = vector.broadcast %add3A_800 : i32 to vector<16xi32>
        %add3A_802 = arith.addi %and3A_135, %add3A_801 : vector<16xi32>
        %gather3A_803 = tpu.vector_load_idx %arg6[%add3A_802] : memref<32800xi32, #tpu.memory_space<vmem>>[vector<16xi32>], vector<16xi32>,
        %add3A_804 = arith.constant 31775 : i32
        %add3A_805 = vector.broadcast %add3A_804 : i32 to vector<16xi32>
        %add3A_806 = arith.addi %and3A_135, %add3A_805 : vector<16xi32>
        %gather3A_807 = tpu.vector_load_idx %arg6[%add3A_806] : memref<32800xi32, #tpu.memory_space<vmem>>[vector<16xi32>], vector<16xi32>,
        %add3A_808 = arith.constant 16400 : i32
        %add3A_809 = vector.broadcast %add3A_808 : i32 to vector<16xi32>
        %add3A_810 = arith.addi %shift_right_logical3A_137, %add3A_809 : vector<16xi32>
        %gather3A_811 = tpu.vector_load_idx %arg7[%add3A_810] : memref<32800xi32, #tpu.memory_space<vmem>>[vector<16xi32>], vector<16xi32>,
        %add3A_812 = arith.constant 17425 : i32
        %add3A_813 = vector.broadcast %add3A_812 : i32 to vector<16xi32>
        %add3A_814 = arith.addi %shift_right_logical3A_137, %add3A_813 : vector<16xi32>
        %gather3A_815 = tpu.vector_load_idx %arg7[%add3A_814] : memref<32800xi32, #tpu.memory_space<vmem>>[vector<16xi32>], vector<16xi32>,
        %add3A_816 = arith.constant 18450 : i32
        %add3A_817 = vector.broadcast %add3A_816 : i32 to vector<16xi32>
        %add3A_818 = arith.addi %shift_right_logical3A_137, %add3A_817 : vector<16xi32>
        %gather3A_819 = tpu.vector_load_idx %arg7[%add3A_818] : memref<32800xi32, #tpu.memory_space<vmem>>[vector<16xi32>], vector<16xi32>,
        %add3A_820 = arith.constant 19475 : i32
        %add3A_821 = vector.broadcast %add3A_820 : i32 to vector<16xi32>
        %add3A_822 = arith.addi %shift_right_logical3A_137, %add3A_821 : vector<16xi32>
        %gather3A_823 = tpu.vector_load_idx %arg7[%add3A_822] : memref<32800xi32, #tpu.memory_space<vmem>>[vector<16xi32>], vector<16xi32>,
        %add3A_824 = arith.constant 20500 : i32
        %add3A_825 = vector.broadcast %add3A_824 : i32 to vector<16xi32>
        %add3A_826 = arith.addi %shift_right_logical3A_137, %add3A_825 : vector<16xi32>
        %gather3A_827 = tpu.vector_load_idx %arg7[%add3A_826] : memref<32800xi32, #tpu.memory_space<vmem>>[vector<16xi32>], vector<16xi32>,
        %add3A_828 = arith.constant 21525 : i32
        %add3A_829 = vector.broadcast %add3A_828 : i32 to vector<16xi32>
        %add3A_830 = arith.addi %shift_right_logical3A_137, %add3A_829 : vector<16xi32>
        %gather3A_831 = tpu.vector_load_idx %arg7[%add3A_830] : memref<32800xi32, #tpu.memory_space<vmem>>[vector<16xi32>], vector<16xi32>,
        %add3A_832 = arith.constant 22550 : i32
        %add3A_833 = vector.broadcast %add3A_832 : i32 to vector<16xi32>
        %add3A_834 = arith.addi %shift_right_logical3A_137, %add3A_833 : vector<16xi32>
        %gather3A_835 = tpu.vector_load_idx %arg7[%add3A_834] : memref<32800xi32, #tpu.memory_space<vmem>>[vector<16xi32>], vector<16xi32>,
        %add3A_836 = arith.constant 23575 : i32
        %add3A_837 = vector.broadcast %add3A_836 : i32 to vector<16xi32>
        %add3A_838 = arith.addi %shift_right_logical3A_137, %add3A_837 : vector<16xi32>
        %gather3A_839 = tpu.vector_load_idx %arg7[%add3A_838] : memref<32800xi32, #tpu.memory_space<vmem>>[vector<16xi32>], vector<16xi32>,
        %add3A_840 = arith.constant 24600 : i32
        %add3A_841 = vector.broadcast %add3A_840 : i32 to vector<16xi32>
        %add3A_842 = arith.addi %shift_right_logical3A_137, %add3A_841 : vector<16xi32>
        %gather3A_843 = tpu.vector_load_idx %arg7[%add3A_842] : memref<32800xi32, #tpu.memory_space<vmem>>[vector<16xi32>], vector<16xi32>,
        %add3A_844 = arith.constant 25625 : i32
        %add3A_845 = vector.broadcast %add3A_844 : i32 to vector<16xi32>
        %add3A_846 = arith.addi %shift_right_logical3A_137, %add3A_845 : vector<16xi32>
        %gather3A_847 = tpu.vector_load_idx %arg7[%add3A_846] : memref<32800xi32, #tpu.memory_space<vmem>>[vector<16xi32>], vector<16xi32>,
        %add3A_848 = arith.constant 26650 : i32
        %add3A_849 = vector.broadcast %add3A_848 : i32 to vector<16xi32>
        %add3A_850 = arith.addi %shift_right_logical3A_137, %add3A_849 : vector<16xi32>
        %gather3A_851 = tpu.vector_load_idx %arg7[%add3A_850] : memref<32800xi32, #tpu.memory_space<vmem>>[vector<16xi32>], vector<16xi32>,
        %add3A_852 = arith.constant 27675 : i32
        %add3A_853 = vector.broadcast %add3A_852 : i32 to vector<16xi32>
        %add3A_854 = arith.addi %shift_right_logical3A_137, %add3A_853 : vector<16xi32>
        %gather3A_855 = tpu.vector_load_idx %arg7[%add3A_854] : memref<32800xi32, #tpu.memory_space<vmem>>[vector<16xi32>], vector<16xi32>,
        %add3A_856 = arith.constant 28700 : i32
        %add3A_857 = vector.broadcast %add3A_856 : i32 to vector<16xi32>
        %add3A_858 = arith.addi %shift_right_logical3A_137, %add3A_857 : vector<16xi32>
        %gather3A_859 = tpu.vector_load_idx %arg7[%add3A_858] : memref<32800xi32, #tpu.memory_space<vmem>>[vector<16xi32>], vector<16xi32>,
        %add3A_860 = arith.constant 29725 : i32
        %add3A_861 = vector.broadcast %add3A_860 : i32 to vector<16xi32>
        %add3A_862 = arith.addi %shift_right_logical3A_137, %add3A_861 : vector<16xi32>
        %gather3A_863 = tpu.vector_load_idx %arg7[%add3A_862] : memref<32800xi32, #tpu.memory_space<vmem>>[vector<16xi32>], vector<16xi32>,
        %add3A_864 = arith.constant 30750 : i32
        %add3A_865 = vector.broadcast %add3A_864 : i32 to vector<16xi32>
        %add3A_866 = arith.addi %shift_right_logical3A_137, %add3A_865 : vector<16xi32>
        %gather3A_867 = tpu.vector_load_idx %arg7[%add3A_866] : memref<32800xi32, #tpu.memory_space<vmem>>[vector<16xi32>], vector<16xi32>,
        %add3A_868 = arith.constant 31775 : i32
        %add3A_869 = vector.broadcast %add3A_868 : i32 to vector<16xi32>
        %add3A_870 = arith.addi %shift_right_logical3A_137, %add3A_869 : vector<16xi32>
        %gather3A_871 = tpu.vector_load_idx %arg7[%add3A_870] : memref<32800xi32, #tpu.memory_space<vmem>>[vector<16xi32>], vector<16xi32>,
        %shift_left3A_872 = arith.constant 16 : i32
        %shift_left3A_873 = vector.broadcast %shift_left3A_872 : i32 to vector<16xi32>
        %shift_left3A_874 = arith.shli %gather3A_747, %shift_left3A_873 : vector<16xi32>
        %bitcast_convert_type3A_875 = tpu.bitcast %shift_left3A_874 : vector<16xi32> -> vector<16xf32>
        %shift_left3A_876 = arith.constant 16 : i32
        %shift_left3A_877 = vector.broadcast %shift_left3A_876 : i32 to vector<16xi32>
        %shift_left3A_878 = arith.shli %gather3A_811, %shift_left3A_877 : vector<16xi32>
        %bitcast_convert_type3A_879 = tpu.bitcast %shift_left3A_878 : vector<16xi32> -> vector<16xf32>
        %add3A_880 = arith.addf %bitcast_convert_type3A_875, %bitcast_convert_type3A_879 : vector<16xf32>
        %and3A_881 = arith.constant -65536 : i32
        %and3A_882 = vector.broadcast %and3A_881 : i32 to vector<16xi32>
        %and3A_883 = arith.andi %gather3A_747, %and3A_882 : vector<16xi32>
        %bitcast_convert_type3A_884 = tpu.bitcast %and3A_883 : vector<16xi32> -> vector<16xf32>
        %and3A_885 = arith.constant -65536 : i32
        %and3A_886 = vector.broadcast %and3A_885 : i32 to vector<16xi32>
        %and3A_887 = arith.andi %gather3A_811, %and3A_886 : vector<16xi32>
        %bitcast_convert_type3A_888 = tpu.bitcast %and3A_887 : vector<16xi32> -> vector<16xf32>
        %add3A_889 = arith.addf %bitcast_convert_type3A_884, %bitcast_convert_type3A_888 : vector<16xf32>
        %shift_left3A_890 = arith.constant 16 : i32
        %shift_left3A_891 = vector.broadcast %shift_left3A_890 : i32 to vector<16xi32>
        %shift_left3A_892 = arith.shli %gather3A_751, %shift_left3A_891 : vector<16xi32>
        %bitcast_convert_type3A_893 = tpu.bitcast %shift_left3A_892 : vector<16xi32> -> vector<16xf32>
        %shift_left3A_894 = arith.constant 16 : i32
        %shift_left3A_895 = vector.broadcast %shift_left3A_894 : i32 to vector<16xi32>
        %shift_left3A_896 = arith.shli %gather3A_815, %shift_left3A_895 : vector<16xi32>
        %bitcast_convert_type3A_897 = tpu.bitcast %shift_left3A_896 : vector<16xi32> -> vector<16xf32>
        %add3A_898 = arith.addf %bitcast_convert_type3A_893, %bitcast_convert_type3A_897 : vector<16xf32>
        %and3A_899 = arith.constant -65536 : i32
        %and3A_900 = vector.broadcast %and3A_899 : i32 to vector<16xi32>
        %and3A_901 = arith.andi %gather3A_751, %and3A_900 : vector<16xi32>
        %bitcast_convert_type3A_902 = tpu.bitcast %and3A_901 : vector<16xi32> -> vector<16xf32>
        %and3A_903 = arith.constant -65536 : i32
        %and3A_904 = vector.broadcast %and3A_903 : i32 to vector<16xi32>
        %and3A_905 = arith.andi %gather3A_815, %and3A_904 : vector<16xi32>
        %bitcast_convert_type3A_906 = tpu.bitcast %and3A_905 : vector<16xi32> -> vector<16xf32>
        %add3A_907 = arith.addf %bitcast_convert_type3A_902, %bitcast_convert_type3A_906 : vector<16xf32>
        %shift_left3A_908 = arith.constant 16 : i32
        %shift_left3A_909 = vector.broadcast %shift_left3A_908 : i32 to vector<16xi32>
        %shift_left3A_910 = arith.shli %gather3A_755, %shift_left3A_909 : vector<16xi32>
        %bitcast_convert_type3A_911 = tpu.bitcast %shift_left3A_910 : vector<16xi32> -> vector<16xf32>
        %shift_left3A_912 = arith.constant 16 : i32
        %shift_left3A_913 = vector.broadcast %shift_left3A_912 : i32 to vector<16xi32>
        %shift_left3A_914 = arith.shli %gather3A_819, %shift_left3A_913 : vector<16xi32>
        %bitcast_convert_type3A_915 = tpu.bitcast %shift_left3A_914 : vector<16xi32> -> vector<16xf32>
        %add3A_916 = arith.addf %bitcast_convert_type3A_911, %bitcast_convert_type3A_915 : vector<16xf32>
        %and3A_917 = arith.constant -65536 : i32
        %and3A_918 = vector.broadcast %and3A_917 : i32 to vector<16xi32>
        %and3A_919 = arith.andi %gather3A_755, %and3A_918 : vector<16xi32>
        %bitcast_convert_type3A_920 = tpu.bitcast %and3A_919 : vector<16xi32> -> vector<16xf32>
        %and3A_921 = arith.constant -65536 : i32
        %and3A_922 = vector.broadcast %and3A_921 : i32 to vector<16xi32>
        %and3A_923 = arith.andi %gather3A_819, %and3A_922 : vector<16xi32>
        %bitcast_convert_type3A_924 = tpu.bitcast %and3A_923 : vector<16xi32> -> vector<16xf32>
        %add3A_925 = arith.addf %bitcast_convert_type3A_920, %bitcast_convert_type3A_924 : vector<16xf32>
        %shift_left3A_926 = arith.constant 16 : i32
        %shift_left3A_927 = vector.broadcast %shift_left3A_926 : i32 to vector<16xi32>
        %shift_left3A_928 = arith.shli %gather3A_759, %shift_left3A_927 : vector<16xi32>
        %bitcast_convert_type3A_929 = tpu.bitcast %shift_left3A_928 : vector<16xi32> -> vector<16xf32>
        %shift_left3A_930 = arith.constant 16 : i32
        %shift_left3A_931 = vector.broadcast %shift_left3A_930 : i32 to vector<16xi32>
        %shift_left3A_932 = arith.shli %gather3A_823, %shift_left3A_931 : vector<16xi32>
        %bitcast_convert_type3A_933 = tpu.bitcast %shift_left3A_932 : vector<16xi32> -> vector<16xf32>
        %add3A_934 = arith.addf %bitcast_convert_type3A_929, %bitcast_convert_type3A_933 : vector<16xf32>
        %and3A_935 = arith.constant -65536 : i32
        %and3A_936 = vector.broadcast %and3A_935 : i32 to vector<16xi32>
        %and3A_937 = arith.andi %gather3A_759, %and3A_936 : vector<16xi32>
        %bitcast_convert_type3A_938 = tpu.bitcast %and3A_937 : vector<16xi32> -> vector<16xf32>
        %and3A_939 = arith.constant -65536 : i32
        %and3A_940 = vector.broadcast %and3A_939 : i32 to vector<16xi32>
        %and3A_941 = arith.andi %gather3A_823, %and3A_940 : vector<16xi32>
        %bitcast_convert_type3A_942 = tpu.bitcast %and3A_941 : vector<16xi32> -> vector<16xf32>
        %add3A_943 = arith.addf %bitcast_convert_type3A_938, %bitcast_convert_type3A_942 : vector<16xf32>
        %shift_left3A_944 = arith.constant 16 : i32
        %shift_left3A_945 = vector.broadcast %shift_left3A_944 : i32 to vector<16xi32>
        %shift_left3A_946 = arith.shli %gather3A_763, %shift_left3A_945 : vector<16xi32>
        %bitcast_convert_type3A_947 = tpu.bitcast %shift_left3A_946 : vector<16xi32> -> vector<16xf32>
        %shift_left3A_948 = arith.constant 16 : i32
        %shift_left3A_949 = vector.broadcast %shift_left3A_948 : i32 to vector<16xi32>
        %shift_left3A_950 = arith.shli %gather3A_827, %shift_left3A_949 : vector<16xi32>
        %bitcast_convert_type3A_951 = tpu.bitcast %shift_left3A_950 : vector<16xi32> -> vector<16xf32>
        %add3A_952 = arith.addf %bitcast_convert_type3A_947, %bitcast_convert_type3A_951 : vector<16xf32>
        %and3A_953 = arith.constant -65536 : i32
        %and3A_954 = vector.broadcast %and3A_953 : i32 to vector<16xi32>
        %and3A_955 = arith.andi %gather3A_763, %and3A_954 : vector<16xi32>
        %bitcast_convert_type3A_956 = tpu.bitcast %and3A_955 : vector<16xi32> -> vector<16xf32>
        %and3A_957 = arith.constant -65536 : i32
        %and3A_958 = vector.broadcast %and3A_957 : i32 to vector<16xi32>
        %and3A_959 = arith.andi %gather3A_827, %and3A_958 : vector<16xi32>
        %bitcast_convert_type3A_960 = tpu.bitcast %and3A_959 : vector<16xi32> -> vector<16xf32>
        %add3A_961 = arith.addf %bitcast_convert_type3A_956, %bitcast_convert_type3A_960 : vector<16xf32>
        %shift_left3A_962 = arith.constant 16 : i32
        %shift_left3A_963 = vector.broadcast %shift_left3A_962 : i32 to vector<16xi32>
        %shift_left3A_964 = arith.shli %gather3A_767, %shift_left3A_963 : vector<16xi32>
        %bitcast_convert_type3A_965 = tpu.bitcast %shift_left3A_964 : vector<16xi32> -> vector<16xf32>
        %shift_left3A_966 = arith.constant 16 : i32
        %shift_left3A_967 = vector.broadcast %shift_left3A_966 : i32 to vector<16xi32>
        %shift_left3A_968 = arith.shli %gather3A_831, %shift_left3A_967 : vector<16xi32>
        %bitcast_convert_type3A_969 = tpu.bitcast %shift_left3A_968 : vector<16xi32> -> vector<16xf32>
        %add3A_970 = arith.addf %bitcast_convert_type3A_965, %bitcast_convert_type3A_969 : vector<16xf32>
        %and3A_971 = arith.constant -65536 : i32
        %and3A_972 = vector.broadcast %and3A_971 : i32 to vector<16xi32>
        %and3A_973 = arith.andi %gather3A_767, %and3A_972 : vector<16xi32>
        %bitcast_convert_type3A_974 = tpu.bitcast %and3A_973 : vector<16xi32> -> vector<16xf32>
        %and3A_975 = arith.constant -65536 : i32
        %and3A_976 = vector.broadcast %and3A_975 : i32 to vector<16xi32>
        %and3A_977 = arith.andi %gather3A_831, %and3A_976 : vector<16xi32>
        %bitcast_convert_type3A_978 = tpu.bitcast %and3A_977 : vector<16xi32> -> vector<16xf32>
        %add3A_979 = arith.addf %bitcast_convert_type3A_974, %bitcast_convert_type3A_978 : vector<16xf32>
        %shift_left3A_980 = arith.constant 16 : i32
        %shift_left3A_981 = vector.broadcast %shift_left3A_980 : i32 to vector<16xi32>
        %shift_left3A_982 = arith.shli %gather3A_771, %shift_left3A_981 : vector<16xi32>
        %bitcast_convert_type3A_983 = tpu.bitcast %shift_left3A_982 : vector<16xi32> -> vector<16xf32>
        %shift_left3A_984 = arith.constant 16 : i32
        %shift_left3A_985 = vector.broadcast %shift_left3A_984 : i32 to vector<16xi32>
        %shift_left3A_986 = arith.shli %gather3A_835, %shift_left3A_985 : vector<16xi32>
        %bitcast_convert_type3A_987 = tpu.bitcast %shift_left3A_986 : vector<16xi32> -> vector<16xf32>
        %add3A_988 = arith.addf %bitcast_convert_type3A_983, %bitcast_convert_type3A_987 : vector<16xf32>
        %and3A_989 = arith.constant -65536 : i32
        %and3A_990 = vector.broadcast %and3A_989 : i32 to vector<16xi32>
        %and3A_991 = arith.andi %gather3A_771, %and3A_990 : vector<16xi32>
        %bitcast_convert_type3A_992 = tpu.bitcast %and3A_991 : vector<16xi32> -> vector<16xf32>
        %and3A_993 = arith.constant -65536 : i32
        %and3A_994 = vector.broadcast %and3A_993 : i32 to vector<16xi32>
        %and3A_995 = arith.andi %gather3A_835, %and3A_994 : vector<16xi32>
        %bitcast_convert_type3A_996 = tpu.bitcast %and3A_995 : vector<16xi32> -> vector<16xf32>
        %add3A_997 = arith.addf %bitcast_convert_type3A_992, %bitcast_convert_type3A_996 : vector<16xf32>
        %shift_left3A_998 = arith.constant 16 : i32
        %shift_left3A_999 = vector.broadcast %shift_left3A_998 : i32 to vector<16xi32>
        %shift_left3A_1000 = arith.shli %gather3A_775, %shift_left3A_999 : vector<16xi32>
        %bitcast_convert_type3A_1001 = tpu.bitcast %shift_left3A_1000 : vector<16xi32> -> vector<16xf32>
        %shift_left3A_1002 = arith.constant 16 : i32
        %shift_left3A_1003 = vector.broadcast %shift_left3A_1002 : i32 to vector<16xi32>
        %shift_left3A_1004 = arith.shli %gather3A_839, %shift_left3A_1003 : vector<16xi32>
        %bitcast_convert_type3A_1005 = tpu.bitcast %shift_left3A_1004 : vector<16xi32> -> vector<16xf32>
        %add3A_1006 = arith.addf %bitcast_convert_type3A_1001, %bitcast_convert_type3A_1005 : vector<16xf32>
        %and3A_1007 = arith.constant -65536 : i32
        %and3A_1008 = vector.broadcast %and3A_1007 : i32 to vector<16xi32>
        %and3A_1009 = arith.andi %gather3A_775, %and3A_1008 : vector<16xi32>
        %bitcast_convert_type3A_1010 = tpu.bitcast %and3A_1009 : vector<16xi32> -> vector<16xf32>
        %and3A_1011 = arith.constant -65536 : i32
        %and3A_1012 = vector.broadcast %and3A_1011 : i32 to vector<16xi32>
        %and3A_1013 = arith.andi %gather3A_839, %and3A_1012 : vector<16xi32>
        %bitcast_convert_type3A_1014 = tpu.bitcast %and3A_1013 : vector<16xi32> -> vector<16xf32>
        %add3A_1015 = arith.addf %bitcast_convert_type3A_1010, %bitcast_convert_type3A_1014 : vector<16xf32>
        %shift_left3A_1016 = arith.constant 16 : i32
        %shift_left3A_1017 = vector.broadcast %shift_left3A_1016 : i32 to vector<16xi32>
        %shift_left3A_1018 = arith.shli %gather3A_779, %shift_left3A_1017 : vector<16xi32>
        %bitcast_convert_type3A_1019 = tpu.bitcast %shift_left3A_1018 : vector<16xi32> -> vector<16xf32>
        %shift_left3A_1020 = arith.constant 16 : i32
        %shift_left3A_1021 = vector.broadcast %shift_left3A_1020 : i32 to vector<16xi32>
        %shift_left3A_1022 = arith.shli %gather3A_843, %shift_left3A_1021 : vector<16xi32>
        %bitcast_convert_type3A_1023 = tpu.bitcast %shift_left3A_1022 : vector<16xi32> -> vector<16xf32>
        %add3A_1024 = arith.addf %bitcast_convert_type3A_1019, %bitcast_convert_type3A_1023 : vector<16xf32>
        %and3A_1025 = arith.constant -65536 : i32
        %and3A_1026 = vector.broadcast %and3A_1025 : i32 to vector<16xi32>
        %and3A_1027 = arith.andi %gather3A_779, %and3A_1026 : vector<16xi32>
        %bitcast_convert_type3A_1028 = tpu.bitcast %and3A_1027 : vector<16xi32> -> vector<16xf32>
        %and3A_1029 = arith.constant -65536 : i32
        %and3A_1030 = vector.broadcast %and3A_1029 : i32 to vector<16xi32>
        %and3A_1031 = arith.andi %gather3A_843, %and3A_1030 : vector<16xi32>
        %bitcast_convert_type3A_1032 = tpu.bitcast %and3A_1031 : vector<16xi32> -> vector<16xf32>
        %add3A_1033 = arith.addf %bitcast_convert_type3A_1028, %bitcast_convert_type3A_1032 : vector<16xf32>
        %shift_left3A_1034 = arith.constant 16 : i32
        %shift_left3A_1035 = vector.broadcast %shift_left3A_1034 : i32 to vector<16xi32>
        %shift_left3A_1036 = arith.shli %gather3A_783, %shift_left3A_1035 : vector<16xi32>
        %bitcast_convert_type3A_1037 = tpu.bitcast %shift_left3A_1036 : vector<16xi32> -> vector<16xf32>
        %shift_left3A_1038 = arith.constant 16 : i32
        %shift_left3A_1039 = vector.broadcast %shift_left3A_1038 : i32 to vector<16xi32>
        %shift_left3A_1040 = arith.shli %gather3A_847, %shift_left3A_1039 : vector<16xi32>
        %bitcast_convert_type3A_1041 = tpu.bitcast %shift_left3A_1040 : vector<16xi32> -> vector<16xf32>
        %add3A_1042 = arith.addf %bitcast_convert_type3A_1037, %bitcast_convert_type3A_1041 : vector<16xf32>
        %and3A_1043 = arith.constant -65536 : i32
        %and3A_1044 = vector.broadcast %and3A_1043 : i32 to vector<16xi32>
        %and3A_1045 = arith.andi %gather3A_783, %and3A_1044 : vector<16xi32>
        %bitcast_convert_type3A_1046 = tpu.bitcast %and3A_1045 : vector<16xi32> -> vector<16xf32>
        %and3A_1047 = arith.constant -65536 : i32
        %and3A_1048 = vector.broadcast %and3A_1047 : i32 to vector<16xi32>
        %and3A_1049 = arith.andi %gather3A_847, %and3A_1048 : vector<16xi32>
        %bitcast_convert_type3A_1050 = tpu.bitcast %and3A_1049 : vector<16xi32> -> vector<16xf32>
        %add3A_1051 = arith.addf %bitcast_convert_type3A_1046, %bitcast_convert_type3A_1050 : vector<16xf32>
        %shift_left3A_1052 = arith.constant 16 : i32
        %shift_left3A_1053 = vector.broadcast %shift_left3A_1052 : i32 to vector<16xi32>
        %shift_left3A_1054 = arith.shli %gather3A_787, %shift_left3A_1053 : vector<16xi32>
        %bitcast_convert_type3A_1055 = tpu.bitcast %shift_left3A_1054 : vector<16xi32> -> vector<16xf32>
        %shift_left3A_1056 = arith.constant 16 : i32
        %shift_left3A_1057 = vector.broadcast %shift_left3A_1056 : i32 to vector<16xi32>
        %shift_left3A_1058 = arith.shli %gather3A_851, %shift_left3A_1057 : vector<16xi32>
        %bitcast_convert_type3A_1059 = tpu.bitcast %shift_left3A_1058 : vector<16xi32> -> vector<16xf32>
        %add3A_1060 = arith.addf %bitcast_convert_type3A_1055, %bitcast_convert_type3A_1059 : vector<16xf32>
        %and3A_1061 = arith.constant -65536 : i32
        %and3A_1062 = vector.broadcast %and3A_1061 : i32 to vector<16xi32>
        %and3A_1063 = arith.andi %gather3A_787, %and3A_1062 : vector<16xi32>
        %bitcast_convert_type3A_1064 = tpu.bitcast %and3A_1063 : vector<16xi32> -> vector<16xf32>
        %and3A_1065 = arith.constant -65536 : i32
        %and3A_1066 = vector.broadcast %and3A_1065 : i32 to vector<16xi32>
        %and3A_1067 = arith.andi %gather3A_851, %and3A_1066 : vector<16xi32>
        %bitcast_convert_type3A_1068 = tpu.bitcast %and3A_1067 : vector<16xi32> -> vector<16xf32>
        %add3A_1069 = arith.addf %bitcast_convert_type3A_1064, %bitcast_convert_type3A_1068 : vector<16xf32>
        %shift_left3A_1070 = arith.constant 16 : i32
        %shift_left3A_1071 = vector.broadcast %shift_left3A_1070 : i32 to vector<16xi32>
        %shift_left3A_1072 = arith.shli %gather3A_791, %shift_left3A_1071 : vector<16xi32>
        %bitcast_convert_type3A_1073 = tpu.bitcast %shift_left3A_1072 : vector<16xi32> -> vector<16xf32>
        %shift_left3A_1074 = arith.constant 16 : i32
        %shift_left3A_1075 = vector.broadcast %shift_left3A_1074 : i32 to vector<16xi32>
        %shift_left3A_1076 = arith.shli %gather3A_855, %shift_left3A_1075 : vector<16xi32>
        %bitcast_convert_type3A_1077 = tpu.bitcast %shift_left3A_1076 : vector<16xi32> -> vector<16xf32>
        %add3A_1078 = arith.addf %bitcast_convert_type3A_1073, %bitcast_convert_type3A_1077 : vector<16xf32>
        %and3A_1079 = arith.constant -65536 : i32
        %and3A_1080 = vector.broadcast %and3A_1079 : i32 to vector<16xi32>
        %and3A_1081 = arith.andi %gather3A_791, %and3A_1080 : vector<16xi32>
        %bitcast_convert_type3A_1082 = tpu.bitcast %and3A_1081 : vector<16xi32> -> vector<16xf32>
        %and3A_1083 = arith.constant -65536 : i32
        %and3A_1084 = vector.broadcast %and3A_1083 : i32 to vector<16xi32>
        %and3A_1085 = arith.andi %gather3A_855, %and3A_1084 : vector<16xi32>
        %bitcast_convert_type3A_1086 = tpu.bitcast %and3A_1085 : vector<16xi32> -> vector<16xf32>
        %add3A_1087 = arith.addf %bitcast_convert_type3A_1082, %bitcast_convert_type3A_1086 : vector<16xf32>
        %shift_left3A_1088 = arith.constant 16 : i32
        %shift_left3A_1089 = vector.broadcast %shift_left3A_1088 : i32 to vector<16xi32>
        %shift_left3A_1090 = arith.shli %gather3A_795, %shift_left3A_1089 : vector<16xi32>
        %bitcast_convert_type3A_1091 = tpu.bitcast %shift_left3A_1090 : vector<16xi32> -> vector<16xf32>
        %shift_left3A_1092 = arith.constant 16 : i32
        %shift_left3A_1093 = vector.broadcast %shift_left3A_1092 : i32 to vector<16xi32>
        %shift_left3A_1094 = arith.shli %gather3A_859, %shift_left3A_1093 : vector<16xi32>
        %bitcast_convert_type3A_1095 = tpu.bitcast %shift_left3A_1094 : vector<16xi32> -> vector<16xf32>
        %add3A_1096 = arith.addf %bitcast_convert_type3A_1091, %bitcast_convert_type3A_1095 : vector<16xf32>
        %and3A_1097 = arith.constant -65536 : i32
        %and3A_1098 = vector.broadcast %and3A_1097 : i32 to vector<16xi32>
        %and3A_1099 = arith.andi %gather3A_795, %and3A_1098 : vector<16xi32>
        %bitcast_convert_type3A_1100 = tpu.bitcast %and3A_1099 : vector<16xi32> -> vector<16xf32>
        %and3A_1101 = arith.constant -65536 : i32
        %and3A_1102 = vector.broadcast %and3A_1101 : i32 to vector<16xi32>
        %and3A_1103 = arith.andi %gather3A_859, %and3A_1102 : vector<16xi32>
        %bitcast_convert_type3A_1104 = tpu.bitcast %and3A_1103 : vector<16xi32> -> vector<16xf32>
        %add3A_1105 = arith.addf %bitcast_convert_type3A_1100, %bitcast_convert_type3A_1104 : vector<16xf32>
        %shift_left3A_1106 = arith.constant 16 : i32
        %shift_left3A_1107 = vector.broadcast %shift_left3A_1106 : i32 to vector<16xi32>
        %shift_left3A_1108 = arith.shli %gather3A_799, %shift_left3A_1107 : vector<16xi32>
        %bitcast_convert_type3A_1109 = tpu.bitcast %shift_left3A_1108 : vector<16xi32> -> vector<16xf32>
        %shift_left3A_1110 = arith.constant 16 : i32
        %shift_left3A_1111 = vector.broadcast %shift_left3A_1110 : i32 to vector<16xi32>
        %shift_left3A_1112 = arith.shli %gather3A_863, %shift_left3A_1111 : vector<16xi32>
        %bitcast_convert_type3A_1113 = tpu.bitcast %shift_left3A_1112 : vector<16xi32> -> vector<16xf32>
        %add3A_1114 = arith.addf %bitcast_convert_type3A_1109, %bitcast_convert_type3A_1113 : vector<16xf32>
        %and3A_1115 = arith.constant -65536 : i32
        %and3A_1116 = vector.broadcast %and3A_1115 : i32 to vector<16xi32>
        %and3A_1117 = arith.andi %gather3A_799, %and3A_1116 : vector<16xi32>
        %bitcast_convert_type3A_1118 = tpu.bitcast %and3A_1117 : vector<16xi32> -> vector<16xf32>
        %and3A_1119 = arith.constant -65536 : i32
        %and3A_1120 = vector.broadcast %and3A_1119 : i32 to vector<16xi32>
        %and3A_1121 = arith.andi %gather3A_863, %and3A_1120 : vector<16xi32>
        %bitcast_convert_type3A_1122 = tpu.bitcast %and3A_1121 : vector<16xi32> -> vector<16xf32>
        %add3A_1123 = arith.addf %bitcast_convert_type3A_1118, %bitcast_convert_type3A_1122 : vector<16xf32>
        %shift_left3A_1124 = arith.constant 16 : i32
        %shift_left3A_1125 = vector.broadcast %shift_left3A_1124 : i32 to vector<16xi32>
        %shift_left3A_1126 = arith.shli %gather3A_803, %shift_left3A_1125 : vector<16xi32>
        %bitcast_convert_type3A_1127 = tpu.bitcast %shift_left3A_1126 : vector<16xi32> -> vector<16xf32>
        %shift_left3A_1128 = arith.constant 16 : i32
        %shift_left3A_1129 = vector.broadcast %shift_left3A_1128 : i32 to vector<16xi32>
        %shift_left3A_1130 = arith.shli %gather3A_867, %shift_left3A_1129 : vector<16xi32>
        %bitcast_convert_type3A_1131 = tpu.bitcast %shift_left3A_1130 : vector<16xi32> -> vector<16xf32>
        %add3A_1132 = arith.addf %bitcast_convert_type3A_1127, %bitcast_convert_type3A_1131 : vector<16xf32>
        %and3A_1133 = arith.constant -65536 : i32
        %and3A_1134 = vector.broadcast %and3A_1133 : i32 to vector<16xi32>
        %and3A_1135 = arith.andi %gather3A_803, %and3A_1134 : vector<16xi32>
        %bitcast_convert_type3A_1136 = tpu.bitcast %and3A_1135 : vector<16xi32> -> vector<16xf32>
        %and3A_1137 = arith.constant -65536 : i32
        %and3A_1138 = vector.broadcast %and3A_1137 : i32 to vector<16xi32>
        %and3A_1139 = arith.andi %gather3A_867, %and3A_1138 : vector<16xi32>
        %bitcast_convert_type3A_1140 = tpu.bitcast %and3A_1139 : vector<16xi32> -> vector<16xf32>
        %add3A_1141 = arith.addf %bitcast_convert_type3A_1136, %bitcast_convert_type3A_1140 : vector<16xf32>
        %shift_left3A_1142 = arith.constant 16 : i32
        %shift_left3A_1143 = vector.broadcast %shift_left3A_1142 : i32 to vector<16xi32>
        %shift_left3A_1144 = arith.shli %gather3A_807, %shift_left3A_1143 : vector<16xi32>
        %bitcast_convert_type3A_1145 = tpu.bitcast %shift_left3A_1144 : vector<16xi32> -> vector<16xf32>
        %shift_left3A_1146 = arith.constant 16 : i32
        %shift_left3A_1147 = vector.broadcast %shift_left3A_1146 : i32 to vector<16xi32>
        %shift_left3A_1148 = arith.shli %gather3A_871, %shift_left3A_1147 : vector<16xi32>
        %bitcast_convert_type3A_1149 = tpu.bitcast %shift_left3A_1148 : vector<16xi32> -> vector<16xf32>
        %add3A_1150 = arith.addf %bitcast_convert_type3A_1145, %bitcast_convert_type3A_1149 : vector<16xf32>
        %and3A_1151 = arith.constant -65536 : i32
        %and3A_1152 = vector.broadcast %and3A_1151 : i32 to vector<16xi32>
        %and3A_1153 = arith.andi %gather3A_807, %and3A_1152 : vector<16xi32>
        %bitcast_convert_type3A_1154 = tpu.bitcast %and3A_1153 : vector<16xi32> -> vector<16xf32>
        %and3A_1155 = arith.constant -65536 : i32
        %and3A_1156 = vector.broadcast %and3A_1155 : i32 to vector<16xi32>
        %and3A_1157 = arith.andi %gather3A_871, %and3A_1156 : vector<16xi32>
        %bitcast_convert_type3A_1158 = tpu.bitcast %and3A_1157 : vector<16xi32> -> vector<16xf32>
        %add3A_1159 = arith.addf %bitcast_convert_type3A_1154, %bitcast_convert_type3A_1158 : vector<16xf32>
        %swap3A_1160 = arith.constant 4 : i32
        %swap3A_1161 = arith.constant 0 : i32
        %swap3A_1162 = arith.index_cast %swap3A_1160 : i32 to index
        %swap3A_1163 = arith.index_cast %swap3A_1161 : i32 to index
        %swap3A_1164 = arith.index_cast %mul3A_139 : i32 to index
        %swap3A_1165 = tpu.vector_load %arg9[%swap3A_1162, %swap3A_1163, %swap3A_1164] {strides = array<i32>} : memref<8x8x128xf32, #tpu.memory_space<vmem>>, vector<16xf32>,
        tpu.vector_store %arg9[%swap3A_1162, %swap3A_1163, %swap3A_1164], %add3A_880 {strides = array<i32>} : memref<8x8x128xf32, #tpu.memory_space<vmem>>, vector<16xf32>,
        %swap3A_1166 = arith.constant 4 : i32
        %swap3A_1167 = arith.constant 1 : i32
        %swap3A_1168 = arith.index_cast %swap3A_1166 : i32 to index
        %swap3A_1169 = arith.index_cast %swap3A_1167 : i32 to index
        %swap3A_1170 = arith.index_cast %mul3A_139 : i32 to index
        %swap3A_1171 = tpu.vector_load %arg9[%swap3A_1168, %swap3A_1169, %swap3A_1170] {strides = array<i32>} : memref<8x8x128xf32, #tpu.memory_space<vmem>>, vector<16xf32>,
        tpu.vector_store %arg9[%swap3A_1168, %swap3A_1169, %swap3A_1170], %add3A_889 {strides = array<i32>} : memref<8x8x128xf32, #tpu.memory_space<vmem>>, vector<16xf32>,
        %swap3A_1172 = arith.constant 4 : i32
        %swap3A_1173 = arith.constant 2 : i32
        %swap3A_1174 = arith.index_cast %swap3A_1172 : i32 to index
        %swap3A_1175 = arith.index_cast %swap3A_1173 : i32 to index
        %swap3A_1176 = arith.index_cast %mul3A_139 : i32 to index
        %swap3A_1177 = tpu.vector_load %arg9[%swap3A_1174, %swap3A_1175, %swap3A_1176] {strides = array<i32>} : memref<8x8x128xf32, #tpu.memory_space<vmem>>, vector<16xf32>,
        tpu.vector_store %arg9[%swap3A_1174, %swap3A_1175, %swap3A_1176], %add3A_898 {strides = array<i32>} : memref<8x8x128xf32, #tpu.memory_space<vmem>>, vector<16xf32>,
        %swap3A_1178 = arith.constant 4 : i32
        %swap3A_1179 = arith.constant 3 : i32
        %swap3A_1180 = arith.index_cast %swap3A_1178 : i32 to index
        %swap3A_1181 = arith.index_cast %swap3A_1179 : i32 to index
        %swap3A_1182 = arith.index_cast %mul3A_139 : i32 to index
        %swap3A_1183 = tpu.vector_load %arg9[%swap3A_1180, %swap3A_1181, %swap3A_1182] {strides = array<i32>} : memref<8x8x128xf32, #tpu.memory_space<vmem>>, vector<16xf32>,
        tpu.vector_store %arg9[%swap3A_1180, %swap3A_1181, %swap3A_1182], %add3A_907 {strides = array<i32>} : memref<8x8x128xf32, #tpu.memory_space<vmem>>, vector<16xf32>,
        %swap3A_1184 = arith.constant 4 : i32
        %swap3A_1185 = arith.constant 4 : i32
        %swap3A_1186 = arith.index_cast %swap3A_1184 : i32 to index
        %swap3A_1187 = arith.index_cast %swap3A_1185 : i32 to index
        %swap3A_1188 = arith.index_cast %mul3A_139 : i32 to index
        %swap3A_1189 = tpu.vector_load %arg9[%swap3A_1186, %swap3A_1187, %swap3A_1188] {strides = array<i32>} : memref<8x8x128xf32, #tpu.memory_space<vmem>>, vector<16xf32>,
        tpu.vector_store %arg9[%swap3A_1186, %swap3A_1187, %swap3A_1188], %add3A_916 {strides = array<i32>} : memref<8x8x128xf32, #tpu.memory_space<vmem>>, vector<16xf32>,
        %swap3A_1190 = arith.constant 4 : i32
        %swap3A_1191 = arith.constant 5 : i32
        %swap3A_1192 = arith.index_cast %swap3A_1190 : i32 to index
        %swap3A_1193 = arith.index_cast %swap3A_1191 : i32 to index
        %swap3A_1194 = arith.index_cast %mul3A_139 : i32 to index
        %swap3A_1195 = tpu.vector_load %arg9[%swap3A_1192, %swap3A_1193, %swap3A_1194] {strides = array<i32>} : memref<8x8x128xf32, #tpu.memory_space<vmem>>, vector<16xf32>,
        tpu.vector_store %arg9[%swap3A_1192, %swap3A_1193, %swap3A_1194], %add3A_925 {strides = array<i32>} : memref<8x8x128xf32, #tpu.memory_space<vmem>>, vector<16xf32>,
        %swap3A_1196 = arith.constant 4 : i32
        %swap3A_1197 = arith.constant 6 : i32
        %swap3A_1198 = arith.index_cast %swap3A_1196 : i32 to index
        %swap3A_1199 = arith.index_cast %swap3A_1197 : i32 to index
        %swap3A_1200 = arith.index_cast %mul3A_139 : i32 to index
        %swap3A_1201 = tpu.vector_load %arg9[%swap3A_1198, %swap3A_1199, %swap3A_1200] {strides = array<i32>} : memref<8x8x128xf32, #tpu.memory_space<vmem>>, vector<16xf32>,
        tpu.vector_store %arg9[%swap3A_1198, %swap3A_1199, %swap3A_1200], %add3A_934 {strides = array<i32>} : memref<8x8x128xf32, #tpu.memory_space<vmem>>, vector<16xf32>,
        %swap3A_1202 = arith.constant 4 : i32
        %swap3A_1203 = arith.constant 7 : i32
        %swap3A_1204 = arith.index_cast %swap3A_1202 : i32 to index
        %swap3A_1205 = arith.index_cast %swap3A_1203 : i32 to index
        %swap3A_1206 = arith.index_cast %mul3A_139 : i32 to index
        %swap3A_1207 = tpu.vector_load %arg9[%swap3A_1204, %swap3A_1205, %swap3A_1206] {strides = array<i32>} : memref<8x8x128xf32, #tpu.memory_space<vmem>>, vector<16xf32>,
        tpu.vector_store %arg9[%swap3A_1204, %swap3A_1205, %swap3A_1206], %add3A_943 {strides = array<i32>} : memref<8x8x128xf32, #tpu.memory_space<vmem>>, vector<16xf32>,
        %swap3A_1208 = arith.constant 5 : i32
        %swap3A_1209 = arith.constant 0 : i32
        %swap3A_1210 = arith.index_cast %swap3A_1208 : i32 to index
        %swap3A_1211 = arith.index_cast %swap3A_1209 : i32 to index
        %swap3A_1212 = arith.index_cast %mul3A_139 : i32 to index
        %swap3A_1213 = tpu.vector_load %arg9[%swap3A_1210, %swap3A_1211, %swap3A_1212] {strides = array<i32>} : memref<8x8x128xf32, #tpu.memory_space<vmem>>, vector<16xf32>,
        tpu.vector_store %arg9[%swap3A_1210, %swap3A_1211, %swap3A_1212], %add3A_952 {strides = array<i32>} : memref<8x8x128xf32, #tpu.memory_space<vmem>>, vector<16xf32>,
        %swap3A_1214 = arith.constant 5 : i32
        %swap3A_1215 = arith.constant 1 : i32
        %swap3A_1216 = arith.index_cast %swap3A_1214 : i32 to index
        %swap3A_1217 = arith.index_cast %swap3A_1215 : i32 to index
        %swap3A_1218 = arith.index_cast %mul3A_139 : i32 to index
        %swap3A_1219 = tpu.vector_load %arg9[%swap3A_1216, %swap3A_1217, %swap3A_1218] {strides = array<i32>} : memref<8x8x128xf32, #tpu.memory_space<vmem>>, vector<16xf32>,
        tpu.vector_store %arg9[%swap3A_1216, %swap3A_1217, %swap3A_1218], %add3A_961 {strides = array<i32>} : memref<8x8x128xf32, #tpu.memory_space<vmem>>, vector<16xf32>,
        %swap3A_1220 = arith.constant 5 : i32
        %swap3A_1221 = arith.constant 2 : i32
        %swap3A_1222 = arith.index_cast %swap3A_1220 : i32 to index
        %swap3A_1223 = arith.index_cast %swap3A_1221 : i32 to index
        %swap3A_1224 = arith.index_cast %mul3A_139 : i32 to index
        %swap3A_1225 = tpu.vector_load %arg9[%swap3A_1222, %swap3A_1223, %swap3A_1224] {strides = array<i32>} : memref<8x8x128xf32, #tpu.memory_space<vmem>>, vector<16xf32>,
        tpu.vector_store %arg9[%swap3A_1222, %swap3A_1223, %swap3A_1224], %add3A_970 {strides = array<i32>} : memref<8x8x128xf32, #tpu.memory_space<vmem>>, vector<16xf32>,
        %swap3A_1226 = arith.constant 5 : i32
        %swap3A_1227 = arith.constant 3 : i32
        %swap3A_1228 = arith.index_cast %swap3A_1226 : i32 to index
        %swap3A_1229 = arith.index_cast %swap3A_1227 : i32 to index
        %swap3A_1230 = arith.index_cast %mul3A_139 : i32 to index
        %swap3A_1231 = tpu.vector_load %arg9[%swap3A_1228, %swap3A_1229, %swap3A_1230] {strides = array<i32>} : memref<8x8x128xf32, #tpu.memory_space<vmem>>, vector<16xf32>,
        tpu.vector_store %arg9[%swap3A_1228, %swap3A_1229, %swap3A_1230], %add3A_979 {strides = array<i32>} : memref<8x8x128xf32, #tpu.memory_space<vmem>>, vector<16xf32>,
        %swap3A_1232 = arith.constant 5 : i32
        %swap3A_1233 = arith.constant 4 : i32
        %swap3A_1234 = arith.index_cast %swap3A_1232 : i32 to index
        %swap3A_1235 = arith.index_cast %swap3A_1233 : i32 to index
        %swap3A_1236 = arith.index_cast %mul3A_139 : i32 to index
        %swap3A_1237 = tpu.vector_load %arg9[%swap3A_1234, %swap3A_1235, %swap3A_1236] {strides = array<i32>} : memref<8x8x128xf32, #tpu.memory_space<vmem>>, vector<16xf32>,
        tpu.vector_store %arg9[%swap3A_1234, %swap3A_1235, %swap3A_1236], %add3A_988 {strides = array<i32>} : memref<8x8x128xf32, #tpu.memory_space<vmem>>, vector<16xf32>,
        %swap3A_1238 = arith.constant 5 : i32
        %swap3A_1239 = arith.constant 5 : i32
        %swap3A_1240 = arith.index_cast %swap3A_1238 : i32 to index
        %swap3A_1241 = arith.index_cast %swap3A_1239 : i32 to index
        %swap3A_1242 = arith.index_cast %mul3A_139 : i32 to index
        %swap3A_1243 = tpu.vector_load %arg9[%swap3A_1240, %swap3A_1241, %swap3A_1242] {strides = array<i32>} : memref<8x8x128xf32, #tpu.memory_space<vmem>>, vector<16xf32>,
        tpu.vector_store %arg9[%swap3A_1240, %swap3A_1241, %swap3A_1242], %add3A_997 {strides = array<i32>} : memref<8x8x128xf32, #tpu.memory_space<vmem>>, vector<16xf32>,
        %swap3A_1244 = arith.constant 5 : i32
        %swap3A_1245 = arith.constant 6 : i32
        %swap3A_1246 = arith.index_cast %swap3A_1244 : i32 to index
        %swap3A_1247 = arith.index_cast %swap3A_1245 : i32 to index
        %swap3A_1248 = arith.index_cast %mul3A_139 : i32 to index
        %swap3A_1249 = tpu.vector_load %arg9[%swap3A_1246, %swap3A_1247, %swap3A_1248] {strides = array<i32>} : memref<8x8x128xf32, #tpu.memory_space<vmem>>, vector<16xf32>,
        tpu.vector_store %arg9[%swap3A_1246, %swap3A_1247, %swap3A_1248], %add3A_1006 {strides = array<i32>} : memref<8x8x128xf32, #tpu.memory_space<vmem>>, vector<16xf32>,
        %swap3A_1250 = arith.constant 5 : i32
        %swap3A_1251 = arith.constant 7 : i32
        %swap3A_1252 = arith.index_cast %swap3A_1250 : i32 to index
        %swap3A_1253 = arith.index_cast %swap3A_1251 : i32 to index
        %swap3A_1254 = arith.index_cast %mul3A_139 : i32 to index
        %swap3A_1255 = tpu.vector_load %arg9[%swap3A_1252, %swap3A_1253, %swap3A_1254] {strides = array<i32>} : memref<8x8x128xf32, #tpu.memory_space<vmem>>, vector<16xf32>,
        tpu.vector_store %arg9[%swap3A_1252, %swap3A_1253, %swap3A_1254], %add3A_1015 {strides = array<i32>} : memref<8x8x128xf32, #tpu.memory_space<vmem>>, vector<16xf32>,
        %swap3A_1256 = arith.constant 6 : i32
        %swap3A_1257 = arith.constant 0 : i32
        %swap3A_1258 = arith.index_cast %swap3A_1256 : i32 to index
        %swap3A_1259 = arith.index_cast %swap3A_1257 : i32 to index
        %swap3A_1260 = arith.index_cast %mul3A_139 : i32 to index
        %swap3A_1261 = tpu.vector_load %arg9[%swap3A_1258, %swap3A_1259, %swap3A_1260] {strides = array<i32>} : memref<8x8x128xf32, #tpu.memory_space<vmem>>, vector<16xf32>,
        tpu.vector_store %arg9[%swap3A_1258, %swap3A_1259, %swap3A_1260], %add3A_1024 {strides = array<i32>} : memref<8x8x128xf32, #tpu.memory_space<vmem>>, vector<16xf32>,
        %swap3A_1262 = arith.constant 6 : i32
        %swap3A_1263 = arith.constant 1 : i32
        %swap3A_1264 = arith.index_cast %swap3A_1262 : i32 to index
        %swap3A_1265 = arith.index_cast %swap3A_1263 : i32 to index
        %swap3A_1266 = arith.index_cast %mul3A_139 : i32 to index
        %swap3A_1267 = tpu.vector_load %arg9[%swap3A_1264, %swap3A_1265, %swap3A_1266] {strides = array<i32>} : memref<8x8x128xf32, #tpu.memory_space<vmem>>, vector<16xf32>,
        tpu.vector_store %arg9[%swap3A_1264, %swap3A_1265, %swap3A_1266], %add3A_1033 {strides = array<i32>} : memref<8x8x128xf32, #tpu.memory_space<vmem>>, vector<16xf32>,
        %swap3A_1268 = arith.constant 6 : i32
        %swap3A_1269 = arith.constant 2 : i32
        %swap3A_1270 = arith.index_cast %swap3A_1268 : i32 to index
        %swap3A_1271 = arith.index_cast %swap3A_1269 : i32 to index
        %swap3A_1272 = arith.index_cast %mul3A_139 : i32 to index
        %swap3A_1273 = tpu.vector_load %arg9[%swap3A_1270, %swap3A_1271, %swap3A_1272] {strides = array<i32>} : memref<8x8x128xf32, #tpu.memory_space<vmem>>, vector<16xf32>,
        tpu.vector_store %arg9[%swap3A_1270, %swap3A_1271, %swap3A_1272], %add3A_1042 {strides = array<i32>} : memref<8x8x128xf32, #tpu.memory_space<vmem>>, vector<16xf32>,
        %swap3A_1274 = arith.constant 6 : i32
        %swap3A_1275 = arith.constant 3 : i32
        %swap3A_1276 = arith.index_cast %swap3A_1274 : i32 to index
        %swap3A_1277 = arith.index_cast %swap3A_1275 : i32 to index
        %swap3A_1278 = arith.index_cast %mul3A_139 : i32 to index
        %swap3A_1279 = tpu.vector_load %arg9[%swap3A_1276, %swap3A_1277, %swap3A_1278] {strides = array<i32>} : memref<8x8x128xf32, #tpu.memory_space<vmem>>, vector<16xf32>,
        tpu.vector_store %arg9[%swap3A_1276, %swap3A_1277, %swap3A_1278], %add3A_1051 {strides = array<i32>} : memref<8x8x128xf32, #tpu.memory_space<vmem>>, vector<16xf32>,
        %swap3A_1280 = arith.constant 6 : i32
        %swap3A_1281 = arith.constant 4 : i32
        %swap3A_1282 = arith.index_cast %swap3A_1280 : i32 to index
        %swap3A_1283 = arith.index_cast %swap3A_1281 : i32 to index
        %swap3A_1284 = arith.index_cast %mul3A_139 : i32 to index
        %swap3A_1285 = tpu.vector_load %arg9[%swap3A_1282, %swap3A_1283, %swap3A_1284] {strides = array<i32>} : memref<8x8x128xf32, #tpu.memory_space<vmem>>, vector<16xf32>,
        tpu.vector_store %arg9[%swap3A_1282, %swap3A_1283, %swap3A_1284], %add3A_1060 {strides = array<i32>} : memref<8x8x128xf32, #tpu.memory_space<vmem>>, vector<16xf32>,
        %swap3A_1286 = arith.constant 6 : i32
        %swap3A_1287 = arith.constant 5 : i32
        %swap3A_1288 = arith.index_cast %swap3A_1286 : i32 to index
        %swap3A_1289 = arith.index_cast %swap3A_1287 : i32 to index
        %swap3A_1290 = arith.index_cast %mul3A_139 : i32 to index
        %swap3A_1291 = tpu.vector_load %arg9[%swap3A_1288, %swap3A_1289, %swap3A_1290] {strides = array<i32>} : memref<8x8x128xf32, #tpu.memory_space<vmem>>, vector<16xf32>,
        tpu.vector_store %arg9[%swap3A_1288, %swap3A_1289, %swap3A_1290], %add3A_1069 {strides = array<i32>} : memref<8x8x128xf32, #tpu.memory_space<vmem>>, vector<16xf32>,
        %swap3A_1292 = arith.constant 6 : i32
        %swap3A_1293 = arith.constant 6 : i32
        %swap3A_1294 = arith.index_cast %swap3A_1292 : i32 to index
        %swap3A_1295 = arith.index_cast %swap3A_1293 : i32 to index
        %swap3A_1296 = arith.index_cast %mul3A_139 : i32 to index
        %swap3A_1297 = tpu.vector_load %arg9[%swap3A_1294, %swap3A_1295, %swap3A_1296] {strides = array<i32>} : memref<8x8x128xf32, #tpu.memory_space<vmem>>, vector<16xf32>,
        tpu.vector_store %arg9[%swap3A_1294, %swap3A_1295, %swap3A_1296], %add3A_1078 {strides = array<i32>} : memref<8x8x128xf32, #tpu.memory_space<vmem>>, vector<16xf32>,
        %swap3A_1298 = arith.constant 6 : i32
        %swap3A_1299 = arith.constant 7 : i32
        %swap3A_1300 = arith.index_cast %swap3A_1298 : i32 to index
        %swap3A_1301 = arith.index_cast %swap3A_1299 : i32 to index
        %swap3A_1302 = arith.index_cast %mul3A_139 : i32 to index
        %swap3A_1303 = tpu.vector_load %arg9[%swap3A_1300, %swap3A_1301, %swap3A_1302] {strides = array<i32>} : memref<8x8x128xf32, #tpu.memory_space<vmem>>, vector<16xf32>,
        tpu.vector_store %arg9[%swap3A_1300, %swap3A_1301, %swap3A_1302], %add3A_1087 {strides = array<i32>} : memref<8x8x128xf32, #tpu.memory_space<vmem>>, vector<16xf32>,
        %swap3A_1304 = arith.constant 7 : i32
        %swap3A_1305 = arith.constant 0 : i32
        %swap3A_1306 = arith.index_cast %swap3A_1304 : i32 to index
        %swap3A_1307 = arith.index_cast %swap3A_1305 : i32 to index
        %swap3A_1308 = arith.index_cast %mul3A_139 : i32 to index
        %swap3A_1309 = tpu.vector_load %arg9[%swap3A_1306, %swap3A_1307, %swap3A_1308] {strides = array<i32>} : memref<8x8x128xf32, #tpu.memory_space<vmem>>, vector<16xf32>,
        tpu.vector_store %arg9[%swap3A_1306, %swap3A_1307, %swap3A_1308], %add3A_1096 {strides = array<i32>} : memref<8x8x128xf32, #tpu.memory_space<vmem>>, vector<16xf32>,
        %swap3A_1310 = arith.constant 7 : i32
        %swap3A_1311 = arith.constant 1 : i32
        %swap3A_1312 = arith.index_cast %swap3A_1310 : i32 to index
        %swap3A_1313 = arith.index_cast %swap3A_1311 : i32 to index
        %swap3A_1314 = arith.index_cast %mul3A_139 : i32 to index
        %swap3A_1315 = tpu.vector_load %arg9[%swap3A_1312, %swap3A_1313, %swap3A_1314] {strides = array<i32>} : memref<8x8x128xf32, #tpu.memory_space<vmem>>, vector<16xf32>,
        tpu.vector_store %arg9[%swap3A_1312, %swap3A_1313, %swap3A_1314], %add3A_1105 {strides = array<i32>} : memref<8x8x128xf32, #tpu.memory_space<vmem>>, vector<16xf32>,
        %swap3A_1316 = arith.constant 7 : i32
        %swap3A_1317 = arith.constant 2 : i32
        %swap3A_1318 = arith.index_cast %swap3A_1316 : i32 to index
        %swap3A_1319 = arith.index_cast %swap3A_1317 : i32 to index
        %swap3A_1320 = arith.index_cast %mul3A_139 : i32 to index
        %swap3A_1321 = tpu.vector_load %arg9[%swap3A_1318, %swap3A_1319, %swap3A_1320] {strides = array<i32>} : memref<8x8x128xf32, #tpu.memory_space<vmem>>, vector<16xf32>,
        tpu.vector_store %arg9[%swap3A_1318, %swap3A_1319, %swap3A_1320], %add3A_1114 {strides = array<i32>} : memref<8x8x128xf32, #tpu.memory_space<vmem>>, vector<16xf32>,
        %swap3A_1322 = arith.constant 7 : i32
        %swap3A_1323 = arith.constant 3 : i32
        %swap3A_1324 = arith.index_cast %swap3A_1322 : i32 to index
        %swap3A_1325 = arith.index_cast %swap3A_1323 : i32 to index
        %swap3A_1326 = arith.index_cast %mul3A_139 : i32 to index
        %swap3A_1327 = tpu.vector_load %arg9[%swap3A_1324, %swap3A_1325, %swap3A_1326] {strides = array<i32>} : memref<8x8x128xf32, #tpu.memory_space<vmem>>, vector<16xf32>,
        tpu.vector_store %arg9[%swap3A_1324, %swap3A_1325, %swap3A_1326], %add3A_1123 {strides = array<i32>} : memref<8x8x128xf32, #tpu.memory_space<vmem>>, vector<16xf32>,
        %swap3A_1328 = arith.constant 7 : i32
        %swap3A_1329 = arith.constant 4 : i32
        %swap3A_1330 = arith.index_cast %swap3A_1328 : i32 to index
        %swap3A_1331 = arith.index_cast %swap3A_1329 : i32 to index
        %swap3A_1332 = arith.index_cast %mul3A_139 : i32 to index
        %swap3A_1333 = tpu.vector_load %arg9[%swap3A_1330, %swap3A_1331, %swap3A_1332] {strides = array<i32>} : memref<8x8x128xf32, #tpu.memory_space<vmem>>, vector<16xf32>,
        tpu.vector_store %arg9[%swap3A_1330, %swap3A_1331, %swap3A_1332], %add3A_1132 {strides = array<i32>} : memref<8x8x128xf32, #tpu.memory_space<vmem>>, vector<16xf32>,
        %swap3A_1334 = arith.constant 7 : i32
        %swap3A_1335 = arith.constant 5 : i32
        %swap3A_1336 = arith.index_cast %swap3A_1334 : i32 to index
        %swap3A_1337 = arith.index_cast %swap3A_1335 : i32 to index
        %swap3A_1338 = arith.index_cast %mul3A_139 : i32 to index
        %swap3A_1339 = tpu.vector_load %arg9[%swap3A_1336, %swap3A_1337, %swap3A_1338] {strides = array<i32>} : memref<8x8x128xf32, #tpu.memory_space<vmem>>, vector<16xf32>,
        tpu.vector_store %arg9[%swap3A_1336, %swap3A_1337, %swap3A_1338], %add3A_1141 {strides = array<i32>} : memref<8x8x128xf32, #tpu.memory_space<vmem>>, vector<16xf32>,
        %swap3A_1340 = arith.constant 7 : i32
        %swap3A_1341 = arith.constant 6 : i32
        %swap3A_1342 = arith.index_cast %swap3A_1340 : i32 to index
        %swap3A_1343 = arith.index_cast %swap3A_1341 : i32 to index
        %swap3A_1344 = arith.index_cast %mul3A_139 : i32 to index
        %swap3A_1345 = tpu.vector_load %arg9[%swap3A_1342, %swap3A_1343, %swap3A_1344] {strides = array<i32>} : memref<8x8x128xf32, #tpu.memory_space<vmem>>, vector<16xf32>,
        tpu.vector_store %arg9[%swap3A_1342, %swap3A_1343, %swap3A_1344], %add3A_1150 {strides = array<i32>} : memref<8x8x128xf32, #tpu.memory_space<vmem>>, vector<16xf32>,
        %swap3A_1346 = arith.constant 7 : i32
        %swap3A_1347 = arith.constant 7 : i32
        %swap3A_1348 = arith.index_cast %swap3A_1346 : i32 to index
        %swap3A_1349 = arith.index_cast %swap3A_1347 : i32 to index
        %swap3A_1350 = arith.index_cast %mul3A_139 : i32 to index
        %swap3A_1351 = tpu.vector_load %arg9[%swap3A_1348, %swap3A_1349, %swap3A_1350] {strides = array<i32>} : memref<8x8x128xf32, #tpu.memory_space<vmem>>, vector<16xf32>,
        tpu.vector_store %arg9[%swap3A_1348, %swap3A_1349, %swap3A_1350], %add3A_1159 {strides = array<i32>} : memref<8x8x128xf32, #tpu.memory_space<vmem>>, vector<16xf32>,
      }
      %scan3A_43 = arith.constant 8 : i32
      %add3A_44 = arith.addi %mul3A_2, %mul3A_35 : i32
      %jit3A = arith.constant 32 : i32
      %div3A = arith.divsi %add3A_44, %jit3A : i32
      %sign3A = arith.constant 0 : i32
      %sign3A_45 = arith.cmpi sgt, %add3A_44, %sign3A : i32
      %sign3A_46 = arith.extui %sign3A_45 : i1 to i32
      %sign3A_47 = arith.constant 0 : i32
      %sign3A_48 = arith.cmpi slt, %add3A_44, %sign3A_47 : i32
      %sign3A_49 = arith.extui %sign3A_48 : i1 to i32
      %sign3A_50 = arith.subi %sign3A_46, %sign3A_49 : i32
      %sign3A_51 = arith.constant 0 : i32
      %sign3A_52 = arith.cmpi sgt, %jit3A, %sign3A_51 : i32
      %sign3A_53 = arith.extui %sign3A_52 : i1 to i32
      %sign3A_54 = arith.constant 0 : i32
      %sign3A_55 = arith.cmpi slt, %jit3A, %sign3A_54 : i32
      %sign3A_56 = arith.extui %sign3A_55 : i1 to i32
      %sign3A_57 = arith.subi %sign3A_53, %sign3A_56 : i32
      %ne3A = arith.cmpi ne, %sign3A_50, %sign3A_57 : i32
      %rem3A = arith.remsi %add3A_44, %jit3A : i32
      %ne3A_58 = arith.constant 0 : i32
      %ne3A_59 = arith.cmpi ne, %rem3A, %ne3A_58 : i32
      %and3A = arith.andi %ne3A, %ne3A_59 : i1
      %sub3A = arith.constant 1 : i32
      %sub3A_60 = arith.subi %div3A, %sub3A : i32
      %select_n3A = arith.select %and3A, %sub3A_60, %div3A : i32
      %mul3A_61 = arith.constant 32 : i32
      %mul3A_62 = arith.muli %select_n3A, %mul3A_61 : i32
      %sub3A_63 = arith.subi %add3A_44, %mul3A_62 : i32
      %dma_start3A = arith.constant 0 : i32
      %dma_start3A_64 = arith.constant 0 : i32
      %dma_start3A_65 = arith.constant 0 : i32
      %dma_start3A_66 = tpu.memref_slice %arg5[%select_n3A, %dma_start3A, %sub3A_63, %dma_start3A_64, %dma_start3A_65] : memref<200x8x32x8x128xf32, #tpu.memory_space<hbm>> -> memref<1x8x1x8x128xf32, #tpu.memory_space<hbm>>
      %dma_start3A_67 = tpu.memref_squeeze %dma_start3A_66 : memref<1x8x1x8x128xf32, #tpu.memory_space<hbm>> -> memref<8x8x128xf32, #tpu.memory_space<hbm>>
      %dma_start3A_68 = arith.constant 0 : i32
      %dma_start3A_69 = arith.constant 0 : i32
      %dma_start3A_70 = arith.constant 0 : i32
      %dma_start3A_71 = tpu.memref_slice %arg5[%select_n3A, %dma_start3A_68, %sub3A_63, %dma_start3A_69, %dma_start3A_70] : memref<200x8x32x8x128xf32, #tpu.memory_space<hbm>> -> memref<1x8x1x8x128xf32, #tpu.memory_space<hbm>>
      %dma_start3A_72 = tpu.memref_squeeze %dma_start3A_71 : memref<1x8x1x8x128xf32, #tpu.memory_space<hbm>> -> memref<8x8x128xf32, #tpu.memory_space<hbm>>
      tpu.enqueue_dma source(%arg9 : memref<8x8x128xf32, #tpu.memory_space<vmem>>) target(%dma_start3A_72 : memref<8x8x128xf32, #tpu.memory_space<hbm>>) target_semaphore(%arg11 : memref<!tpu.dma_semaphore, #tpu.memory_space<semaphore_mem>>)
      %gt3A_73 = arith.constant 0 : i32
      %gt3A_74 = arith.cmpi sgt, %scan3A_33, %gt3A_73 : i32
      %convert_element_type3A_75 = arith.extui %gt3A_74 : i1 to i32
      %cond3A_76 = arith.constant 0 : i32
      %cond3A_77 = arith.cmpi ne, %convert_element_type3A_75, %cond3A_76 : i32
      scf.if %cond3A_77 {
        %dma_wait3A_126 = arith.constant 0 : i32
        %dma_wait3A_127 = arith.constant 0 : i32
        %dma_wait3A_128 = arith.constant 0 : i32
        %dma_wait3A_129 = arith.constant 0 : i32
        %dma_wait3A_130 = arith.constant 0 : i32
        %dma_wait3A_131 = tpu.memref_slice %arg5[%dma_wait3A_126, %dma_wait3A_128, %dma_wait3A_127, %dma_wait3A_129, %dma_wait3A_130] : memref<200x8x32x8x128xf32, #tpu.memory_space<hbm>> -> memref<1x8x1x8x128xf32, #tpu.memory_space<hbm>>
        %dma_wait3A_132 = tpu.memref_squeeze %dma_wait3A_131 : memref<1x8x1x8x128xf32, #tpu.memory_space<hbm>> -> memref<8x8x128xf32, #tpu.memory_space<hbm>>
        %dma_wait3A_133 = arith.constant 0 : i32
        %dma_wait3A_134 = arith.constant 0 : i32
        %dma_wait3A_135 = arith.constant 0 : i32
        %dma_wait3A_136 = tpu.memref_slice %arg5[%dma_wait3A_126, %dma_wait3A_133, %dma_wait3A_127, %dma_wait3A_134, %dma_wait3A_135] : memref<200x8x32x8x128xf32, #tpu.memory_space<hbm>> -> memref<1x8x1x8x128xf32, #tpu.memory_space<hbm>>
        %dma_wait3A_137 = tpu.memref_squeeze %dma_wait3A_136 : memref<1x8x1x8x128xf32, #tpu.memory_space<hbm>> -> memref<8x8x128xf32, #tpu.memory_space<hbm>>
        tpu.wait_dma2 semaphore(%arg12 : memref<!tpu.dma_semaphore, #tpu.memory_space<semaphore_mem>>) src(%arg10 : memref<8x8x128xf32, #tpu.memory_space<vmem>>) dst(%dma_wait3A_137 : memref<8x8x128xf32, #tpu.memory_space<hbm>>)
      } else {
      }
      %add3A_78 = arith.constant 1 : i32
      %add3A_79 = arith.addi %mul3A_35, %add3A_78 : i32
      %scan3A_80 = arith.constant 0 : i32
      %scan3A_81 = arith.constant 0 : i32
      %scan3A_82 = arith.constant 8 : i32
      %scan3A_83 = arith.addi %scan3A_81, %scan3A_82 : i32
      %scan3A_84 = arith.constant 1 : i32
      scf.for %scan3A_126 = %scan3A_81 to %scan3A_83 step %scan3A_84  : i32 {
        %mul3A_127 = arith.constant 128 : i32
        %mul3A_128 = arith.muli %add3A_79, %mul3A_127 : i32
        %mul3A_129 = arith.constant 16 : i32
        %mul3A_130 = arith.muli %scan3A_126, %mul3A_129 : i32
        %add3A_131 = arith.addi %mul3A_128, %mul3A_130 : i32
        %get3A = arith.index_cast %add3A_131 : i32 to index
        %get3A_132 = tpu.vector_load %arg8[%get3A] {strides = array<i32>} : memref<25600xi32, #tpu.memory_space<vmem>>, vector<16xi32>,
        %and3A_133 = arith.constant 65535 : i32
        %and3A_134 = vector.broadcast %and3A_133 : i32 to vector<16xi32>
        %and3A_135 = arith.andi %get3A_132, %and3A_134 : vector<16xi32>
        %shift_right_logical3A = arith.constant 16 : i32
        %shift_right_logical3A_136 = vector.broadcast %shift_right_logical3A : i32 to vector<16xi32>
        %shift_right_logical3A_137 = arith.shrui %get3A_132, %shift_right_logical3A_136 : vector<16xi32>
        %mul3A_138 = arith.constant 16 : i32
        %mul3A_139 = arith.muli %scan3A_126, %mul3A_138 : i32
        %add3A_140 = arith.constant 0 : i32
        %add3A_141 = vector.broadcast %add3A_140 : i32 to vector<16xi32>
        %add3A_142 = arith.addi %and3A_135, %add3A_141 : vector<16xi32>
        %gather3A = tpu.vector_load_idx %arg6[%add3A_142] : memref<32800xi32, #tpu.memory_space<vmem>>[vector<16xi32>], vector<16xi32>,
        %add3A_143 = arith.constant 1025 : i32
        %add3A_144 = vector.broadcast %add3A_143 : i32 to vector<16xi32>
        %add3A_145 = arith.addi %and3A_135, %add3A_144 : vector<16xi32>
        %gather3A_146 = tpu.vector_load_idx %arg6[%add3A_145] : memref<32800xi32, #tpu.memory_space<vmem>>[vector<16xi32>], vector<16xi32>,
        %add3A_147 = arith.constant 2050 : i32
        %add3A_148 = vector.broadcast %add3A_147 : i32 to vector<16xi32>
        %add3A_149 = arith.addi %and3A_135, %add3A_148 : vector<16xi32>
        %gather3A_150 = tpu.vector_load_idx %arg6[%add3A_149] : memref<32800xi32, #tpu.memory_space<vmem>>[vector<16xi32>], vector<16xi32>,
        %add3A_151 = arith.constant 3075 : i32
        %add3A_152 = vector.broadcast %add3A_151 : i32 to vector<16xi32>
        %add3A_153 = arith.addi %and3A_135, %add3A_152 : vector<16xi32>
        %gather3A_154 = tpu.vector_load_idx %arg6[%add3A_153] : memref<32800xi32, #tpu.memory_space<vmem>>[vector<16xi32>], vector<16xi32>,
        %add3A_155 = arith.constant 4100 : i32
        %add3A_156 = vector.broadcast %add3A_155 : i32 to vector<16xi32>
        %add3A_157 = arith.addi %and3A_135, %add3A_156 : vector<16xi32>
        %gather3A_158 = tpu.vector_load_idx %arg6[%add3A_157] : memref<32800xi32, #tpu.memory_space<vmem>>[vector<16xi32>], vector<16xi32>,
        %add3A_159 = arith.constant 5125 : i32
        %add3A_160 = vector.broadcast %add3A_159 : i32 to vector<16xi32>
        %add3A_161 = arith.addi %and3A_135, %add3A_160 : vector<16xi32>
        %gather3A_162 = tpu.vector_load_idx %arg6[%add3A_161] : memref<32800xi32, #tpu.memory_space<vmem>>[vector<16xi32>], vector<16xi32>,
        %add3A_163 = arith.constant 6150 : i32
        %add3A_164 = vector.broadcast %add3A_163 : i32 to vector<16xi32>
        %add3A_165 = arith.addi %and3A_135, %add3A_164 : vector<16xi32>
        %gather3A_166 = tpu.vector_load_idx %arg6[%add3A_165] : memref<32800xi32, #tpu.memory_space<vmem>>[vector<16xi32>], vector<16xi32>,
        %add3A_167 = arith.constant 7175 : i32
        %add3A_168 = vector.broadcast %add3A_167 : i32 to vector<16xi32>
        %add3A_169 = arith.addi %and3A_135, %add3A_168 : vector<16xi32>
        %gather3A_170 = tpu.vector_load_idx %arg6[%add3A_169] : memref<32800xi32, #tpu.memory_space<vmem>>[vector<16xi32>], vector<16xi32>,
        %add3A_171 = arith.constant 8200 : i32
        %add3A_172 = vector.broadcast %add3A_171 : i32 to vector<16xi32>
        %add3A_173 = arith.addi %and3A_135, %add3A_172 : vector<16xi32>
        %gather3A_174 = tpu.vector_load_idx %arg6[%add3A_173] : memref<32800xi32, #tpu.memory_space<vmem>>[vector<16xi32>], vector<16xi32>,
        %add3A_175 = arith.constant 9225 : i32
        %add3A_176 = vector.broadcast %add3A_175 : i32 to vector<16xi32>
        %add3A_177 = arith.addi %and3A_135, %add3A_176 : vector<16xi32>
        %gather3A_178 = tpu.vector_load_idx %arg6[%add3A_177] : memref<32800xi32, #tpu.memory_space<vmem>>[vector<16xi32>], vector<16xi32>,
        %add3A_179 = arith.constant 10250 : i32
        %add3A_180 = vector.broadcast %add3A_179 : i32 to vector<16xi32>
        %add3A_181 = arith.addi %and3A_135, %add3A_180 : vector<16xi32>
        %gather3A_182 = tpu.vector_load_idx %arg6[%add3A_181] : memref<32800xi32, #tpu.memory_space<vmem>>[vector<16xi32>], vector<16xi32>,
        %add3A_183 = arith.constant 11275 : i32
        %add3A_184 = vector.broadcast %add3A_183 : i32 to vector<16xi32>
        %add3A_185 = arith.addi %and3A_135, %add3A_184 : vector<16xi32>
        %gather3A_186 = tpu.vector_load_idx %arg6[%add3A_185] : memref<32800xi32, #tpu.memory_space<vmem>>[vector<16xi32>], vector<16xi32>,
        %add3A_187 = arith.constant 12300 : i32
        %add3A_188 = vector.broadcast %add3A_187 : i32 to vector<16xi32>
        %add3A_189 = arith.addi %and3A_135, %add3A_188 : vector<16xi32>
        %gather3A_190 = tpu.vector_load_idx %arg6[%add3A_189] : memref<32800xi32, #tpu.memory_space<vmem>>[vector<16xi32>], vector<16xi32>,
        %add3A_191 = arith.constant 13325 : i32
        %add3A_192 = vector.broadcast %add3A_191 : i32 to vector<16xi32>
        %add3A_193 = arith.addi %and3A_135, %add3A_192 : vector<16xi32>
        %gather3A_194 = tpu.vector_load_idx %arg6[%add3A_193] : memref<32800xi32, #tpu.memory_space<vmem>>[vector<16xi32>], vector<16xi32>,
        %add3A_195 = arith.constant 14350 : i32
        %add3A_196 = vector.broadcast %add3A_195 : i32 to vector<16xi32>
        %add3A_197 = arith.addi %and3A_135, %add3A_196 : vector<16xi32>
        %gather3A_198 = tpu.vector_load_idx %arg6[%add3A_197] : memref<32800xi32, #tpu.memory_space<vmem>>[vector<16xi32>], vector<16xi32>,
        %add3A_199 = arith.constant 15375 : i32
        %add3A_200 = vector.broadcast %add3A_199 : i32 to vector<16xi32>
        %add3A_201 = arith.addi %and3A_135, %add3A_200 : vector<16xi32>
        %gather3A_202 = tpu.vector_load_idx %arg6[%add3A_201] : memref<32800xi32, #tpu.memory_space<vmem>>[vector<16xi32>], vector<16xi32>,
        %add3A_203 = arith.constant 0 : i32
        %add3A_204 = vector.broadcast %add3A_203 : i32 to vector<16xi32>
        %add3A_205 = arith.addi %shift_right_logical3A_137, %add3A_204 : vector<16xi32>
        %gather3A_206 = tpu.vector_load_idx %arg7[%add3A_205] : memref<32800xi32, #tpu.memory_space<vmem>>[vector<16xi32>], vector<16xi32>,
        %add3A_207 = arith.constant 1025 : i32
        %add3A_208 = vector.broadcast %add3A_207 : i32 to vector<16xi32>
        %add3A_209 = arith.addi %shift_right_logical3A_137, %add3A_208 : vector<16xi32>
        %gather3A_210 = tpu.vector_load_idx %arg7[%add3A_209] : memref<32800xi32, #tpu.memory_space<vmem>>[vector<16xi32>], vector<16xi32>,
        %add3A_211 = arith.constant 2050 : i32
        %add3A_212 = vector.broadcast %add3A_211 : i32 to vector<16xi32>
        %add3A_213 = arith.addi %shift_right_logical3A_137, %add3A_212 : vector<16xi32>
        %gather3A_214 = tpu.vector_load_idx %arg7[%add3A_213] : memref<32800xi32, #tpu.memory_space<vmem>>[vector<16xi32>], vector<16xi32>,
        %add3A_215 = arith.constant 3075 : i32
        %add3A_216 = vector.broadcast %add3A_215 : i32 to vector<16xi32>
        %add3A_217 = arith.addi %shift_right_logical3A_137, %add3A_216 : vector<16xi32>
        %gather3A_218 = tpu.vector_load_idx %arg7[%add3A_217] : memref<32800xi32, #tpu.memory_space<vmem>>[vector<16xi32>], vector<16xi32>,
        %add3A_219 = arith.constant 4100 : i32
        %add3A_220 = vector.broadcast %add3A_219 : i32 to vector<16xi32>
        %add3A_221 = arith.addi %shift_right_logical3A_137, %add3A_220 : vector<16xi32>
        %gather3A_222 = tpu.vector_load_idx %arg7[%add3A_221] : memref<32800xi32, #tpu.memory_space<vmem>>[vector<16xi32>], vector<16xi32>,
        %add3A_223 = arith.constant 5125 : i32
        %add3A_224 = vector.broadcast %add3A_223 : i32 to vector<16xi32>
        %add3A_225 = arith.addi %shift_right_logical3A_137, %add3A_224 : vector<16xi32>
        %gather3A_226 = tpu.vector_load_idx %arg7[%add3A_225] : memref<32800xi32, #tpu.memory_space<vmem>>[vector<16xi32>], vector<16xi32>,
        %add3A_227 = arith.constant 6150 : i32
        %add3A_228 = vector.broadcast %add3A_227 : i32 to vector<16xi32>
        %add3A_229 = arith.addi %shift_right_logical3A_137, %add3A_228 : vector<16xi32>
        %gather3A_230 = tpu.vector_load_idx %arg7[%add3A_229] : memref<32800xi32, #tpu.memory_space<vmem>>[vector<16xi32>], vector<16xi32>,
        %add3A_231 = arith.constant 7175 : i32
        %add3A_232 = vector.broadcast %add3A_231 : i32 to vector<16xi32>
        %add3A_233 = arith.addi %shift_right_logical3A_137, %add3A_232 : vector<16xi32>
        %gather3A_234 = tpu.vector_load_idx %arg7[%add3A_233] : memref<32800xi32, #tpu.memory_space<vmem>>[vector<16xi32>], vector<16xi32>,
        %add3A_235 = arith.constant 8200 : i32
        %add3A_236 = vector.broadcast %add3A_235 : i32 to vector<16xi32>
        %add3A_237 = arith.addi %shift_right_logical3A_137, %add3A_236 : vector<16xi32>
        %gather3A_238 = tpu.vector_load_idx %arg7[%add3A_237] : memref<32800xi32, #tpu.memory_space<vmem>>[vector<16xi32>], vector<16xi32>,
        %add3A_239 = arith.constant 9225 : i32
        %add3A_240 = vector.broadcast %add3A_239 : i32 to vector<16xi32>
        %add3A_241 = arith.addi %shift_right_logical3A_137, %add3A_240 : vector<16xi32>
        %gather3A_242 = tpu.vector_load_idx %arg7[%add3A_241] : memref<32800xi32, #tpu.memory_space<vmem>>[vector<16xi32>], vector<16xi32>,
        %add3A_243 = arith.constant 10250 : i32
        %add3A_244 = vector.broadcast %add3A_243 : i32 to vector<16xi32>
        %add3A_245 = arith.addi %shift_right_logical3A_137, %add3A_244 : vector<16xi32>
        %gather3A_246 = tpu.vector_load_idx %arg7[%add3A_245] : memref<32800xi32, #tpu.memory_space<vmem>>[vector<16xi32>], vector<16xi32>,
        %add3A_247 = arith.constant 11275 : i32
        %add3A_248 = vector.broadcast %add3A_247 : i32 to vector<16xi32>
        %add3A_249 = arith.addi %shift_right_logical3A_137, %add3A_248 : vector<16xi32>
        %gather3A_250 = tpu.vector_load_idx %arg7[%add3A_249] : memref<32800xi32, #tpu.memory_space<vmem>>[vector<16xi32>], vector<16xi32>,
        %add3A_251 = arith.constant 12300 : i32
        %add3A_252 = vector.broadcast %add3A_251 : i32 to vector<16xi32>
        %add3A_253 = arith.addi %shift_right_logical3A_137, %add3A_252 : vector<16xi32>
        %gather3A_254 = tpu.vector_load_idx %arg7[%add3A_253] : memref<32800xi32, #tpu.memory_space<vmem>>[vector<16xi32>], vector<16xi32>,
        %add3A_255 = arith.constant 13325 : i32
        %add3A_256 = vector.broadcast %add3A_255 : i32 to vector<16xi32>
        %add3A_257 = arith.addi %shift_right_logical3A_137, %add3A_256 : vector<16xi32>
        %gather3A_258 = tpu.vector_load_idx %arg7[%add3A_257] : memref<32800xi32, #tpu.memory_space<vmem>>[vector<16xi32>], vector<16xi32>,
        %add3A_259 = arith.constant 14350 : i32
        %add3A_260 = vector.broadcast %add3A_259 : i32 to vector<16xi32>
        %add3A_261 = arith.addi %shift_right_logical3A_137, %add3A_260 : vector<16xi32>
        %gather3A_262 = tpu.vector_load_idx %arg7[%add3A_261] : memref<32800xi32, #tpu.memory_space<vmem>>[vector<16xi32>], vector<16xi32>,
        %add3A_263 = arith.constant 15375 : i32
        %add3A_264 = vector.broadcast %add3A_263 : i32 to vector<16xi32>
        %add3A_265 = arith.addi %shift_right_logical3A_137, %add3A_264 : vector<16xi32>
        %gather3A_266 = tpu.vector_load_idx %arg7[%add3A_265] : memref<32800xi32, #tpu.memory_space<vmem>>[vector<16xi32>], vector<16xi32>,
        %shift_left3A = arith.constant 16 : i32
        %shift_left3A_267 = vector.broadcast %shift_left3A : i32 to vector<16xi32>
        %shift_left3A_268 = arith.shli %gather3A, %shift_left3A_267 : vector<16xi32>
        %bitcast_convert_type3A = tpu.bitcast %shift_left3A_268 : vector<16xi32> -> vector<16xf32>
        %shift_left3A_269 = arith.constant 16 : i32
        %shift_left3A_270 = vector.broadcast %shift_left3A_269 : i32 to vector<16xi32>
        %shift_left3A_271 = arith.shli %gather3A_206, %shift_left3A_270 : vector<16xi32>
        %bitcast_convert_type3A_272 = tpu.bitcast %shift_left3A_271 : vector<16xi32> -> vector<16xf32>
        %add3A_273 = arith.addf %bitcast_convert_type3A, %bitcast_convert_type3A_272 : vector<16xf32>
        %and3A_274 = arith.constant -65536 : i32
        %and3A_275 = vector.broadcast %and3A_274 : i32 to vector<16xi32>
        %and3A_276 = arith.andi %gather3A, %and3A_275 : vector<16xi32>
        %bitcast_convert_type3A_277 = tpu.bitcast %and3A_276 : vector<16xi32> -> vector<16xf32>
        %and3A_278 = arith.constant -65536 : i32
        %and3A_279 = vector.broadcast %and3A_278 : i32 to vector<16xi32>
        %and3A_280 = arith.andi %gather3A_206, %and3A_279 : vector<16xi32>
        %bitcast_convert_type3A_281 = tpu.bitcast %and3A_280 : vector<16xi32> -> vector<16xf32>
        %add3A_282 = arith.addf %bitcast_convert_type3A_277, %bitcast_convert_type3A_281 : vector<16xf32>
        %shift_left3A_283 = arith.constant 16 : i32
        %shift_left3A_284 = vector.broadcast %shift_left3A_283 : i32 to vector<16xi32>
        %shift_left3A_285 = arith.shli %gather3A_146, %shift_left3A_284 : vector<16xi32>
        %bitcast_convert_type3A_286 = tpu.bitcast %shift_left3A_285 : vector<16xi32> -> vector<16xf32>
        %shift_left3A_287 = arith.constant 16 : i32
        %shift_left3A_288 = vector.broadcast %shift_left3A_287 : i32 to vector<16xi32>
        %shift_left3A_289 = arith.shli %gather3A_210, %shift_left3A_288 : vector<16xi32>
        %bitcast_convert_type3A_290 = tpu.bitcast %shift_left3A_289 : vector<16xi32> -> vector<16xf32>
        %add3A_291 = arith.addf %bitcast_convert_type3A_286, %bitcast_convert_type3A_290 : vector<16xf32>
        %and3A_292 = arith.constant -65536 : i32
        %and3A_293 = vector.broadcast %and3A_292 : i32 to vector<16xi32>
        %and3A_294 = arith.andi %gather3A_146, %and3A_293 : vector<16xi32>
        %bitcast_convert_type3A_295 = tpu.bitcast %and3A_294 : vector<16xi32> -> vector<16xf32>
        %and3A_296 = arith.constant -65536 : i32
        %and3A_297 = vector.broadcast %and3A_296 : i32 to vector<16xi32>
        %and3A_298 = arith.andi %gather3A_210, %and3A_297 : vector<16xi32>
        %bitcast_convert_type3A_299 = tpu.bitcast %and3A_298 : vector<16xi32> -> vector<16xf32>
        %add3A_300 = arith.addf %bitcast_convert_type3A_295, %bitcast_convert_type3A_299 : vector<16xf32>
        %shift_left3A_301 = arith.constant 16 : i32
        %shift_left3A_302 = vector.broadcast %shift_left3A_301 : i32 to vector<16xi32>
        %shift_left3A_303 = arith.shli %gather3A_150, %shift_left3A_302 : vector<16xi32>
        %bitcast_convert_type3A_304 = tpu.bitcast %shift_left3A_303 : vector<16xi32> -> vector<16xf32>
        %shift_left3A_305 = arith.constant 16 : i32
        %shift_left3A_306 = vector.broadcast %shift_left3A_305 : i32 to vector<16xi32>
        %shift_left3A_307 = arith.shli %gather3A_214, %shift_left3A_306 : vector<16xi32>
        %bitcast_convert_type3A_308 = tpu.bitcast %shift_left3A_307 : vector<16xi32> -> vector<16xf32>
        %add3A_309 = arith.addf %bitcast_convert_type3A_304, %bitcast_convert_type3A_308 : vector<16xf32>
        %and3A_310 = arith.constant -65536 : i32
        %and3A_311 = vector.broadcast %and3A_310 : i32 to vector<16xi32>
        %and3A_312 = arith.andi %gather3A_150, %and3A_311 : vector<16xi32>
        %bitcast_convert_type3A_313 = tpu.bitcast %and3A_312 : vector<16xi32> -> vector<16xf32>
        %and3A_314 = arith.constant -65536 : i32
        %and3A_315 = vector.broadcast %and3A_314 : i32 to vector<16xi32>
        %and3A_316 = arith.andi %gather3A_214, %and3A_315 : vector<16xi32>
        %bitcast_convert_type3A_317 = tpu.bitcast %and3A_316 : vector<16xi32> -> vector<16xf32>
        %add3A_318 = arith.addf %bitcast_convert_type3A_313, %bitcast_convert_type3A_317 : vector<16xf32>
        %shift_left3A_319 = arith.constant 16 : i32
        %shift_left3A_320 = vector.broadcast %shift_left3A_319 : i32 to vector<16xi32>
        %shift_left3A_321 = arith.shli %gather3A_154, %shift_left3A_320 : vector<16xi32>
        %bitcast_convert_type3A_322 = tpu.bitcast %shift_left3A_321 : vector<16xi32> -> vector<16xf32>
        %shift_left3A_323 = arith.constant 16 : i32
        %shift_left3A_324 = vector.broadcast %shift_left3A_323 : i32 to vector<16xi32>
        %shift_left3A_325 = arith.shli %gather3A_218, %shift_left3A_324 : vector<16xi32>
        %bitcast_convert_type3A_326 = tpu.bitcast %shift_left3A_325 : vector<16xi32> -> vector<16xf32>
        %add3A_327 = arith.addf %bitcast_convert_type3A_322, %bitcast_convert_type3A_326 : vector<16xf32>
        %and3A_328 = arith.constant -65536 : i32
        %and3A_329 = vector.broadcast %and3A_328 : i32 to vector<16xi32>
        %and3A_330 = arith.andi %gather3A_154, %and3A_329 : vector<16xi32>
        %bitcast_convert_type3A_331 = tpu.bitcast %and3A_330 : vector<16xi32> -> vector<16xf32>
        %and3A_332 = arith.constant -65536 : i32
        %and3A_333 = vector.broadcast %and3A_332 : i32 to vector<16xi32>
        %and3A_334 = arith.andi %gather3A_218, %and3A_333 : vector<16xi32>
        %bitcast_convert_type3A_335 = tpu.bitcast %and3A_334 : vector<16xi32> -> vector<16xf32>
        %add3A_336 = arith.addf %bitcast_convert_type3A_331, %bitcast_convert_type3A_335 : vector<16xf32>
        %shift_left3A_337 = arith.constant 16 : i32
        %shift_left3A_338 = vector.broadcast %shift_left3A_337 : i32 to vector<16xi32>
        %shift_left3A_339 = arith.shli %gather3A_158, %shift_left3A_338 : vector<16xi32>
        %bitcast_convert_type3A_340 = tpu.bitcast %shift_left3A_339 : vector<16xi32> -> vector<16xf32>
        %shift_left3A_341 = arith.constant 16 : i32
        %shift_left3A_342 = vector.broadcast %shift_left3A_341 : i32 to vector<16xi32>
        %shift_left3A_343 = arith.shli %gather3A_222, %shift_left3A_342 : vector<16xi32>
        %bitcast_convert_type3A_344 = tpu.bitcast %shift_left3A_343 : vector<16xi32> -> vector<16xf32>
        %add3A_345 = arith.addf %bitcast_convert_type3A_340, %bitcast_convert_type3A_344 : vector<16xf32>
        %and3A_346 = arith.constant -65536 : i32
        %and3A_347 = vector.broadcast %and3A_346 : i32 to vector<16xi32>
        %and3A_348 = arith.andi %gather3A_158, %and3A_347 : vector<16xi32>
        %bitcast_convert_type3A_349 = tpu.bitcast %and3A_348 : vector<16xi32> -> vector<16xf32>
        %and3A_350 = arith.constant -65536 : i32
        %and3A_351 = vector.broadcast %and3A_350 : i32 to vector<16xi32>
        %and3A_352 = arith.andi %gather3A_222, %and3A_351 : vector<16xi32>
        %bitcast_convert_type3A_353 = tpu.bitcast %and3A_352 : vector<16xi32> -> vector<16xf32>
        %add3A_354 = arith.addf %bitcast_convert_type3A_349, %bitcast_convert_type3A_353 : vector<16xf32>
        %shift_left3A_355 = arith.constant 16 : i32
        %shift_left3A_356 = vector.broadcast %shift_left3A_355 : i32 to vector<16xi32>
        %shift_left3A_357 = arith.shli %gather3A_162, %shift_left3A_356 : vector<16xi32>
        %bitcast_convert_type3A_358 = tpu.bitcast %shift_left3A_357 : vector<16xi32> -> vector<16xf32>
        %shift_left3A_359 = arith.constant 16 : i32
        %shift_left3A_360 = vector.broadcast %shift_left3A_359 : i32 to vector<16xi32>
        %shift_left3A_361 = arith.shli %gather3A_226, %shift_left3A_360 : vector<16xi32>
        %bitcast_convert_type3A_362 = tpu.bitcast %shift_left3A_361 : vector<16xi32> -> vector<16xf32>
        %add3A_363 = arith.addf %bitcast_convert_type3A_358, %bitcast_convert_type3A_362 : vector<16xf32>
        %and3A_364 = arith.constant -65536 : i32
        %and3A_365 = vector.broadcast %and3A_364 : i32 to vector<16xi32>
        %and3A_366 = arith.andi %gather3A_162, %and3A_365 : vector<16xi32>
        %bitcast_convert_type3A_367 = tpu.bitcast %and3A_366 : vector<16xi32> -> vector<16xf32>
        %and3A_368 = arith.constant -65536 : i32
        %and3A_369 = vector.broadcast %and3A_368 : i32 to vector<16xi32>
        %and3A_370 = arith.andi %gather3A_226, %and3A_369 : vector<16xi32>
        %bitcast_convert_type3A_371 = tpu.bitcast %and3A_370 : vector<16xi32> -> vector<16xf32>
        %add3A_372 = arith.addf %bitcast_convert_type3A_367, %bitcast_convert_type3A_371 : vector<16xf32>
        %shift_left3A_373 = arith.constant 16 : i32
        %shift_left3A_374 = vector.broadcast %shift_left3A_373 : i32 to vector<16xi32>
        %shift_left3A_375 = arith.shli %gather3A_166, %shift_left3A_374 : vector<16xi32>
        %bitcast_convert_type3A_376 = tpu.bitcast %shift_left3A_375 : vector<16xi32> -> vector<16xf32>
        %shift_left3A_377 = arith.constant 16 : i32
        %shift_left3A_378 = vector.broadcast %shift_left3A_377 : i32 to vector<16xi32>
        %shift_left3A_379 = arith.shli %gather3A_230, %shift_left3A_378 : vector<16xi32>
        %bitcast_convert_type3A_380 = tpu.bitcast %shift_left3A_379 : vector<16xi32> -> vector<16xf32>
        %add3A_381 = arith.addf %bitcast_convert_type3A_376, %bitcast_convert_type3A_380 : vector<16xf32>
        %and3A_382 = arith.constant -65536 : i32
        %and3A_383 = vector.broadcast %and3A_382 : i32 to vector<16xi32>
        %and3A_384 = arith.andi %gather3A_166, %and3A_383 : vector<16xi32>
        %bitcast_convert_type3A_385 = tpu.bitcast %and3A_384 : vector<16xi32> -> vector<16xf32>
        %and3A_386 = arith.constant -65536 : i32
        %and3A_387 = vector.broadcast %and3A_386 : i32 to vector<16xi32>
        %and3A_388 = arith.andi %gather3A_230, %and3A_387 : vector<16xi32>
        %bitcast_convert_type3A_389 = tpu.bitcast %and3A_388 : vector<16xi32> -> vector<16xf32>
        %add3A_390 = arith.addf %bitcast_convert_type3A_385, %bitcast_convert_type3A_389 : vector<16xf32>
        %shift_left3A_391 = arith.constant 16 : i32
        %shift_left3A_392 = vector.broadcast %shift_left3A_391 : i32 to vector<16xi32>
        %shift_left3A_393 = arith.shli %gather3A_170, %shift_left3A_392 : vector<16xi32>
        %bitcast_convert_type3A_394 = tpu.bitcast %shift_left3A_393 : vector<16xi32> -> vector<16xf32>
        %shift_left3A_395 = arith.constant 16 : i32
        %shift_left3A_396 = vector.broadcast %shift_left3A_395 : i32 to vector<16xi32>
        %shift_left3A_397 = arith.shli %gather3A_234, %shift_left3A_396 : vector<16xi32>
        %bitcast_convert_type3A_398 = tpu.bitcast %shift_left3A_397 : vector<16xi32> -> vector<16xf32>
        %add3A_399 = arith.addf %bitcast_convert_type3A_394, %bitcast_convert_type3A_398 : vector<16xf32>
        %and3A_400 = arith.constant -65536 : i32
        %and3A_401 = vector.broadcast %and3A_400 : i32 to vector<16xi32>
        %and3A_402 = arith.andi %gather3A_170, %and3A_401 : vector<16xi32>
        %bitcast_convert_type3A_403 = tpu.bitcast %and3A_402 : vector<16xi32> -> vector<16xf32>
        %and3A_404 = arith.constant -65536 : i32
        %and3A_405 = vector.broadcast %and3A_404 : i32 to vector<16xi32>
        %and3A_406 = arith.andi %gather3A_234, %and3A_405 : vector<16xi32>
        %bitcast_convert_type3A_407 = tpu.bitcast %and3A_406 : vector<16xi32> -> vector<16xf32>
        %add3A_408 = arith.addf %bitcast_convert_type3A_403, %bitcast_convert_type3A_407 : vector<16xf32>
        %shift_left3A_409 = arith.constant 16 : i32
        %shift_left3A_410 = vector.broadcast %shift_left3A_409 : i32 to vector<16xi32>
        %shift_left3A_411 = arith.shli %gather3A_174, %shift_left3A_410 : vector<16xi32>
        %bitcast_convert_type3A_412 = tpu.bitcast %shift_left3A_411 : vector<16xi32> -> vector<16xf32>
        %shift_left3A_413 = arith.constant 16 : i32
        %shift_left3A_414 = vector.broadcast %shift_left3A_413 : i32 to vector<16xi32>
        %shift_left3A_415 = arith.shli %gather3A_238, %shift_left3A_414 : vector<16xi32>
        %bitcast_convert_type3A_416 = tpu.bitcast %shift_left3A_415 : vector<16xi32> -> vector<16xf32>
        %add3A_417 = arith.addf %bitcast_convert_type3A_412, %bitcast_convert_type3A_416 : vector<16xf32>
        %and3A_418 = arith.constant -65536 : i32
        %and3A_419 = vector.broadcast %and3A_418 : i32 to vector<16xi32>
        %and3A_420 = arith.andi %gather3A_174, %and3A_419 : vector<16xi32>
        %bitcast_convert_type3A_421 = tpu.bitcast %and3A_420 : vector<16xi32> -> vector<16xf32>
        %and3A_422 = arith.constant -65536 : i32
        %and3A_423 = vector.broadcast %and3A_422 : i32 to vector<16xi32>
        %and3A_424 = arith.andi %gather3A_238, %and3A_423 : vector<16xi32>
        %bitcast_convert_type3A_425 = tpu.bitcast %and3A_424 : vector<16xi32> -> vector<16xf32>
        %add3A_426 = arith.addf %bitcast_convert_type3A_421, %bitcast_convert_type3A_425 : vector<16xf32>
        %shift_left3A_427 = arith.constant 16 : i32
        %shift_left3A_428 = vector.broadcast %shift_left3A_427 : i32 to vector<16xi32>
        %shift_left3A_429 = arith.shli %gather3A_178, %shift_left3A_428 : vector<16xi32>
        %bitcast_convert_type3A_430 = tpu.bitcast %shift_left3A_429 : vector<16xi32> -> vector<16xf32>
        %shift_left3A_431 = arith.constant 16 : i32
        %shift_left3A_432 = vector.broadcast %shift_left3A_431 : i32 to vector<16xi32>
        %shift_left3A_433 = arith.shli %gather3A_242, %shift_left3A_432 : vector<16xi32>
        %bitcast_convert_type3A_434 = tpu.bitcast %shift_left3A_433 : vector<16xi32> -> vector<16xf32>
        %add3A_435 = arith.addf %bitcast_convert_type3A_430, %bitcast_convert_type3A_434 : vector<16xf32>
        %and3A_436 = arith.constant -65536 : i32
        %and3A_437 = vector.broadcast %and3A_436 : i32 to vector<16xi32>
        %and3A_438 = arith.andi %gather3A_178, %and3A_437 : vector<16xi32>
        %bitcast_convert_type3A_439 = tpu.bitcast %and3A_438 : vector<16xi32> -> vector<16xf32>
        %and3A_440 = arith.constant -65536 : i32
        %and3A_441 = vector.broadcast %and3A_440 : i32 to vector<16xi32>
        %and3A_442 = arith.andi %gather3A_242, %and3A_441 : vector<16xi32>
        %bitcast_convert_type3A_443 = tpu.bitcast %and3A_442 : vector<16xi32> -> vector<16xf32>
        %add3A_444 = arith.addf %bitcast_convert_type3A_439, %bitcast_convert_type3A_443 : vector<16xf32>
        %shift_left3A_445 = arith.constant 16 : i32
        %shift_left3A_446 = vector.broadcast %shift_left3A_445 : i32 to vector<16xi32>
        %shift_left3A_447 = arith.shli %gather3A_182, %shift_left3A_446 : vector<16xi32>
        %bitcast_convert_type3A_448 = tpu.bitcast %shift_left3A_447 : vector<16xi32> -> vector<16xf32>
        %shift_left3A_449 = arith.constant 16 : i32
        %shift_left3A_450 = vector.broadcast %shift_left3A_449 : i32 to vector<16xi32>
        %shift_left3A_451 = arith.shli %gather3A_246, %shift_left3A_450 : vector<16xi32>
        %bitcast_convert_type3A_452 = tpu.bitcast %shift_left3A_451 : vector<16xi32> -> vector<16xf32>
        %add3A_453 = arith.addf %bitcast_convert_type3A_448, %bitcast_convert_type3A_452 : vector<16xf32>
        %and3A_454 = arith.constant -65536 : i32
        %and3A_455 = vector.broadcast %and3A_454 : i32 to vector<16xi32>
        %and3A_456 = arith.andi %gather3A_182, %and3A_455 : vector<16xi32>
        %bitcast_convert_type3A_457 = tpu.bitcast %and3A_456 : vector<16xi32> -> vector<16xf32>
        %and3A_458 = arith.constant -65536 : i32
        %and3A_459 = vector.broadcast %and3A_458 : i32 to vector<16xi32>
        %and3A_460 = arith.andi %gather3A_246, %and3A_459 : vector<16xi32>
        %bitcast_convert_type3A_461 = tpu.bitcast %and3A_460 : vector<16xi32> -> vector<16xf32>
        %add3A_462 = arith.addf %bitcast_convert_type3A_457, %bitcast_convert_type3A_461 : vector<16xf32>
        %shift_left3A_463 = arith.constant 16 : i32
        %shift_left3A_464 = vector.broadcast %shift_left3A_463 : i32 to vector<16xi32>
        %shift_left3A_465 = arith.shli %gather3A_186, %shift_left3A_464 : vector<16xi32>
        %bitcast_convert_type3A_466 = tpu.bitcast %shift_left3A_465 : vector<16xi32> -> vector<16xf32>
        %shift_left3A_467 = arith.constant 16 : i32
        %shift_left3A_468 = vector.broadcast %shift_left3A_467 : i32 to vector<16xi32>
        %shift_left3A_469 = arith.shli %gather3A_250, %shift_left3A_468 : vector<16xi32>
        %bitcast_convert_type3A_470 = tpu.bitcast %shift_left3A_469 : vector<16xi32> -> vector<16xf32>
        %add3A_471 = arith.addf %bitcast_convert_type3A_466, %bitcast_convert_type3A_470 : vector<16xf32>
        %and3A_472 = arith.constant -65536 : i32
        %and3A_473 = vector.broadcast %and3A_472 : i32 to vector<16xi32>
        %and3A_474 = arith.andi %gather3A_186, %and3A_473 : vector<16xi32>
        %bitcast_convert_type3A_475 = tpu.bitcast %and3A_474 : vector<16xi32> -> vector<16xf32>
        %and3A_476 = arith.constant -65536 : i32
        %and3A_477 = vector.broadcast %and3A_476 : i32 to vector<16xi32>
        %and3A_478 = arith.andi %gather3A_250, %and3A_477 : vector<16xi32>
        %bitcast_convert_type3A_479 = tpu.bitcast %and3A_478 : vector<16xi32> -> vector<16xf32>
        %add3A_480 = arith.addf %bitcast_convert_type3A_475, %bitcast_convert_type3A_479 : vector<16xf32>
        %shift_left3A_481 = arith.constant 16 : i32
        %shift_left3A_482 = vector.broadcast %shift_left3A_481 : i32 to vector<16xi32>
        %shift_left3A_483 = arith.shli %gather3A_190, %shift_left3A_482 : vector<16xi32>
        %bitcast_convert_type3A_484 = tpu.bitcast %shift_left3A_483 : vector<16xi32> -> vector<16xf32>
        %shift_left3A_485 = arith.constant 16 : i32
        %shift_left3A_486 = vector.broadcast %shift_left3A_485 : i32 to vector<16xi32>
        %shift_left3A_487 = arith.shli %gather3A_254, %shift_left3A_486 : vector<16xi32>
        %bitcast_convert_type3A_488 = tpu.bitcast %shift_left3A_487 : vector<16xi32> -> vector<16xf32>
        %add3A_489 = arith.addf %bitcast_convert_type3A_484, %bitcast_convert_type3A_488 : vector<16xf32>
        %and3A_490 = arith.constant -65536 : i32
        %and3A_491 = vector.broadcast %and3A_490 : i32 to vector<16xi32>
        %and3A_492 = arith.andi %gather3A_190, %and3A_491 : vector<16xi32>
        %bitcast_convert_type3A_493 = tpu.bitcast %and3A_492 : vector<16xi32> -> vector<16xf32>
        %and3A_494 = arith.constant -65536 : i32
        %and3A_495 = vector.broadcast %and3A_494 : i32 to vector<16xi32>
        %and3A_496 = arith.andi %gather3A_254, %and3A_495 : vector<16xi32>
        %bitcast_convert_type3A_497 = tpu.bitcast %and3A_496 : vector<16xi32> -> vector<16xf32>
        %add3A_498 = arith.addf %bitcast_convert_type3A_493, %bitcast_convert_type3A_497 : vector<16xf32>
        %shift_left3A_499 = arith.constant 16 : i32
        %shift_left3A_500 = vector.broadcast %shift_left3A_499 : i32 to vector<16xi32>
        %shift_left3A_501 = arith.shli %gather3A_194, %shift_left3A_500 : vector<16xi32>
        %bitcast_convert_type3A_502 = tpu.bitcast %shift_left3A_501 : vector<16xi32> -> vector<16xf32>
        %shift_left3A_503 = arith.constant 16 : i32
        %shift_left3A_504 = vector.broadcast %shift_left3A_503 : i32 to vector<16xi32>
        %shift_left3A_505 = arith.shli %gather3A_258, %shift_left3A_504 : vector<16xi32>
        %bitcast_convert_type3A_506 = tpu.bitcast %shift_left3A_505 : vector<16xi32> -> vector<16xf32>
        %add3A_507 = arith.addf %bitcast_convert_type3A_502, %bitcast_convert_type3A_506 : vector<16xf32>
        %and3A_508 = arith.constant -65536 : i32
        %and3A_509 = vector.broadcast %and3A_508 : i32 to vector<16xi32>
        %and3A_510 = arith.andi %gather3A_194, %and3A_509 : vector<16xi32>
        %bitcast_convert_type3A_511 = tpu.bitcast %and3A_510 : vector<16xi32> -> vector<16xf32>
        %and3A_512 = arith.constant -65536 : i32
        %and3A_513 = vector.broadcast %and3A_512 : i32 to vector<16xi32>
        %and3A_514 = arith.andi %gather3A_258, %and3A_513 : vector<16xi32>
        %bitcast_convert_type3A_515 = tpu.bitcast %and3A_514 : vector<16xi32> -> vector<16xf32>
        %add3A_516 = arith.addf %bitcast_convert_type3A_511, %bitcast_convert_type3A_515 : vector<16xf32>
        %shift_left3A_517 = arith.constant 16 : i32
        %shift_left3A_518 = vector.broadcast %shift_left3A_517 : i32 to vector<16xi32>
        %shift_left3A_519 = arith.shli %gather3A_198, %shift_left3A_518 : vector<16xi32>
        %bitcast_convert_type3A_520 = tpu.bitcast %shift_left3A_519 : vector<16xi32> -> vector<16xf32>
        %shift_left3A_521 = arith.constant 16 : i32
        %shift_left3A_522 = vector.broadcast %shift_left3A_521 : i32 to vector<16xi32>
        %shift_left3A_523 = arith.shli %gather3A_262, %shift_left3A_522 : vector<16xi32>
        %bitcast_convert_type3A_524 = tpu.bitcast %shift_left3A_523 : vector<16xi32> -> vector<16xf32>
        %add3A_525 = arith.addf %bitcast_convert_type3A_520, %bitcast_convert_type3A_524 : vector<16xf32>
        %and3A_526 = arith.constant -65536 : i32
        %and3A_527 = vector.broadcast %and3A_526 : i32 to vector<16xi32>
        %and3A_528 = arith.andi %gather3A_198, %and3A_527 : vector<16xi32>
        %bitcast_convert_type3A_529 = tpu.bitcast %and3A_528 : vector<16xi32> -> vector<16xf32>
        %and3A_530 = arith.constant -65536 : i32
        %and3A_531 = vector.broadcast %and3A_530 : i32 to vector<16xi32>
        %and3A_532 = arith.andi %gather3A_262, %and3A_531 : vector<16xi32>
        %bitcast_convert_type3A_533 = tpu.bitcast %and3A_532 : vector<16xi32> -> vector<16xf32>
        %add3A_534 = arith.addf %bitcast_convert_type3A_529, %bitcast_convert_type3A_533 : vector<16xf32>
        %shift_left3A_535 = arith.constant 16 : i32
        %shift_left3A_536 = vector.broadcast %shift_left3A_535 : i32 to vector<16xi32>
        %shift_left3A_537 = arith.shli %gather3A_202, %shift_left3A_536 : vector<16xi32>
        %bitcast_convert_type3A_538 = tpu.bitcast %shift_left3A_537 : vector<16xi32> -> vector<16xf32>
        %shift_left3A_539 = arith.constant 16 : i32
        %shift_left3A_540 = vector.broadcast %shift_left3A_539 : i32 to vector<16xi32>
        %shift_left3A_541 = arith.shli %gather3A_266, %shift_left3A_540 : vector<16xi32>
        %bitcast_convert_type3A_542 = tpu.bitcast %shift_left3A_541 : vector<16xi32> -> vector<16xf32>
        %add3A_543 = arith.addf %bitcast_convert_type3A_538, %bitcast_convert_type3A_542 : vector<16xf32>
        %and3A_544 = arith.constant -65536 : i32
        %and3A_545 = vector.broadcast %and3A_544 : i32 to vector<16xi32>
        %and3A_546 = arith.andi %gather3A_202, %and3A_545 : vector<16xi32>
        %bitcast_convert_type3A_547 = tpu.bitcast %and3A_546 : vector<16xi32> -> vector<16xf32>
        %and3A_548 = arith.constant -65536 : i32
        %and3A_549 = vector.broadcast %and3A_548 : i32 to vector<16xi32>
        %and3A_550 = arith.andi %gather3A_266, %and3A_549 : vector<16xi32>
        %bitcast_convert_type3A_551 = tpu.bitcast %and3A_550 : vector<16xi32> -> vector<16xf32>
        %add3A_552 = arith.addf %bitcast_convert_type3A_547, %bitcast_convert_type3A_551 : vector<16xf32>
        %swap3A = arith.constant 0 : i32
        %swap3A_553 = arith.constant 0 : i32
        %swap3A_554 = arith.index_cast %swap3A : i32 to index
        %swap3A_555 = arith.index_cast %swap3A_553 : i32 to index
        %swap3A_556 = arith.index_cast %mul3A_139 : i32 to index
        %swap3A_557 = tpu.vector_load %arg10[%swap3A_554, %swap3A_555, %swap3A_556] {strides = array<i32>} : memref<8x8x128xf32, #tpu.memory_space<vmem>>, vector<16xf32>,
        tpu.vector_store %arg10[%swap3A_554, %swap3A_555, %swap3A_556], %add3A_273 {strides = array<i32>} : memref<8x8x128xf32, #tpu.memory_space<vmem>>, vector<16xf32>,
        %swap3A_558 = arith.constant 0 : i32
        %swap3A_559 = arith.constant 1 : i32
        %swap3A_560 = arith.index_cast %swap3A_558 : i32 to index
        %swap3A_561 = arith.index_cast %swap3A_559 : i32 to index
        %swap3A_562 = arith.index_cast %mul3A_139 : i32 to index
        %swap3A_563 = tpu.vector_load %arg10[%swap3A_560, %swap3A_561, %swap3A_562] {strides = array<i32>} : memref<8x8x128xf32, #tpu.memory_space<vmem>>, vector<16xf32>,
        tpu.vector_store %arg10[%swap3A_560, %swap3A_561, %swap3A_562], %add3A_282 {strides = array<i32>} : memref<8x8x128xf32, #tpu.memory_space<vmem>>, vector<16xf32>,
        %swap3A_564 = arith.constant 0 : i32
        %swap3A_565 = arith.constant 2 : i32
        %swap3A_566 = arith.index_cast %swap3A_564 : i32 to index
        %swap3A_567 = arith.index_cast %swap3A_565 : i32 to index
        %swap3A_568 = arith.index_cast %mul3A_139 : i32 to index
        %swap3A_569 = tpu.vector_load %arg10[%swap3A_566, %swap3A_567, %swap3A_568] {strides = array<i32>} : memref<8x8x128xf32, #tpu.memory_space<vmem>>, vector<16xf32>,
        tpu.vector_store %arg10[%swap3A_566, %swap3A_567, %swap3A_568], %add3A_291 {strides = array<i32>} : memref<8x8x128xf32, #tpu.memory_space<vmem>>, vector<16xf32>,
        %swap3A_570 = arith.constant 0 : i32
        %swap3A_571 = arith.constant 3 : i32
        %swap3A_572 = arith.index_cast %swap3A_570 : i32 to index
        %swap3A_573 = arith.index_cast %swap3A_571 : i32 to index
        %swap3A_574 = arith.index_cast %mul3A_139 : i32 to index
        %swap3A_575 = tpu.vector_load %arg10[%swap3A_572, %swap3A_573, %swap3A_574] {strides = array<i32>} : memref<8x8x128xf32, #tpu.memory_space<vmem>>, vector<16xf32>,
        tpu.vector_store %arg10[%swap3A_572, %swap3A_573, %swap3A_574], %add3A_300 {strides = array<i32>} : memref<8x8x128xf32, #tpu.memory_space<vmem>>, vector<16xf32>,
        %swap3A_576 = arith.constant 0 : i32
        %swap3A_577 = arith.constant 4 : i32
        %swap3A_578 = arith.index_cast %swap3A_576 : i32 to index
        %swap3A_579 = arith.index_cast %swap3A_577 : i32 to index
        %swap3A_580 = arith.index_cast %mul3A_139 : i32 to index
        %swap3A_581 = tpu.vector_load %arg10[%swap3A_578, %swap3A_579, %swap3A_580] {strides = array<i32>} : memref<8x8x128xf32, #tpu.memory_space<vmem>>, vector<16xf32>,
        tpu.vector_store %arg10[%swap3A_578, %swap3A_579, %swap3A_580], %add3A_309 {strides = array<i32>} : memref<8x8x128xf32, #tpu.memory_space<vmem>>, vector<16xf32>,
        %swap3A_582 = arith.constant 0 : i32
        %swap3A_583 = arith.constant 5 : i32
        %swap3A_584 = arith.index_cast %swap3A_582 : i32 to index
        %swap3A_585 = arith.index_cast %swap3A_583 : i32 to index
        %swap3A_586 = arith.index_cast %mul3A_139 : i32 to index
        %swap3A_587 = tpu.vector_load %arg10[%swap3A_584, %swap3A_585, %swap3A_586] {strides = array<i32>} : memref<8x8x128xf32, #tpu.memory_space<vmem>>, vector<16xf32>,
        tpu.vector_store %arg10[%swap3A_584, %swap3A_585, %swap3A_586], %add3A_318 {strides = array<i32>} : memref<8x8x128xf32, #tpu.memory_space<vmem>>, vector<16xf32>,
        %swap3A_588 = arith.constant 0 : i32
        %swap3A_589 = arith.constant 6 : i32
        %swap3A_590 = arith.index_cast %swap3A_588 : i32 to index
        %swap3A_591 = arith.index_cast %swap3A_589 : i32 to index
        %swap3A_592 = arith.index_cast %mul3A_139 : i32 to index
        %swap3A_593 = tpu.vector_load %arg10[%swap3A_590, %swap3A_591, %swap3A_592] {strides = array<i32>} : memref<8x8x128xf32, #tpu.memory_space<vmem>>, vector<16xf32>,
        tpu.vector_store %arg10[%swap3A_590, %swap3A_591, %swap3A_592], %add3A_327 {strides = array<i32>} : memref<8x8x128xf32, #tpu.memory_space<vmem>>, vector<16xf32>,
        %swap3A_594 = arith.constant 0 : i32
        %swap3A_595 = arith.constant 7 : i32
        %swap3A_596 = arith.index_cast %swap3A_594 : i32 to index
        %swap3A_597 = arith.index_cast %swap3A_595 : i32 to index
        %swap3A_598 = arith.index_cast %mul3A_139 : i32 to index
        %swap3A_599 = tpu.vector_load %arg10[%swap3A_596, %swap3A_597, %swap3A_598] {strides = array<i32>} : memref<8x8x128xf32, #tpu.memory_space<vmem>>, vector<16xf32>,
        tpu.vector_store %arg10[%swap3A_596, %swap3A_597, %swap3A_598], %add3A_336 {strides = array<i32>} : memref<8x8x128xf32, #tpu.memory_space<vmem>>, vector<16xf32>,
        %swap3A_600 = arith.constant 1 : i32
        %swap3A_601 = arith.constant 0 : i32
        %swap3A_602 = arith.index_cast %swap3A_600 : i32 to index
        %swap3A_603 = arith.index_cast %swap3A_601 : i32 to index
        %swap3A_604 = arith.index_cast %mul3A_139 : i32 to index
        %swap3A_605 = tpu.vector_load %arg10[%swap3A_602, %swap3A_603, %swap3A_604] {strides = array<i32>} : memref<8x8x128xf32, #tpu.memory_space<vmem>>, vector<16xf32>,
        tpu.vector_store %arg10[%swap3A_602, %swap3A_603, %swap3A_604], %add3A_345 {strides = array<i32>} : memref<8x8x128xf32, #tpu.memory_space<vmem>>, vector<16xf32>,
        %swap3A_606 = arith.constant 1 : i32
        %swap3A_607 = arith.constant 1 : i32
        %swap3A_608 = arith.index_cast %swap3A_606 : i32 to index
        %swap3A_609 = arith.index_cast %swap3A_607 : i32 to index
        %swap3A_610 = arith.index_cast %mul3A_139 : i32 to index
        %swap3A_611 = tpu.vector_load %arg10[%swap3A_608, %swap3A_609, %swap3A_610] {strides = array<i32>} : memref<8x8x128xf32, #tpu.memory_space<vmem>>, vector<16xf32>,
        tpu.vector_store %arg10[%swap3A_608, %swap3A_609, %swap3A_610], %add3A_354 {strides = array<i32>} : memref<8x8x128xf32, #tpu.memory_space<vmem>>, vector<16xf32>,
        %swap3A_612 = arith.constant 1 : i32
        %swap3A_613 = arith.constant 2 : i32
        %swap3A_614 = arith.index_cast %swap3A_612 : i32 to index
        %swap3A_615 = arith.index_cast %swap3A_613 : i32 to index
        %swap3A_616 = arith.index_cast %mul3A_139 : i32 to index
        %swap3A_617 = tpu.vector_load %arg10[%swap3A_614, %swap3A_615, %swap3A_616] {strides = array<i32>} : memref<8x8x128xf32, #tpu.memory_space<vmem>>, vector<16xf32>,
        tpu.vector_store %arg10[%swap3A_614, %swap3A_615, %swap3A_616], %add3A_363 {strides = array<i32>} : memref<8x8x128xf32, #tpu.memory_space<vmem>>, vector<16xf32>,
        %swap3A_618 = arith.constant 1 : i32
        %swap3A_619 = arith.constant 3 : i32
        %swap3A_620 = arith.index_cast %swap3A_618 : i32 to index
        %swap3A_621 = arith.index_cast %swap3A_619 : i32 to index
        %swap3A_622 = arith.index_cast %mul3A_139 : i32 to index
        %swap3A_623 = tpu.vector_load %arg10[%swap3A_620, %swap3A_621, %swap3A_622] {strides = array<i32>} : memref<8x8x128xf32, #tpu.memory_space<vmem>>, vector<16xf32>,
        tpu.vector_store %arg10[%swap3A_620, %swap3A_621, %swap3A_622], %add3A_372 {strides = array<i32>} : memref<8x8x128xf32, #tpu.memory_space<vmem>>, vector<16xf32>,
        %swap3A_624 = arith.constant 1 : i32
        %swap3A_625 = arith.constant 4 : i32
        %swap3A_626 = arith.index_cast %swap3A_624 : i32 to index
        %swap3A_627 = arith.index_cast %swap3A_625 : i32 to index
        %swap3A_628 = arith.index_cast %mul3A_139 : i32 to index
        %swap3A_629 = tpu.vector_load %arg10[%swap3A_626, %swap3A_627, %swap3A_628] {strides = array<i32>} : memref<8x8x128xf32, #tpu.memory_space<vmem>>, vector<16xf32>,
        tpu.vector_store %arg10[%swap3A_626, %swap3A_627, %swap3A_628], %add3A_381 {strides = array<i32>} : memref<8x8x128xf32, #tpu.memory_space<vmem>>, vector<16xf32>,
        %swap3A_630 = arith.constant 1 : i32
        %swap3A_631 = arith.constant 5 : i32
        %swap3A_632 = arith.index_cast %swap3A_630 : i32 to index
        %swap3A_633 = arith.index_cast %swap3A_631 : i32 to index
        %swap3A_634 = arith.index_cast %mul3A_139 : i32 to index
        %swap3A_635 = tpu.vector_load %arg10[%swap3A_632, %swap3A_633, %swap3A_634] {strides = array<i32>} : memref<8x8x128xf32, #tpu.memory_space<vmem>>, vector<16xf32>,
        tpu.vector_store %arg10[%swap3A_632, %swap3A_633, %swap3A_634], %add3A_390 {strides = array<i32>} : memref<8x8x128xf32, #tpu.memory_space<vmem>>, vector<16xf32>,
        %swap3A_636 = arith.constant 1 : i32
        %swap3A_637 = arith.constant 6 : i32
        %swap3A_638 = arith.index_cast %swap3A_636 : i32 to index
        %swap3A_639 = arith.index_cast %swap3A_637 : i32 to index
        %swap3A_640 = arith.index_cast %mul3A_139 : i32 to index
        %swap3A_641 = tpu.vector_load %arg10[%swap3A_638, %swap3A_639, %swap3A_640] {strides = array<i32>} : memref<8x8x128xf32, #tpu.memory_space<vmem>>, vector<16xf32>,
        tpu.vector_store %arg10[%swap3A_638, %swap3A_639, %swap3A_640], %add3A_399 {strides = array<i32>} : memref<8x8x128xf32, #tpu.memory_space<vmem>>, vector<16xf32>,
        %swap3A_642 = arith.constant 1 : i32
        %swap3A_643 = arith.constant 7 : i32
        %swap3A_644 = arith.index_cast %swap3A_642 : i32 to index
        %swap3A_645 = arith.index_cast %swap3A_643 : i32 to index
        %swap3A_646 = arith.index_cast %mul3A_139 : i32 to index
        %swap3A_647 = tpu.vector_load %arg10[%swap3A_644, %swap3A_645, %swap3A_646] {strides = array<i32>} : memref<8x8x128xf32, #tpu.memory_space<vmem>>, vector<16xf32>,
        tpu.vector_store %arg10[%swap3A_644, %swap3A_645, %swap3A_646], %add3A_408 {strides = array<i32>} : memref<8x8x128xf32, #tpu.memory_space<vmem>>, vector<16xf32>,
        %swap3A_648 = arith.constant 2 : i32
        %swap3A_649 = arith.constant 0 : i32
        %swap3A_650 = arith.index_cast %swap3A_648 : i32 to index
        %swap3A_651 = arith.index_cast %swap3A_649 : i32 to index
        %swap3A_652 = arith.index_cast %mul3A_139 : i32 to index
        %swap3A_653 = tpu.vector_load %arg10[%swap3A_650, %swap3A_651, %swap3A_652] {strides = array<i32>} : memref<8x8x128xf32, #tpu.memory_space<vmem>>, vector<16xf32>,
        tpu.vector_store %arg10[%swap3A_650, %swap3A_651, %swap3A_652], %add3A_417 {strides = array<i32>} : memref<8x8x128xf32, #tpu.memory_space<vmem>>, vector<16xf32>,
        %swap3A_654 = arith.constant 2 : i32
        %swap3A_655 = arith.constant 1 : i32
        %swap3A_656 = arith.index_cast %swap3A_654 : i32 to index
        %swap3A_657 = arith.index_cast %swap3A_655 : i32 to index
        %swap3A_658 = arith.index_cast %mul3A_139 : i32 to index
        %swap3A_659 = tpu.vector_load %arg10[%swap3A_656, %swap3A_657, %swap3A_658] {strides = array<i32>} : memref<8x8x128xf32, #tpu.memory_space<vmem>>, vector<16xf32>,
        tpu.vector_store %arg10[%swap3A_656, %swap3A_657, %swap3A_658], %add3A_426 {strides = array<i32>} : memref<8x8x128xf32, #tpu.memory_space<vmem>>, vector<16xf32>,
        %swap3A_660 = arith.constant 2 : i32
        %swap3A_661 = arith.constant 2 : i32
        %swap3A_662 = arith.index_cast %swap3A_660 : i32 to index
        %swap3A_663 = arith.index_cast %swap3A_661 : i32 to index
        %swap3A_664 = arith.index_cast %mul3A_139 : i32 to index
        %swap3A_665 = tpu.vector_load %arg10[%swap3A_662, %swap3A_663, %swap3A_664] {strides = array<i32>} : memref<8x8x128xf32, #tpu.memory_space<vmem>>, vector<16xf32>,
        tpu.vector_store %arg10[%swap3A_662, %swap3A_663, %swap3A_664], %add3A_435 {strides = array<i32>} : memref<8x8x128xf32, #tpu.memory_space<vmem>>, vector<16xf32>,
        %swap3A_666 = arith.constant 2 : i32
        %swap3A_667 = arith.constant 3 : i32
        %swap3A_668 = arith.index_cast %swap3A_666 : i32 to index
        %swap3A_669 = arith.index_cast %swap3A_667 : i32 to index
        %swap3A_670 = arith.index_cast %mul3A_139 : i32 to index
        %swap3A_671 = tpu.vector_load %arg10[%swap3A_668, %swap3A_669, %swap3A_670] {strides = array<i32>} : memref<8x8x128xf32, #tpu.memory_space<vmem>>, vector<16xf32>,
        tpu.vector_store %arg10[%swap3A_668, %swap3A_669, %swap3A_670], %add3A_444 {strides = array<i32>} : memref<8x8x128xf32, #tpu.memory_space<vmem>>, vector<16xf32>,
        %swap3A_672 = arith.constant 2 : i32
        %swap3A_673 = arith.constant 4 : i32
        %swap3A_674 = arith.index_cast %swap3A_672 : i32 to index
        %swap3A_675 = arith.index_cast %swap3A_673 : i32 to index
        %swap3A_676 = arith.index_cast %mul3A_139 : i32 to index
        %swap3A_677 = tpu.vector_load %arg10[%swap3A_674, %swap3A_675, %swap3A_676] {strides = array<i32>} : memref<8x8x128xf32, #tpu.memory_space<vmem>>, vector<16xf32>,
        tpu.vector_store %arg10[%swap3A_674, %swap3A_675, %swap3A_676], %add3A_453 {strides = array<i32>} : memref<8x8x128xf32, #tpu.memory_space<vmem>>, vector<16xf32>,
        %swap3A_678 = arith.constant 2 : i32
        %swap3A_679 = arith.constant 5 : i32
        %swap3A_680 = arith.index_cast %swap3A_678 : i32 to index
        %swap3A_681 = arith.index_cast %swap3A_679 : i32 to index
        %swap3A_682 = arith.index_cast %mul3A_139 : i32 to index
        %swap3A_683 = tpu.vector_load %arg10[%swap3A_680, %swap3A_681, %swap3A_682] {strides = array<i32>} : memref<8x8x128xf32, #tpu.memory_space<vmem>>, vector<16xf32>,
        tpu.vector_store %arg10[%swap3A_680, %swap3A_681, %swap3A_682], %add3A_462 {strides = array<i32>} : memref<8x8x128xf32, #tpu.memory_space<vmem>>, vector<16xf32>,
        %swap3A_684 = arith.constant 2 : i32
        %swap3A_685 = arith.constant 6 : i32
        %swap3A_686 = arith.index_cast %swap3A_684 : i32 to index
        %swap3A_687 = arith.index_cast %swap3A_685 : i32 to index
        %swap3A_688 = arith.index_cast %mul3A_139 : i32 to index
        %swap3A_689 = tpu.vector_load %arg10[%swap3A_686, %swap3A_687, %swap3A_688] {strides = array<i32>} : memref<8x8x128xf32, #tpu.memory_space<vmem>>, vector<16xf32>,
        tpu.vector_store %arg10[%swap3A_686, %swap3A_687, %swap3A_688], %add3A_471 {strides = array<i32>} : memref<8x8x128xf32, #tpu.memory_space<vmem>>, vector<16xf32>,
        %swap3A_690 = arith.constant 2 : i32
        %swap3A_691 = arith.constant 7 : i32
        %swap3A_692 = arith.index_cast %swap3A_690 : i32 to index
        %swap3A_693 = arith.index_cast %swap3A_691 : i32 to index
        %swap3A_694 = arith.index_cast %mul3A_139 : i32 to index
        %swap3A_695 = tpu.vector_load %arg10[%swap3A_692, %swap3A_693, %swap3A_694] {strides = array<i32>} : memref<8x8x128xf32, #tpu.memory_space<vmem>>, vector<16xf32>,
        tpu.vector_store %arg10[%swap3A_692, %swap3A_693, %swap3A_694], %add3A_480 {strides = array<i32>} : memref<8x8x128xf32, #tpu.memory_space<vmem>>, vector<16xf32>,
        %swap3A_696 = arith.constant 3 : i32
        %swap3A_697 = arith.constant 0 : i32
        %swap3A_698 = arith.index_cast %swap3A_696 : i32 to index
        %swap3A_699 = arith.index_cast %swap3A_697 : i32 to index
        %swap3A_700 = arith.index_cast %mul3A_139 : i32 to index
        %swap3A_701 = tpu.vector_load %arg10[%swap3A_698, %swap3A_699, %swap3A_700] {strides = array<i32>} : memref<8x8x128xf32, #tpu.memory_space<vmem>>, vector<16xf32>,
        tpu.vector_store %arg10[%swap3A_698, %swap3A_699, %swap3A_700], %add3A_489 {strides = array<i32>} : memref<8x8x128xf32, #tpu.memory_space<vmem>>, vector<16xf32>,
        %swap3A_702 = arith.constant 3 : i32
        %swap3A_703 = arith.constant 1 : i32
        %swap3A_704 = arith.index_cast %swap3A_702 : i32 to index
        %swap3A_705 = arith.index_cast %swap3A_703 : i32 to index
        %swap3A_706 = arith.index_cast %mul3A_139 : i32 to index
        %swap3A_707 = tpu.vector_load %arg10[%swap3A_704, %swap3A_705, %swap3A_706] {strides = array<i32>} : memref<8x8x128xf32, #tpu.memory_space<vmem>>, vector<16xf32>,
        tpu.vector_store %arg10[%swap3A_704, %swap3A_705, %swap3A_706], %add3A_498 {strides = array<i32>} : memref<8x8x128xf32, #tpu.memory_space<vmem>>, vector<16xf32>,
        %swap3A_708 = arith.constant 3 : i32
        %swap3A_709 = arith.constant 2 : i32
        %swap3A_710 = arith.index_cast %swap3A_708 : i32 to index
        %swap3A_711 = arith.index_cast %swap3A_709 : i32 to index
        %swap3A_712 = arith.index_cast %mul3A_139 : i32 to index
        %swap3A_713 = tpu.vector_load %arg10[%swap3A_710, %swap3A_711, %swap3A_712] {strides = array<i32>} : memref<8x8x128xf32, #tpu.memory_space<vmem>>, vector<16xf32>,
        tpu.vector_store %arg10[%swap3A_710, %swap3A_711, %swap3A_712], %add3A_507 {strides = array<i32>} : memref<8x8x128xf32, #tpu.memory_space<vmem>>, vector<16xf32>,
        %swap3A_714 = arith.constant 3 : i32
        %swap3A_715 = arith.constant 3 : i32
        %swap3A_716 = arith.index_cast %swap3A_714 : i32 to index
        %swap3A_717 = arith.index_cast %swap3A_715 : i32 to index
        %swap3A_718 = arith.index_cast %mul3A_139 : i32 to index
        %swap3A_719 = tpu.vector_load %arg10[%swap3A_716, %swap3A_717, %swap3A_718] {strides = array<i32>} : memref<8x8x128xf32, #tpu.memory_space<vmem>>, vector<16xf32>,
        tpu.vector_store %arg10[%swap3A_716, %swap3A_717, %swap3A_718], %add3A_516 {strides = array<i32>} : memref<8x8x128xf32, #tpu.memory_space<vmem>>, vector<16xf32>,
        %swap3A_720 = arith.constant 3 : i32
        %swap3A_721 = arith.constant 4 : i32
        %swap3A_722 = arith.index_cast %swap3A_720 : i32 to index
        %swap3A_723 = arith.index_cast %swap3A_721 : i32 to index
        %swap3A_724 = arith.index_cast %mul3A_139 : i32 to index
        %swap3A_725 = tpu.vector_load %arg10[%swap3A_722, %swap3A_723, %swap3A_724] {strides = array<i32>} : memref<8x8x128xf32, #tpu.memory_space<vmem>>, vector<16xf32>,
        tpu.vector_store %arg10[%swap3A_722, %swap3A_723, %swap3A_724], %add3A_525 {strides = array<i32>} : memref<8x8x128xf32, #tpu.memory_space<vmem>>, vector<16xf32>,
        %swap3A_726 = arith.constant 3 : i32
        %swap3A_727 = arith.constant 5 : i32
        %swap3A_728 = arith.index_cast %swap3A_726 : i32 to index
        %swap3A_729 = arith.index_cast %swap3A_727 : i32 to index
        %swap3A_730 = arith.index_cast %mul3A_139 : i32 to index
        %swap3A_731 = tpu.vector_load %arg10[%swap3A_728, %swap3A_729, %swap3A_730] {strides = array<i32>} : memref<8x8x128xf32, #tpu.memory_space<vmem>>, vector<16xf32>,
        tpu.vector_store %arg10[%swap3A_728, %swap3A_729, %swap3A_730], %add3A_534 {strides = array<i32>} : memref<8x8x128xf32, #tpu.memory_space<vmem>>, vector<16xf32>,
        %swap3A_732 = arith.constant 3 : i32
        %swap3A_733 = arith.constant 6 : i32
        %swap3A_734 = arith.index_cast %swap3A_732 : i32 to index
        %swap3A_735 = arith.index_cast %swap3A_733 : i32 to index
        %swap3A_736 = arith.index_cast %mul3A_139 : i32 to index
        %swap3A_737 = tpu.vector_load %arg10[%swap3A_734, %swap3A_735, %swap3A_736] {strides = array<i32>} : memref<8x8x128xf32, #tpu.memory_space<vmem>>, vector<16xf32>,
        tpu.vector_store %arg10[%swap3A_734, %swap3A_735, %swap3A_736], %add3A_543 {strides = array<i32>} : memref<8x8x128xf32, #tpu.memory_space<vmem>>, vector<16xf32>,
        %swap3A_738 = arith.constant 3 : i32
        %swap3A_739 = arith.constant 7 : i32
        %swap3A_740 = arith.index_cast %swap3A_738 : i32 to index
        %swap3A_741 = arith.index_cast %swap3A_739 : i32 to index
        %swap3A_742 = arith.index_cast %mul3A_139 : i32 to index
        %swap3A_743 = tpu.vector_load %arg10[%swap3A_740, %swap3A_741, %swap3A_742] {strides = array<i32>} : memref<8x8x128xf32, #tpu.memory_space<vmem>>, vector<16xf32>,
        tpu.vector_store %arg10[%swap3A_740, %swap3A_741, %swap3A_742], %add3A_552 {strides = array<i32>} : memref<8x8x128xf32, #tpu.memory_space<vmem>>, vector<16xf32>,
        %add3A_744 = arith.constant 16400 : i32
        %add3A_745 = vector.broadcast %add3A_744 : i32 to vector<16xi32>
        %add3A_746 = arith.addi %and3A_135, %add3A_745 : vector<16xi32>
        %gather3A_747 = tpu.vector_load_idx %arg6[%add3A_746] : memref<32800xi32, #tpu.memory_space<vmem>>[vector<16xi32>], vector<16xi32>,
        %add3A_748 = arith.constant 17425 : i32
        %add3A_749 = vector.broadcast %add3A_748 : i32 to vector<16xi32>
        %add3A_750 = arith.addi %and3A_135, %add3A_749 : vector<16xi32>
        %gather3A_751 = tpu.vector_load_idx %arg6[%add3A_750] : memref<32800xi32, #tpu.memory_space<vmem>>[vector<16xi32>], vector<16xi32>,
        %add3A_752 = arith.constant 18450 : i32
        %add3A_753 = vector.broadcast %add3A_752 : i32 to vector<16xi32>
        %add3A_754 = arith.addi %and3A_135, %add3A_753 : vector<16xi32>
        %gather3A_755 = tpu.vector_load_idx %arg6[%add3A_754] : memref<32800xi32, #tpu.memory_space<vmem>>[vector<16xi32>], vector<16xi32>,
        %add3A_756 = arith.constant 19475 : i32
        %add3A_757 = vector.broadcast %add3A_756 : i32 to vector<16xi32>
        %add3A_758 = arith.addi %and3A_135, %add3A_757 : vector<16xi32>
        %gather3A_759 = tpu.vector_load_idx %arg6[%add3A_758] : memref<32800xi32, #tpu.memory_space<vmem>>[vector<16xi32>], vector<16xi32>,
        %add3A_760 = arith.constant 20500 : i32
        %add3A_761 = vector.broadcast %add3A_760 : i32 to vector<16xi32>
        %add3A_762 = arith.addi %and3A_135, %add3A_761 : vector<16xi32>
        %gather3A_763 = tpu.vector_load_idx %arg6[%add3A_762] : memref<32800xi32, #tpu.memory_space<vmem>>[vector<16xi32>], vector<16xi32>,
        %add3A_764 = arith.constant 21525 : i32
        %add3A_765 = vector.broadcast %add3A_764 : i32 to vector<16xi32>
        %add3A_766 = arith.addi %and3A_135, %add3A_765 : vector<16xi32>
        %gather3A_767 = tpu.vector_load_idx %arg6[%add3A_766] : memref<32800xi32, #tpu.memory_space<vmem>>[vector<16xi32>], vector<16xi32>,
        %add3A_768 = arith.constant 22550 : i32
        %add3A_769 = vector.broadcast %add3A_768 : i32 to vector<16xi32>
        %add3A_770 = arith.addi %and3A_135, %add3A_769 : vector<16xi32>
        %gather3A_771 = tpu.vector_load_idx %arg6[%add3A_770] : memref<32800xi32, #tpu.memory_space<vmem>>[vector<16xi32>], vector<16xi32>,
        %add3A_772 = arith.constant 23575 : i32
        %add3A_773 = vector.broadcast %add3A_772 : i32 to vector<16xi32>
        %add3A_774 = arith.addi %and3A_135, %add3A_773 : vector<16xi32>
        %gather3A_775 = tpu.vector_load_idx %arg6[%add3A_774] : memref<32800xi32, #tpu.memory_space<vmem>>[vector<16xi32>], vector<16xi32>,
        %add3A_776 = arith.constant 24600 : i32
        %add3A_777 = vector.broadcast %add3A_776 : i32 to vector<16xi32>
        %add3A_778 = arith.addi %and3A_135, %add3A_777 : vector<16xi32>
        %gather3A_779 = tpu.vector_load_idx %arg6[%add3A_778] : memref<32800xi32, #tpu.memory_space<vmem>>[vector<16xi32>], vector<16xi32>,
        %add3A_780 = arith.constant 25625 : i32
        %add3A_781 = vector.broadcast %add3A_780 : i32 to vector<16xi32>
        %add3A_782 = arith.addi %and3A_135, %add3A_781 : vector<16xi32>
        %gather3A_783 = tpu.vector_load_idx %arg6[%add3A_782] : memref<32800xi32, #tpu.memory_space<vmem>>[vector<16xi32>], vector<16xi32>,
        %add3A_784 = arith.constant 26650 : i32
        %add3A_785 = vector.broadcast %add3A_784 : i32 to vector<16xi32>
        %add3A_786 = arith.addi %and3A_135, %add3A_785 : vector<16xi32>
        %gather3A_787 = tpu.vector_load_idx %arg6[%add3A_786] : memref<32800xi32, #tpu.memory_space<vmem>>[vector<16xi32>], vector<16xi32>,
        %add3A_788 = arith.constant 27675 : i32
        %add3A_789 = vector.broadcast %add3A_788 : i32 to vector<16xi32>
        %add3A_790 = arith.addi %and3A_135, %add3A_789 : vector<16xi32>
        %gather3A_791 = tpu.vector_load_idx %arg6[%add3A_790] : memref<32800xi32, #tpu.memory_space<vmem>>[vector<16xi32>], vector<16xi32>,
        %add3A_792 = arith.constant 28700 : i32
        %add3A_793 = vector.broadcast %add3A_792 : i32 to vector<16xi32>
        %add3A_794 = arith.addi %and3A_135, %add3A_793 : vector<16xi32>
        %gather3A_795 = tpu.vector_load_idx %arg6[%add3A_794] : memref<32800xi32, #tpu.memory_space<vmem>>[vector<16xi32>], vector<16xi32>,
        %add3A_796 = arith.constant 29725 : i32
        %add3A_797 = vector.broadcast %add3A_796 : i32 to vector<16xi32>
        %add3A_798 = arith.addi %and3A_135, %add3A_797 : vector<16xi32>
        %gather3A_799 = tpu.vector_load_idx %arg6[%add3A_798] : memref<32800xi32, #tpu.memory_space<vmem>>[vector<16xi32>], vector<16xi32>,
        %add3A_800 = arith.constant 30750 : i32
        %add3A_801 = vector.broadcast %add3A_800 : i32 to vector<16xi32>
        %add3A_802 = arith.addi %and3A_135, %add3A_801 : vector<16xi32>
        %gather3A_803 = tpu.vector_load_idx %arg6[%add3A_802] : memref<32800xi32, #tpu.memory_space<vmem>>[vector<16xi32>], vector<16xi32>,
        %add3A_804 = arith.constant 31775 : i32
        %add3A_805 = vector.broadcast %add3A_804 : i32 to vector<16xi32>
        %add3A_806 = arith.addi %and3A_135, %add3A_805 : vector<16xi32>
        %gather3A_807 = tpu.vector_load_idx %arg6[%add3A_806] : memref<32800xi32, #tpu.memory_space<vmem>>[vector<16xi32>], vector<16xi32>,
        %add3A_808 = arith.constant 16400 : i32
        %add3A_809 = vector.broadcast %add3A_808 : i32 to vector<16xi32>
        %add3A_810 = arith.addi %shift_right_logical3A_137, %add3A_809 : vector<16xi32>
        %gather3A_811 = tpu.vector_load_idx %arg7[%add3A_810] : memref<32800xi32, #tpu.memory_space<vmem>>[vector<16xi32>], vector<16xi32>,
        %add3A_812 = arith.constant 17425 : i32
        %add3A_813 = vector.broadcast %add3A_812 : i32 to vector<16xi32>
        %add3A_814 = arith.addi %shift_right_logical3A_137, %add3A_813 : vector<16xi32>
        %gather3A_815 = tpu.vector_load_idx %arg7[%add3A_814] : memref<32800xi32, #tpu.memory_space<vmem>>[vector<16xi32>], vector<16xi32>,
        %add3A_816 = arith.constant 18450 : i32
        %add3A_817 = vector.broadcast %add3A_816 : i32 to vector<16xi32>
        %add3A_818 = arith.addi %shift_right_logical3A_137, %add3A_817 : vector<16xi32>
        %gather3A_819 = tpu.vector_load_idx %arg7[%add3A_818] : memref<32800xi32, #tpu.memory_space<vmem>>[vector<16xi32>], vector<16xi32>,
        %add3A_820 = arith.constant 19475 : i32
        %add3A_821 = vector.broadcast %add3A_820 : i32 to vector<16xi32>
        %add3A_822 = arith.addi %shift_right_logical3A_137, %add3A_821 : vector<16xi32>
        %gather3A_823 = tpu.vector_load_idx %arg7[%add3A_822] : memref<32800xi32, #tpu.memory_space<vmem>>[vector<16xi32>], vector<16xi32>,
        %add3A_824 = arith.constant 20500 : i32
        %add3A_825 = vector.broadcast %add3A_824 : i32 to vector<16xi32>
        %add3A_826 = arith.addi %shift_right_logical3A_137, %add3A_825 : vector<16xi32>
        %gather3A_827 = tpu.vector_load_idx %arg7[%add3A_826] : memref<32800xi32, #tpu.memory_space<vmem>>[vector<16xi32>], vector<16xi32>,
        %add3A_828 = arith.constant 21525 : i32
        %add3A_829 = vector.broadcast %add3A_828 : i32 to vector<16xi32>
        %add3A_830 = arith.addi %shift_right_logical3A_137, %add3A_829 : vector<16xi32>
        %gather3A_831 = tpu.vector_load_idx %arg7[%add3A_830] : memref<32800xi32, #tpu.memory_space<vmem>>[vector<16xi32>], vector<16xi32>,
        %add3A_832 = arith.constant 22550 : i32
        %add3A_833 = vector.broadcast %add3A_832 : i32 to vector<16xi32>
        %add3A_834 = arith.addi %shift_right_logical3A_137, %add3A_833 : vector<16xi32>
        %gather3A_835 = tpu.vector_load_idx %arg7[%add3A_834] : memref<32800xi32, #tpu.memory_space<vmem>>[vector<16xi32>], vector<16xi32>,
        %add3A_836 = arith.constant 23575 : i32
        %add3A_837 = vector.broadcast %add3A_836 : i32 to vector<16xi32>
        %add3A_838 = arith.addi %shift_right_logical3A_137, %add3A_837 : vector<16xi32>
        %gather3A_839 = tpu.vector_load_idx %arg7[%add3A_838] : memref<32800xi32, #tpu.memory_space<vmem>>[vector<16xi32>], vector<16xi32>,
        %add3A_840 = arith.constant 24600 : i32
        %add3A_841 = vector.broadcast %add3A_840 : i32 to vector<16xi32>
        %add3A_842 = arith.addi %shift_right_logical3A_137, %add3A_841 : vector<16xi32>
        %gather3A_843 = tpu.vector_load_idx %arg7[%add3A_842] : memref<32800xi32, #tpu.memory_space<vmem>>[vector<16xi32>], vector<16xi32>,
        %add3A_844 = arith.constant 25625 : i32
        %add3A_845 = vector.broadcast %add3A_844 : i32 to vector<16xi32>
        %add3A_846 = arith.addi %shift_right_logical3A_137, %add3A_845 : vector<16xi32>
        %gather3A_847 = tpu.vector_load_idx %arg7[%add3A_846] : memref<32800xi32, #tpu.memory_space<vmem>>[vector<16xi32>], vector<16xi32>,
        %add3A_848 = arith.constant 26650 : i32
        %add3A_849 = vector.broadcast %add3A_848 : i32 to vector<16xi32>
        %add3A_850 = arith.addi %shift_right_logical3A_137, %add3A_849 : vector<16xi32>
        %gather3A_851 = tpu.vector_load_idx %arg7[%add3A_850] : memref<32800xi32, #tpu.memory_space<vmem>>[vector<16xi32>], vector<16xi32>,
        %add3A_852 = arith.constant 27675 : i32
        %add3A_853 = vector.broadcast %add3A_852 : i32 to vector<16xi32>
        %add3A_854 = arith.addi %shift_right_logical3A_137, %add3A_853 : vector<16xi32>
        %gather3A_855 = tpu.vector_load_idx %arg7[%add3A_854] : memref<32800xi32, #tpu.memory_space<vmem>>[vector<16xi32>], vector<16xi32>,
        %add3A_856 = arith.constant 28700 : i32
        %add3A_857 = vector.broadcast %add3A_856 : i32 to vector<16xi32>
        %add3A_858 = arith.addi %shift_right_logical3A_137, %add3A_857 : vector<16xi32>
        %gather3A_859 = tpu.vector_load_idx %arg7[%add3A_858] : memref<32800xi32, #tpu.memory_space<vmem>>[vector<16xi32>], vector<16xi32>,
        %add3A_860 = arith.constant 29725 : i32
        %add3A_861 = vector.broadcast %add3A_860 : i32 to vector<16xi32>
        %add3A_862 = arith.addi %shift_right_logical3A_137, %add3A_861 : vector<16xi32>
        %gather3A_863 = tpu.vector_load_idx %arg7[%add3A_862] : memref<32800xi32, #tpu.memory_space<vmem>>[vector<16xi32>], vector<16xi32>,
        %add3A_864 = arith.constant 30750 : i32
        %add3A_865 = vector.broadcast %add3A_864 : i32 to vector<16xi32>
        %add3A_866 = arith.addi %shift_right_logical3A_137, %add3A_865 : vector<16xi32>
        %gather3A_867 = tpu.vector_load_idx %arg7[%add3A_866] : memref<32800xi32, #tpu.memory_space<vmem>>[vector<16xi32>], vector<16xi32>,
        %add3A_868 = arith.constant 31775 : i32
        %add3A_869 = vector.broadcast %add3A_868 : i32 to vector<16xi32>
        %add3A_870 = arith.addi %shift_right_logical3A_137, %add3A_869 : vector<16xi32>
        %gather3A_871 = tpu.vector_load_idx %arg7[%add3A_870] : memref<32800xi32, #tpu.memory_space<vmem>>[vector<16xi32>], vector<16xi32>,
        %shift_left3A_872 = arith.constant 16 : i32
        %shift_left3A_873 = vector.broadcast %shift_left3A_872 : i32 to vector<16xi32>
        %shift_left3A_874 = arith.shli %gather3A_747, %shift_left3A_873 : vector<16xi32>
        %bitcast_convert_type3A_875 = tpu.bitcast %shift_left3A_874 : vector<16xi32> -> vector<16xf32>
        %shift_left3A_876 = arith.constant 16 : i32
        %shift_left3A_877 = vector.broadcast %shift_left3A_876 : i32 to vector<16xi32>
        %shift_left3A_878 = arith.shli %gather3A_811, %shift_left3A_877 : vector<16xi32>
        %bitcast_convert_type3A_879 = tpu.bitcast %shift_left3A_878 : vector<16xi32> -> vector<16xf32>
        %add3A_880 = arith.addf %bitcast_convert_type3A_875, %bitcast_convert_type3A_879 : vector<16xf32>
        %and3A_881 = arith.constant -65536 : i32
        %and3A_882 = vector.broadcast %and3A_881 : i32 to vector<16xi32>
        %and3A_883 = arith.andi %gather3A_747, %and3A_882 : vector<16xi32>
        %bitcast_convert_type3A_884 = tpu.bitcast %and3A_883 : vector<16xi32> -> vector<16xf32>
        %and3A_885 = arith.constant -65536 : i32
        %and3A_886 = vector.broadcast %and3A_885 : i32 to vector<16xi32>
        %and3A_887 = arith.andi %gather3A_811, %and3A_886 : vector<16xi32>
        %bitcast_convert_type3A_888 = tpu.bitcast %and3A_887 : vector<16xi32> -> vector<16xf32>
        %add3A_889 = arith.addf %bitcast_convert_type3A_884, %bitcast_convert_type3A_888 : vector<16xf32>
        %shift_left3A_890 = arith.constant 16 : i32
        %shift_left3A_891 = vector.broadcast %shift_left3A_890 : i32 to vector<16xi32>
        %shift_left3A_892 = arith.shli %gather3A_751, %shift_left3A_891 : vector<16xi32>
        %bitcast_convert_type3A_893 = tpu.bitcast %shift_left3A_892 : vector<16xi32> -> vector<16xf32>
        %shift_left3A_894 = arith.constant 16 : i32
        %shift_left3A_895 = vector.broadcast %shift_left3A_894 : i32 to vector<16xi32>
        %shift_left3A_896 = arith.shli %gather3A_815, %shift_left3A_895 : vector<16xi32>
        %bitcast_convert_type3A_897 = tpu.bitcast %shift_left3A_896 : vector<16xi32> -> vector<16xf32>
        %add3A_898 = arith.addf %bitcast_convert_type3A_893, %bitcast_convert_type3A_897 : vector<16xf32>
        %and3A_899 = arith.constant -65536 : i32
        %and3A_900 = vector.broadcast %and3A_899 : i32 to vector<16xi32>
        %and3A_901 = arith.andi %gather3A_751, %and3A_900 : vector<16xi32>
        %bitcast_convert_type3A_902 = tpu.bitcast %and3A_901 : vector<16xi32> -> vector<16xf32>
        %and3A_903 = arith.constant -65536 : i32
        %and3A_904 = vector.broadcast %and3A_903 : i32 to vector<16xi32>
        %and3A_905 = arith.andi %gather3A_815, %and3A_904 : vector<16xi32>
        %bitcast_convert_type3A_906 = tpu.bitcast %and3A_905 : vector<16xi32> -> vector<16xf32>
        %add3A_907 = arith.addf %bitcast_convert_type3A_902, %bitcast_convert_type3A_906 : vector<16xf32>
        %shift_left3A_908 = arith.constant 16 : i32
        %shift_left3A_909 = vector.broadcast %shift_left3A_908 : i32 to vector<16xi32>
        %shift_left3A_910 = arith.shli %gather3A_755, %shift_left3A_909 : vector<16xi32>
        %bitcast_convert_type3A_911 = tpu.bitcast %shift_left3A_910 : vector<16xi32> -> vector<16xf32>
        %shift_left3A_912 = arith.constant 16 : i32
        %shift_left3A_913 = vector.broadcast %shift_left3A_912 : i32 to vector<16xi32>
        %shift_left3A_914 = arith.shli %gather3A_819, %shift_left3A_913 : vector<16xi32>
        %bitcast_convert_type3A_915 = tpu.bitcast %shift_left3A_914 : vector<16xi32> -> vector<16xf32>
        %add3A_916 = arith.addf %bitcast_convert_type3A_911, %bitcast_convert_type3A_915 : vector<16xf32>
        %and3A_917 = arith.constant -65536 : i32
        %and3A_918 = vector.broadcast %and3A_917 : i32 to vector<16xi32>
        %and3A_919 = arith.andi %gather3A_755, %and3A_918 : vector<16xi32>
        %bitcast_convert_type3A_920 = tpu.bitcast %and3A_919 : vector<16xi32> -> vector<16xf32>
        %and3A_921 = arith.constant -65536 : i32
        %and3A_922 = vector.broadcast %and3A_921 : i32 to vector<16xi32>
        %and3A_923 = arith.andi %gather3A_819, %and3A_922 : vector<16xi32>
        %bitcast_convert_type3A_924 = tpu.bitcast %and3A_923 : vector<16xi32> -> vector<16xf32>
        %add3A_925 = arith.addf %bitcast_convert_type3A_920, %bitcast_convert_type3A_924 : vector<16xf32>
        %shift_left3A_926 = arith.constant 16 : i32
        %shift_left3A_927 = vector.broadcast %shift_left3A_926 : i32 to vector<16xi32>
        %shift_left3A_928 = arith.shli %gather3A_759, %shift_left3A_927 : vector<16xi32>
        %bitcast_convert_type3A_929 = tpu.bitcast %shift_left3A_928 : vector<16xi32> -> vector<16xf32>
        %shift_left3A_930 = arith.constant 16 : i32
        %shift_left3A_931 = vector.broadcast %shift_left3A_930 : i32 to vector<16xi32>
        %shift_left3A_932 = arith.shli %gather3A_823, %shift_left3A_931 : vector<16xi32>
        %bitcast_convert_type3A_933 = tpu.bitcast %shift_left3A_932 : vector<16xi32> -> vector<16xf32>
        %add3A_934 = arith.addf %bitcast_convert_type3A_929, %bitcast_convert_type3A_933 : vector<16xf32>
        %and3A_935 = arith.constant -65536 : i32
        %and3A_936 = vector.broadcast %and3A_935 : i32 to vector<16xi32>
        %and3A_937 = arith.andi %gather3A_759, %and3A_936 : vector<16xi32>
        %bitcast_convert_type3A_938 = tpu.bitcast %and3A_937 : vector<16xi32> -> vector<16xf32>
        %and3A_939 = arith.constant -65536 : i32
        %and3A_940 = vector.broadcast %and3A_939 : i32 to vector<16xi32>
        %and3A_941 = arith.andi %gather3A_823, %and3A_940 : vector<16xi32>
        %bitcast_convert_type3A_942 = tpu.bitcast %and3A_941 : vector<16xi32> -> vector<16xf32>
        %add3A_943 = arith.addf %bitcast_convert_type3A_938, %bitcast_convert_type3A_942 : vector<16xf32>
        %shift_left3A_944 = arith.constant 16 : i32
        %shift_left3A_945 = vector.broadcast %shift_left3A_944 : i32 to vector<16xi32>
        %shift_left3A_946 = arith.shli %gather3A_763, %shift_left3A_945 : vector<16xi32>
        %bitcast_convert_type3A_947 = tpu.bitcast %shift_left3A_946 : vector<16xi32> -> vector<16xf32>
        %shift_left3A_948 = arith.constant 16 : i32
        %shift_left3A_949 = vector.broadcast %shift_left3A_948 : i32 to vector<16xi32>
        %shift_left3A_950 = arith.shli %gather3A_827, %shift_left3A_949 : vector<16xi32>
        %bitcast_convert_type3A_951 = tpu.bitcast %shift_left3A_950 : vector<16xi32> -> vector<16xf32>
        %add3A_952 = arith.addf %bitcast_convert_type3A_947, %bitcast_convert_type3A_951 : vector<16xf32>
        %and3A_953 = arith.constant -65536 : i32
        %and3A_954 = vector.broadcast %and3A_953 : i32 to vector<16xi32>
        %and3A_955 = arith.andi %gather3A_763, %and3A_954 : vector<16xi32>
        %bitcast_convert_type3A_956 = tpu.bitcast %and3A_955 : vector<16xi32> -> vector<16xf32>
        %and3A_957 = arith.constant -65536 : i32
        %and3A_958 = vector.broadcast %and3A_957 : i32 to vector<16xi32>
        %and3A_959 = arith.andi %gather3A_827, %and3A_958 : vector<16xi32>
        %bitcast_convert_type3A_960 = tpu.bitcast %and3A_959 : vector<16xi32> -> vector<16xf32>
        %add3A_961 = arith.addf %bitcast_convert_type3A_956, %bitcast_convert_type3A_960 : vector<16xf32>
        %shift_left3A_962 = arith.constant 16 : i32
        %shift_left3A_963 = vector.broadcast %shift_left3A_962 : i32 to vector<16xi32>
        %shift_left3A_964 = arith.shli %gather3A_767, %shift_left3A_963 : vector<16xi32>
        %bitcast_convert_type3A_965 = tpu.bitcast %shift_left3A_964 : vector<16xi32> -> vector<16xf32>
        %shift_left3A_966 = arith.constant 16 : i32
        %shift_left3A_967 = vector.broadcast %shift_left3A_966 : i32 to vector<16xi32>
        %shift_left3A_968 = arith.shli %gather3A_831, %shift_left3A_967 : vector<16xi32>
        %bitcast_convert_type3A_969 = tpu.bitcast %shift_left3A_968 : vector<16xi32> -> vector<16xf32>
        %add3A_970 = arith.addf %bitcast_convert_type3A_965, %bitcast_convert_type3A_969 : vector<16xf32>
        %and3A_971 = arith.constant -65536 : i32
        %and3A_972 = vector.broadcast %and3A_971 : i32 to vector<16xi32>
        %and3A_973 = arith.andi %gather3A_767, %and3A_972 : vector<16xi32>
        %bitcast_convert_type3A_974 = tpu.bitcast %and3A_973 : vector<16xi32> -> vector<16xf32>
        %and3A_975 = arith.constant -65536 : i32
        %and3A_976 = vector.broadcast %and3A_975 : i32 to vector<16xi32>
        %and3A_977 = arith.andi %gather3A_831, %and3A_976 : vector<16xi32>
        %bitcast_convert_type3A_978 = tpu.bitcast %and3A_977 : vector<16xi32> -> vector<16xf32>
        %add3A_979 = arith.addf %bitcast_convert_type3A_974, %bitcast_convert_type3A_978 : vector<16xf32>
        %shift_left3A_980 = arith.constant 16 : i32
        %shift_left3A_981 = vector.broadcast %shift_left3A_980 : i32 to vector<16xi32>
        %shift_left3A_982 = arith.shli %gather3A_771, %shift_left3A_981 : vector<16xi32>
        %bitcast_convert_type3A_983 = tpu.bitcast %shift_left3A_982 : vector<16xi32> -> vector<16xf32>
        %shift_left3A_984 = arith.constant 16 : i32
        %shift_left3A_985 = vector.broadcast %shift_left3A_984 : i32 to vector<16xi32>
        %shift_left3A_986 = arith.shli %gather3A_835, %shift_left3A_985 : vector<16xi32>
        %bitcast_convert_type3A_987 = tpu.bitcast %shift_left3A_986 : vector<16xi32> -> vector<16xf32>
        %add3A_988 = arith.addf %bitcast_convert_type3A_983, %bitcast_convert_type3A_987 : vector<16xf32>
        %and3A_989 = arith.constant -65536 : i32
        %and3A_990 = vector.broadcast %and3A_989 : i32 to vector<16xi32>
        %and3A_991 = arith.andi %gather3A_771, %and3A_990 : vector<16xi32>
        %bitcast_convert_type3A_992 = tpu.bitcast %and3A_991 : vector<16xi32> -> vector<16xf32>
        %and3A_993 = arith.constant -65536 : i32
        %and3A_994 = vector.broadcast %and3A_993 : i32 to vector<16xi32>
        %and3A_995 = arith.andi %gather3A_835, %and3A_994 : vector<16xi32>
        %bitcast_convert_type3A_996 = tpu.bitcast %and3A_995 : vector<16xi32> -> vector<16xf32>
        %add3A_997 = arith.addf %bitcast_convert_type3A_992, %bitcast_convert_type3A_996 : vector<16xf32>
        %shift_left3A_998 = arith.constant 16 : i32
        %shift_left3A_999 = vector.broadcast %shift_left3A_998 : i32 to vector<16xi32>
        %shift_left3A_1000 = arith.shli %gather3A_775, %shift_left3A_999 : vector<16xi32>
        %bitcast_convert_type3A_1001 = tpu.bitcast %shift_left3A_1000 : vector<16xi32> -> vector<16xf32>
        %shift_left3A_1002 = arith.constant 16 : i32
        %shift_left3A_1003 = vector.broadcast %shift_left3A_1002 : i32 to vector<16xi32>
        %shift_left3A_1004 = arith.shli %gather3A_839, %shift_left3A_1003 : vector<16xi32>
        %bitcast_convert_type3A_1005 = tpu.bitcast %shift_left3A_1004 : vector<16xi32> -> vector<16xf32>
        %add3A_1006 = arith.addf %bitcast_convert_type3A_1001, %bitcast_convert_type3A_1005 : vector<16xf32>
        %and3A_1007 = arith.constant -65536 : i32
        %and3A_1008 = vector.broadcast %and3A_1007 : i32 to vector<16xi32>
        %and3A_1009 = arith.andi %gather3A_775, %and3A_1008 : vector<16xi32>
        %bitcast_convert_type3A_1010 = tpu.bitcast %and3A_1009 : vector<16xi32> -> vector<16xf32>
        %and3A_1011 = arith.constant -65536 : i32
        %and3A_1012 = vector.broadcast %and3A_1011 : i32 to vector<16xi32>
        %and3A_1013 = arith.andi %gather3A_839, %and3A_1012 : vector<16xi32>
        %bitcast_convert_type3A_1014 = tpu.bitcast %and3A_1013 : vector<16xi32> -> vector<16xf32>
        %add3A_1015 = arith.addf %bitcast_convert_type3A_1010, %bitcast_convert_type3A_1014 : vector<16xf32>
        %shift_left3A_1016 = arith.constant 16 : i32
        %shift_left3A_1017 = vector.broadcast %shift_left3A_1016 : i32 to vector<16xi32>
        %shift_left3A_1018 = arith.shli %gather3A_779, %shift_left3A_1017 : vector<16xi32>
        %bitcast_convert_type3A_1019 = tpu.bitcast %shift_left3A_1018 : vector<16xi32> -> vector<16xf32>
        %shift_left3A_1020 = arith.constant 16 : i32
        %shift_left3A_1021 = vector.broadcast %shift_left3A_1020 : i32 to vector<16xi32>
        %shift_left3A_1022 = arith.shli %gather3A_843, %shift_left3A_1021 : vector<16xi32>
        %bitcast_convert_type3A_1023 = tpu.bitcast %shift_left3A_1022 : vector<16xi32> -> vector<16xf32>
        %add3A_1024 = arith.addf %bitcast_convert_type3A_1019, %bitcast_convert_type3A_1023 : vector<16xf32>
        %and3A_1025 = arith.constant -65536 : i32
        %and3A_1026 = vector.broadcast %and3A_1025 : i32 to vector<16xi32>
        %and3A_1027 = arith.andi %gather3A_779, %and3A_1026 : vector<16xi32>
        %bitcast_convert_type3A_1028 = tpu.bitcast %and3A_1027 : vector<16xi32> -> vector<16xf32>
        %and3A_1029 = arith.constant -65536 : i32
        %and3A_1030 = vector.broadcast %and3A_1029 : i32 to vector<16xi32>
        %and3A_1031 = arith.andi %gather3A_843, %and3A_1030 : vector<16xi32>
        %bitcast_convert_type3A_1032 = tpu.bitcast %and3A_1031 : vector<16xi32> -> vector<16xf32>
        %add3A_1033 = arith.addf %bitcast_convert_type3A_1028, %bitcast_convert_type3A_1032 : vector<16xf32>
        %shift_left3A_1034 = arith.constant 16 : i32
        %shift_left3A_1035 = vector.broadcast %shift_left3A_1034 : i32 to vector<16xi32>
        %shift_left3A_1036 = arith.shli %gather3A_783, %shift_left3A_1035 : vector<16xi32>
        %bitcast_convert_type3A_1037 = tpu.bitcast %shift_left3A_1036 : vector<16xi32> -> vector<16xf32>
        %shift_left3A_1038 = arith.constant 16 : i32
        %shift_left3A_1039 = vector.broadcast %shift_left3A_1038 : i32 to vector<16xi32>
        %shift_left3A_1040 = arith.shli %gather3A_847, %shift_left3A_1039 : vector<16xi32>
        %bitcast_convert_type3A_1041 = tpu.bitcast %shift_left3A_1040 : vector<16xi32> -> vector<16xf32>
        %add3A_1042 = arith.addf %bitcast_convert_type3A_1037, %bitcast_convert_type3A_1041 : vector<16xf32>
        %and3A_1043 = arith.constant -65536 : i32
        %and3A_1044 = vector.broadcast %and3A_1043 : i32 to vector<16xi32>
        %and3A_1045 = arith.andi %gather3A_783, %and3A_1044 : vector<16xi32>
        %bitcast_convert_type3A_1046 = tpu.bitcast %and3A_1045 : vector<16xi32> -> vector<16xf32>
        %and3A_1047 = arith.constant -65536 : i32
        %and3A_1048 = vector.broadcast %and3A_1047 : i32 to vector<16xi32>
        %and3A_1049 = arith.andi %gather3A_847, %and3A_1048 : vector<16xi32>
        %bitcast_convert_type3A_1050 = tpu.bitcast %and3A_1049 : vector<16xi32> -> vector<16xf32>
        %add3A_1051 = arith.addf %bitcast_convert_type3A_1046, %bitcast_convert_type3A_1050 : vector<16xf32>
        %shift_left3A_1052 = arith.constant 16 : i32
        %shift_left3A_1053 = vector.broadcast %shift_left3A_1052 : i32 to vector<16xi32>
        %shift_left3A_1054 = arith.shli %gather3A_787, %shift_left3A_1053 : vector<16xi32>
        %bitcast_convert_type3A_1055 = tpu.bitcast %shift_left3A_1054 : vector<16xi32> -> vector<16xf32>
        %shift_left3A_1056 = arith.constant 16 : i32
        %shift_left3A_1057 = vector.broadcast %shift_left3A_1056 : i32 to vector<16xi32>
        %shift_left3A_1058 = arith.shli %gather3A_851, %shift_left3A_1057 : vector<16xi32>
        %bitcast_convert_type3A_1059 = tpu.bitcast %shift_left3A_1058 : vector<16xi32> -> vector<16xf32>
        %add3A_1060 = arith.addf %bitcast_convert_type3A_1055, %bitcast_convert_type3A_1059 : vector<16xf32>
        %and3A_1061 = arith.constant -65536 : i32
        %and3A_1062 = vector.broadcast %and3A_1061 : i32 to vector<16xi32>
        %and3A_1063 = arith.andi %gather3A_787, %and3A_1062 : vector<16xi32>
        %bitcast_convert_type3A_1064 = tpu.bitcast %and3A_1063 : vector<16xi32> -> vector<16xf32>
        %and3A_1065 = arith.constant -65536 : i32
        %and3A_1066 = vector.broadcast %and3A_1065 : i32 to vector<16xi32>
        %and3A_1067 = arith.andi %gather3A_851, %and3A_1066 : vector<16xi32>
        %bitcast_convert_type3A_1068 = tpu.bitcast %and3A_1067 : vector<16xi32> -> vector<16xf32>
        %add3A_1069 = arith.addf %bitcast_convert_type3A_1064, %bitcast_convert_type3A_1068 : vector<16xf32>
        %shift_left3A_1070 = arith.constant 16 : i32
        %shift_left3A_1071 = vector.broadcast %shift_left3A_1070 : i32 to vector<16xi32>
        %shift_left3A_1072 = arith.shli %gather3A_791, %shift_left3A_1071 : vector<16xi32>
        %bitcast_convert_type3A_1073 = tpu.bitcast %shift_left3A_1072 : vector<16xi32> -> vector<16xf32>
        %shift_left3A_1074 = arith.constant 16 : i32
        %shift_left3A_1075 = vector.broadcast %shift_left3A_1074 : i32 to vector<16xi32>
        %shift_left3A_1076 = arith.shli %gather3A_855, %shift_left3A_1075 : vector<16xi32>
        %bitcast_convert_type3A_1077 = tpu.bitcast %shift_left3A_1076 : vector<16xi32> -> vector<16xf32>
        %add3A_1078 = arith.addf %bitcast_convert_type3A_1073, %bitcast_convert_type3A_1077 : vector<16xf32>
        %and3A_1079 = arith.constant -65536 : i32
        %and3A_1080 = vector.broadcast %and3A_1079 : i32 to vector<16xi32>
        %and3A_1081 = arith.andi %gather3A_791, %and3A_1080 : vector<16xi32>
        %bitcast_convert_type3A_1082 = tpu.bitcast %and3A_1081 : vector<16xi32> -> vector<16xf32>
        %and3A_1083 = arith.constant -65536 : i32
        %and3A_1084 = vector.broadcast %and3A_1083 : i32 to vector<16xi32>
        %and3A_1085 = arith.andi %gather3A_855, %and3A_1084 : vector<16xi32>
        %bitcast_convert_type3A_1086 = tpu.bitcast %and3A_1085 : vector<16xi32> -> vector<16xf32>
        %add3A_1087 = arith.addf %bitcast_convert_type3A_1082, %bitcast_convert_type3A_1086 : vector<16xf32>
        %shift_left3A_1088 = arith.constant 16 : i32
        %shift_left3A_1089 = vector.broadcast %shift_left3A_1088 : i32 to vector<16xi32>
        %shift_left3A_1090 = arith.shli %gather3A_795, %shift_left3A_1089 : vector<16xi32>
        %bitcast_convert_type3A_1091 = tpu.bitcast %shift_left3A_1090 : vector<16xi32> -> vector<16xf32>
        %shift_left3A_1092 = arith.constant 16 : i32
        %shift_left3A_1093 = vector.broadcast %shift_left3A_1092 : i32 to vector<16xi32>
        %shift_left3A_1094 = arith.shli %gather3A_859, %shift_left3A_1093 : vector<16xi32>
        %bitcast_convert_type3A_1095 = tpu.bitcast %shift_left3A_1094 : vector<16xi32> -> vector<16xf32>
        %add3A_1096 = arith.addf %bitcast_convert_type3A_1091, %bitcast_convert_type3A_1095 : vector<16xf32>
        %and3A_1097 = arith.constant -65536 : i32
        %and3A_1098 = vector.broadcast %and3A_1097 : i32 to vector<16xi32>
        %and3A_1099 = arith.andi %gather3A_795, %and3A_1098 : vector<16xi32>
        %bitcast_convert_type3A_1100 = tpu.bitcast %and3A_1099 : vector<16xi32> -> vector<16xf32>
        %and3A_1101 = arith.constant -65536 : i32
        %and3A_1102 = vector.broadcast %and3A_1101 : i32 to vector<16xi32>
        %and3A_1103 = arith.andi %gather3A_859, %and3A_1102 : vector<16xi32>
        %bitcast_convert_type3A_1104 = tpu.bitcast %and3A_1103 : vector<16xi32> -> vector<16xf32>
        %add3A_1105 = arith.addf %bitcast_convert_type3A_1100, %bitcast_convert_type3A_1104 : vector<16xf32>
        %shift_left3A_1106 = arith.constant 16 : i32
        %shift_left3A_1107 = vector.broadcast %shift_left3A_1106 : i32 to vector<16xi32>
        %shift_left3A_1108 = arith.shli %gather3A_799, %shift_left3A_1107 : vector<16xi32>
        %bitcast_convert_type3A_1109 = tpu.bitcast %shift_left3A_1108 : vector<16xi32> -> vector<16xf32>
        %shift_left3A_1110 = arith.constant 16 : i32
        %shift_left3A_1111 = vector.broadcast %shift_left3A_1110 : i32 to vector<16xi32>
        %shift_left3A_1112 = arith.shli %gather3A_863, %shift_left3A_1111 : vector<16xi32>
        %bitcast_convert_type3A_1113 = tpu.bitcast %shift_left3A_1112 : vector<16xi32> -> vector<16xf32>
        %add3A_1114 = arith.addf %bitcast_convert_type3A_1109, %bitcast_convert_type3A_1113 : vector<16xf32>
        %and3A_1115 = arith.constant -65536 : i32
        %and3A_1116 = vector.broadcast %and3A_1115 : i32 to vector<16xi32>
        %and3A_1117 = arith.andi %gather3A_799, %and3A_1116 : vector<16xi32>
        %bitcast_convert_type3A_1118 = tpu.bitcast %and3A_1117 : vector<16xi32> -> vector<16xf32>
        %and3A_1119 = arith.constant -65536 : i32
        %and3A_1120 = vector.broadcast %and3A_1119 : i32 to vector<16xi32>
        %and3A_1121 = arith.andi %gather3A_863, %and3A_1120 : vector<16xi32>
        %bitcast_convert_type3A_1122 = tpu.bitcast %and3A_1121 : vector<16xi32> -> vector<16xf32>
        %add3A_1123 = arith.addf %bitcast_convert_type3A_1118, %bitcast_convert_type3A_1122 : vector<16xf32>
        %shift_left3A_1124 = arith.constant 16 : i32
        %shift_left3A_1125 = vector.broadcast %shift_left3A_1124 : i32 to vector<16xi32>
        %shift_left3A_1126 = arith.shli %gather3A_803, %shift_left3A_1125 : vector<16xi32>
        %bitcast_convert_type3A_1127 = tpu.bitcast %shift_left3A_1126 : vector<16xi32> -> vector<16xf32>
        %shift_left3A_1128 = arith.constant 16 : i32
        %shift_left3A_1129 = vector.broadcast %shift_left3A_1128 : i32 to vector<16xi32>
        %shift_left3A_1130 = arith.shli %gather3A_867, %shift_left3A_1129 : vector<16xi32>
        %bitcast_convert_type3A_1131 = tpu.bitcast %shift_left3A_1130 : vector<16xi32> -> vector<16xf32>
        %add3A_1132 = arith.addf %bitcast_convert_type3A_1127, %bitcast_convert_type3A_1131 : vector<16xf32>
        %and3A_1133 = arith.constant -65536 : i32
        %and3A_1134 = vector.broadcast %and3A_1133 : i32 to vector<16xi32>
        %and3A_1135 = arith.andi %gather3A_803, %and3A_1134 : vector<16xi32>
        %bitcast_convert_type3A_1136 = tpu.bitcast %and3A_1135 : vector<16xi32> -> vector<16xf32>
        %and3A_1137 = arith.constant -65536 : i32
        %and3A_1138 = vector.broadcast %and3A_1137 : i32 to vector<16xi32>
        %and3A_1139 = arith.andi %gather3A_867, %and3A_1138 : vector<16xi32>
        %bitcast_convert_type3A_1140 = tpu.bitcast %and3A_1139 : vector<16xi32> -> vector<16xf32>
        %add3A_1141 = arith.addf %bitcast_convert_type3A_1136, %bitcast_convert_type3A_1140 : vector<16xf32>
        %shift_left3A_1142 = arith.constant 16 : i32
        %shift_left3A_1143 = vector.broadcast %shift_left3A_1142 : i32 to vector<16xi32>
        %shift_left3A_1144 = arith.shli %gather3A_807, %shift_left3A_1143 : vector<16xi32>
        %bitcast_convert_type3A_1145 = tpu.bitcast %shift_left3A_1144 : vector<16xi32> -> vector<16xf32>
        %shift_left3A_1146 = arith.constant 16 : i32
        %shift_left3A_1147 = vector.broadcast %shift_left3A_1146 : i32 to vector<16xi32>
        %shift_left3A_1148 = arith.shli %gather3A_871, %shift_left3A_1147 : vector<16xi32>
        %bitcast_convert_type3A_1149 = tpu.bitcast %shift_left3A_1148 : vector<16xi32> -> vector<16xf32>
        %add3A_1150 = arith.addf %bitcast_convert_type3A_1145, %bitcast_convert_type3A_1149 : vector<16xf32>
        %and3A_1151 = arith.constant -65536 : i32
        %and3A_1152 = vector.broadcast %and3A_1151 : i32 to vector<16xi32>
        %and3A_1153 = arith.andi %gather3A_807, %and3A_1152 : vector<16xi32>
        %bitcast_convert_type3A_1154 = tpu.bitcast %and3A_1153 : vector<16xi32> -> vector<16xf32>
        %and3A_1155 = arith.constant -65536 : i32
        %and3A_1156 = vector.broadcast %and3A_1155 : i32 to vector<16xi32>
        %and3A_1157 = arith.andi %gather3A_871, %and3A_1156 : vector<16xi32>
        %bitcast_convert_type3A_1158 = tpu.bitcast %and3A_1157 : vector<16xi32> -> vector<16xf32>
        %add3A_1159 = arith.addf %bitcast_convert_type3A_1154, %bitcast_convert_type3A_1158 : vector<16xf32>
        %swap3A_1160 = arith.constant 4 : i32
        %swap3A_1161 = arith.constant 0 : i32
        %swap3A_1162 = arith.index_cast %swap3A_1160 : i32 to index
        %swap3A_1163 = arith.index_cast %swap3A_1161 : i32 to index
        %swap3A_1164 = arith.index_cast %mul3A_139 : i32 to index
        %swap3A_1165 = tpu.vector_load %arg10[%swap3A_1162, %swap3A_1163, %swap3A_1164] {strides = array<i32>} : memref<8x8x128xf32, #tpu.memory_space<vmem>>, vector<16xf32>,
        tpu.vector_store %arg10[%swap3A_1162, %swap3A_1163, %swap3A_1164], %add3A_880 {strides = array<i32>} : memref<8x8x128xf32, #tpu.memory_space<vmem>>, vector<16xf32>,
        %swap3A_1166 = arith.constant 4 : i32
        %swap3A_1167 = arith.constant 1 : i32
        %swap3A_1168 = arith.index_cast %swap3A_1166 : i32 to index
        %swap3A_1169 = arith.index_cast %swap3A_1167 : i32 to index
        %swap3A_1170 = arith.index_cast %mul3A_139 : i32 to index
        %swap3A_1171 = tpu.vector_load %arg10[%swap3A_1168, %swap3A_1169, %swap3A_1170] {strides = array<i32>} : memref<8x8x128xf32, #tpu.memory_space<vmem>>, vector<16xf32>,
        tpu.vector_store %arg10[%swap3A_1168, %swap3A_1169, %swap3A_1170], %add3A_889 {strides = array<i32>} : memref<8x8x128xf32, #tpu.memory_space<vmem>>, vector<16xf32>,
        %swap3A_1172 = arith.constant 4 : i32
        %swap3A_1173 = arith.constant 2 : i32
        %swap3A_1174 = arith.index_cast %swap3A_1172 : i32 to index
        %swap3A_1175 = arith.index_cast %swap3A_1173 : i32 to index
        %swap3A_1176 = arith.index_cast %mul3A_139 : i32 to index
        %swap3A_1177 = tpu.vector_load %arg10[%swap3A_1174, %swap3A_1175, %swap3A_1176] {strides = array<i32>} : memref<8x8x128xf32, #tpu.memory_space<vmem>>, vector<16xf32>,
        tpu.vector_store %arg10[%swap3A_1174, %swap3A_1175, %swap3A_1176], %add3A_898 {strides = array<i32>} : memref<8x8x128xf32, #tpu.memory_space<vmem>>, vector<16xf32>,
        %swap3A_1178 = arith.constant 4 : i32
        %swap3A_1179 = arith.constant 3 : i32
        %swap3A_1180 = arith.index_cast %swap3A_1178 : i32 to index
        %swap3A_1181 = arith.index_cast %swap3A_1179 : i32 to index
        %swap3A_1182 = arith.index_cast %mul3A_139 : i32 to index
        %swap3A_1183 = tpu.vector_load %arg10[%swap3A_1180, %swap3A_1181, %swap3A_1182] {strides = array<i32>} : memref<8x8x128xf32, #tpu.memory_space<vmem>>, vector<16xf32>,
        tpu.vector_store %arg10[%swap3A_1180, %swap3A_1181, %swap3A_1182], %add3A_907 {strides = array<i32>} : memref<8x8x128xf32, #tpu.memory_space<vmem>>, vector<16xf32>,
        %swap3A_1184 = arith.constant 4 : i32
        %swap3A_1185 = arith.constant 4 : i32
        %swap3A_1186 = arith.index_cast %swap3A_1184 : i32 to index
        %swap3A_1187 = arith.index_cast %swap3A_1185 : i32 to index
        %swap3A_1188 = arith.index_cast %mul3A_139 : i32 to index
        %swap3A_1189 = tpu.vector_load %arg10[%swap3A_1186, %swap3A_1187, %swap3A_1188] {strides = array<i32>} : memref<8x8x128xf32, #tpu.memory_space<vmem>>, vector<16xf32>,
        tpu.vector_store %arg10[%swap3A_1186, %swap3A_1187, %swap3A_1188], %add3A_916 {strides = array<i32>} : memref<8x8x128xf32, #tpu.memory_space<vmem>>, vector<16xf32>,
        %swap3A_1190 = arith.constant 4 : i32
        %swap3A_1191 = arith.constant 5 : i32
        %swap3A_1192 = arith.index_cast %swap3A_1190 : i32 to index
        %swap3A_1193 = arith.index_cast %swap3A_1191 : i32 to index
        %swap3A_1194 = arith.index_cast %mul3A_139 : i32 to index
        %swap3A_1195 = tpu.vector_load %arg10[%swap3A_1192, %swap3A_1193, %swap3A_1194] {strides = array<i32>} : memref<8x8x128xf32, #tpu.memory_space<vmem>>, vector<16xf32>,
        tpu.vector_store %arg10[%swap3A_1192, %swap3A_1193, %swap3A_1194], %add3A_925 {strides = array<i32>} : memref<8x8x128xf32, #tpu.memory_space<vmem>>, vector<16xf32>,
        %swap3A_1196 = arith.constant 4 : i32
        %swap3A_1197 = arith.constant 6 : i32
        %swap3A_1198 = arith.index_cast %swap3A_1196 : i32 to index
        %swap3A_1199 = arith.index_cast %swap3A_1197 : i32 to index
        %swap3A_1200 = arith.index_cast %mul3A_139 : i32 to index
        %swap3A_1201 = tpu.vector_load %arg10[%swap3A_1198, %swap3A_1199, %swap3A_1200] {strides = array<i32>} : memref<8x8x128xf32, #tpu.memory_space<vmem>>, vector<16xf32>,
        tpu.vector_store %arg10[%swap3A_1198, %swap3A_1199, %swap3A_1200], %add3A_934 {strides = array<i32>} : memref<8x8x128xf32, #tpu.memory_space<vmem>>, vector<16xf32>,
        %swap3A_1202 = arith.constant 4 : i32
        %swap3A_1203 = arith.constant 7 : i32
        %swap3A_1204 = arith.index_cast %swap3A_1202 : i32 to index
        %swap3A_1205 = arith.index_cast %swap3A_1203 : i32 to index
        %swap3A_1206 = arith.index_cast %mul3A_139 : i32 to index
        %swap3A_1207 = tpu.vector_load %arg10[%swap3A_1204, %swap3A_1205, %swap3A_1206] {strides = array<i32>} : memref<8x8x128xf32, #tpu.memory_space<vmem>>, vector<16xf32>,
        tpu.vector_store %arg10[%swap3A_1204, %swap3A_1205, %swap3A_1206], %add3A_943 {strides = array<i32>} : memref<8x8x128xf32, #tpu.memory_space<vmem>>, vector<16xf32>,
        %swap3A_1208 = arith.constant 5 : i32
        %swap3A_1209 = arith.constant 0 : i32
        %swap3A_1210 = arith.index_cast %swap3A_1208 : i32 to index
        %swap3A_1211 = arith.index_cast %swap3A_1209 : i32 to index
        %swap3A_1212 = arith.index_cast %mul3A_139 : i32 to index
        %swap3A_1213 = tpu.vector_load %arg10[%swap3A_1210, %swap3A_1211, %swap3A_1212] {strides = array<i32>} : memref<8x8x128xf32, #tpu.memory_space<vmem>>, vector<16xf32>,
        tpu.vector_store %arg10[%swap3A_1210, %swap3A_1211, %swap3A_1212], %add3A_952 {strides = array<i32>} : memref<8x8x128xf32, #tpu.memory_space<vmem>>, vector<16xf32>,
        %swap3A_1214 = arith.constant 5 : i32
        %swap3A_1215 = arith.constant 1 : i32
        %swap3A_1216 = arith.index_cast %swap3A_1214 : i32 to index
        %swap3A_1217 = arith.index_cast %swap3A_1215 : i32 to index
        %swap3A_1218 = arith.index_cast %mul3A_139 : i32 to index
        %swap3A_1219 = tpu.vector_load %arg10[%swap3A_1216, %swap3A_1217, %swap3A_1218] {strides = array<i32>} : memref<8x8x128xf32, #tpu.memory_space<vmem>>, vector<16xf32>,
        tpu.vector_store %arg10[%swap3A_1216, %swap3A_1217, %swap3A_1218], %add3A_961 {strides = array<i32>} : memref<8x8x128xf32, #tpu.memory_space<vmem>>, vector<16xf32>,
        %swap3A_1220 = arith.constant 5 : i32
        %swap3A_1221 = arith.constant 2 : i32
        %swap3A_1222 = arith.index_cast %swap3A_1220 : i32 to index
        %swap3A_1223 = arith.index_cast %swap3A_1221 : i32 to index
        %swap3A_1224 = arith.index_cast %mul3A_139 : i32 to index
        %swap3A_1225 = tpu.vector_load %arg10[%swap3A_1222, %swap3A_1223, %swap3A_1224] {strides = array<i32>} : memref<8x8x128xf32, #tpu.memory_space<vmem>>, vector<16xf32>,
        tpu.vector_store %arg10[%swap3A_1222, %swap3A_1223, %swap3A_1224], %add3A_970 {strides = array<i32>} : memref<8x8x128xf32, #tpu.memory_space<vmem>>, vector<16xf32>,
        %swap3A_1226 = arith.constant 5 : i32
        %swap3A_1227 = arith.constant 3 : i32
        %swap3A_1228 = arith.index_cast %swap3A_1226 : i32 to index
        %swap3A_1229 = arith.index_cast %swap3A_1227 : i32 to index
        %swap3A_1230 = arith.index_cast %mul3A_139 : i32 to index
        %swap3A_1231 = tpu.vector_load %arg10[%swap3A_1228, %swap3A_1229, %swap3A_1230] {strides = array<i32>} : memref<8x8x128xf32, #tpu.memory_space<vmem>>, vector<16xf32>,
        tpu.vector_store %arg10[%swap3A_1228, %swap3A_1229, %swap3A_1230], %add3A_979 {strides = array<i32>} : memref<8x8x128xf32, #tpu.memory_space<vmem>>, vector<16xf32>,
        %swap3A_1232 = arith.constant 5 : i32
        %swap3A_1233 = arith.constant 4 : i32
        %swap3A_1234 = arith.index_cast %swap3A_1232 : i32 to index
        %swap3A_1235 = arith.index_cast %swap3A_1233 : i32 to index
        %swap3A_1236 = arith.index_cast %mul3A_139 : i32 to index
        %swap3A_1237 = tpu.vector_load %arg10[%swap3A_1234, %swap3A_1235, %swap3A_1236] {strides = array<i32>} : memref<8x8x128xf32, #tpu.memory_space<vmem>>, vector<16xf32>,
        tpu.vector_store %arg10[%swap3A_1234, %swap3A_1235, %swap3A_1236], %add3A_988 {strides = array<i32>} : memref<8x8x128xf32, #tpu.memory_space<vmem>>, vector<16xf32>,
        %swap3A_1238 = arith.constant 5 : i32
        %swap3A_1239 = arith.constant 5 : i32
        %swap3A_1240 = arith.index_cast %swap3A_1238 : i32 to index
        %swap3A_1241 = arith.index_cast %swap3A_1239 : i32 to index
        %swap3A_1242 = arith.index_cast %mul3A_139 : i32 to index
        %swap3A_1243 = tpu.vector_load %arg10[%swap3A_1240, %swap3A_1241, %swap3A_1242] {strides = array<i32>} : memref<8x8x128xf32, #tpu.memory_space<vmem>>, vector<16xf32>,
        tpu.vector_store %arg10[%swap3A_1240, %swap3A_1241, %swap3A_1242], %add3A_997 {strides = array<i32>} : memref<8x8x128xf32, #tpu.memory_space<vmem>>, vector<16xf32>,
        %swap3A_1244 = arith.constant 5 : i32
        %swap3A_1245 = arith.constant 6 : i32
        %swap3A_1246 = arith.index_cast %swap3A_1244 : i32 to index
        %swap3A_1247 = arith.index_cast %swap3A_1245 : i32 to index
        %swap3A_1248 = arith.index_cast %mul3A_139 : i32 to index
        %swap3A_1249 = tpu.vector_load %arg10[%swap3A_1246, %swap3A_1247, %swap3A_1248] {strides = array<i32>} : memref<8x8x128xf32, #tpu.memory_space<vmem>>, vector<16xf32>,
        tpu.vector_store %arg10[%swap3A_1246, %swap3A_1247, %swap3A_1248], %add3A_1006 {strides = array<i32>} : memref<8x8x128xf32, #tpu.memory_space<vmem>>, vector<16xf32>,
        %swap3A_1250 = arith.constant 5 : i32
        %swap3A_1251 = arith.constant 7 : i32
        %swap3A_1252 = arith.index_cast %swap3A_1250 : i32 to index
        %swap3A_1253 = arith.index_cast %swap3A_1251 : i32 to index
        %swap3A_1254 = arith.index_cast %mul3A_139 : i32 to index
        %swap3A_1255 = tpu.vector_load %arg10[%swap3A_1252, %swap3A_1253, %swap3A_1254] {strides = array<i32>} : memref<8x8x128xf32, #tpu.memory_space<vmem>>, vector<16xf32>,
        tpu.vector_store %arg10[%swap3A_1252, %swap3A_1253, %swap3A_1254], %add3A_1015 {strides = array<i32>} : memref<8x8x128xf32, #tpu.memory_space<vmem>>, vector<16xf32>,
        %swap3A_1256 = arith.constant 6 : i32
        %swap3A_1257 = arith.constant 0 : i32
        %swap3A_1258 = arith.index_cast %swap3A_1256 : i32 to index
        %swap3A_1259 = arith.index_cast %swap3A_1257 : i32 to index
        %swap3A_1260 = arith.index_cast %mul3A_139 : i32 to index
        %swap3A_1261 = tpu.vector_load %arg10[%swap3A_1258, %swap3A_1259, %swap3A_1260] {strides = array<i32>} : memref<8x8x128xf32, #tpu.memory_space<vmem>>, vector<16xf32>,
        tpu.vector_store %arg10[%swap3A_1258, %swap3A_1259, %swap3A_1260], %add3A_1024 {strides = array<i32>} : memref<8x8x128xf32, #tpu.memory_space<vmem>>, vector<16xf32>,
        %swap3A_1262 = arith.constant 6 : i32
        %swap3A_1263 = arith.constant 1 : i32
        %swap3A_1264 = arith.index_cast %swap3A_1262 : i32 to index
        %swap3A_1265 = arith.index_cast %swap3A_1263 : i32 to index
        %swap3A_1266 = arith.index_cast %mul3A_139 : i32 to index
        %swap3A_1267 = tpu.vector_load %arg10[%swap3A_1264, %swap3A_1265, %swap3A_1266] {strides = array<i32>} : memref<8x8x128xf32, #tpu.memory_space<vmem>>, vector<16xf32>,
        tpu.vector_store %arg10[%swap3A_1264, %swap3A_1265, %swap3A_1266], %add3A_1033 {strides = array<i32>} : memref<8x8x128xf32, #tpu.memory_space<vmem>>, vector<16xf32>,
        %swap3A_1268 = arith.constant 6 : i32
        %swap3A_1269 = arith.constant 2 : i32
        %swap3A_1270 = arith.index_cast %swap3A_1268 : i32 to index
        %swap3A_1271 = arith.index_cast %swap3A_1269 : i32 to index
        %swap3A_1272 = arith.index_cast %mul3A_139 : i32 to index
        %swap3A_1273 = tpu.vector_load %arg10[%swap3A_1270, %swap3A_1271, %swap3A_1272] {strides = array<i32>} : memref<8x8x128xf32, #tpu.memory_space<vmem>>, vector<16xf32>,
        tpu.vector_store %arg10[%swap3A_1270, %swap3A_1271, %swap3A_1272], %add3A_1042 {strides = array<i32>} : memref<8x8x128xf32, #tpu.memory_space<vmem>>, vector<16xf32>,
        %swap3A_1274 = arith.constant 6 : i32
        %swap3A_1275 = arith.constant 3 : i32
        %swap3A_1276 = arith.index_cast %swap3A_1274 : i32 to index
        %swap3A_1277 = arith.index_cast %swap3A_1275 : i32 to index
        %swap3A_1278 = arith.index_cast %mul3A_139 : i32 to index
        %swap3A_1279 = tpu.vector_load %arg10[%swap3A_1276, %swap3A_1277, %swap3A_1278] {strides = array<i32>} : memref<8x8x128xf32, #tpu.memory_space<vmem>>, vector<16xf32>,
        tpu.vector_store %arg10[%swap3A_1276, %swap3A_1277, %swap3A_1278], %add3A_1051 {strides = array<i32>} : memref<8x8x128xf32, #tpu.memory_space<vmem>>, vector<16xf32>,
        %swap3A_1280 = arith.constant 6 : i32
        %swap3A_1281 = arith.constant 4 : i32
        %swap3A_1282 = arith.index_cast %swap3A_1280 : i32 to index
        %swap3A_1283 = arith.index_cast %swap3A_1281 : i32 to index
        %swap3A_1284 = arith.index_cast %mul3A_139 : i32 to index
        %swap3A_1285 = tpu.vector_load %arg10[%swap3A_1282, %swap3A_1283, %swap3A_1284] {strides = array<i32>} : memref<8x8x128xf32, #tpu.memory_space<vmem>>, vector<16xf32>,
        tpu.vector_store %arg10[%swap3A_1282, %swap3A_1283, %swap3A_1284], %add3A_1060 {strides = array<i32>} : memref<8x8x128xf32, #tpu.memory_space<vmem>>, vector<16xf32>,
        %swap3A_1286 = arith.constant 6 : i32
        %swap3A_1287 = arith.constant 5 : i32
        %swap3A_1288 = arith.index_cast %swap3A_1286 : i32 to index
        %swap3A_1289 = arith.index_cast %swap3A_1287 : i32 to index
        %swap3A_1290 = arith.index_cast %mul3A_139 : i32 to index
        %swap3A_1291 = tpu.vector_load %arg10[%swap3A_1288, %swap3A_1289, %swap3A_1290] {strides = array<i32>} : memref<8x8x128xf32, #tpu.memory_space<vmem>>, vector<16xf32>,
        tpu.vector_store %arg10[%swap3A_1288, %swap3A_1289, %swap3A_1290], %add3A_1069 {strides = array<i32>} : memref<8x8x128xf32, #tpu.memory_space<vmem>>, vector<16xf32>,
        %swap3A_1292 = arith.constant 6 : i32
        %swap3A_1293 = arith.constant 6 : i32
        %swap3A_1294 = arith.index_cast %swap3A_1292 : i32 to index
        %swap3A_1295 = arith.index_cast %swap3A_1293 : i32 to index
        %swap3A_1296 = arith.index_cast %mul3A_139 : i32 to index
        %swap3A_1297 = tpu.vector_load %arg10[%swap3A_1294, %swap3A_1295, %swap3A_1296] {strides = array<i32>} : memref<8x8x128xf32, #tpu.memory_space<vmem>>, vector<16xf32>,
        tpu.vector_store %arg10[%swap3A_1294, %swap3A_1295, %swap3A_1296], %add3A_1078 {strides = array<i32>} : memref<8x8x128xf32, #tpu.memory_space<vmem>>, vector<16xf32>,
        %swap3A_1298 = arith.constant 6 : i32
        %swap3A_1299 = arith.constant 7 : i32
        %swap3A_1300 = arith.index_cast %swap3A_1298 : i32 to index
        %swap3A_1301 = arith.index_cast %swap3A_1299 : i32 to index
        %swap3A_1302 = arith.index_cast %mul3A_139 : i32 to index
        %swap3A_1303 = tpu.vector_load %arg10[%swap3A_1300, %swap3A_1301, %swap3A_1302] {strides = array<i32>} : memref<8x8x128xf32, #tpu.memory_space<vmem>>, vector<16xf32>,
        tpu.vector_store %arg10[%swap3A_1300, %swap3A_1301, %swap3A_1302], %add3A_1087 {strides = array<i32>} : memref<8x8x128xf32, #tpu.memory_space<vmem>>, vector<16xf32>,
        %swap3A_1304 = arith.constant 7 : i32
        %swap3A_1305 = arith.constant 0 : i32
        %swap3A_1306 = arith.index_cast %swap3A_1304 : i32 to index
        %swap3A_1307 = arith.index_cast %swap3A_1305 : i32 to index
        %swap3A_1308 = arith.index_cast %mul3A_139 : i32 to index
        %swap3A_1309 = tpu.vector_load %arg10[%swap3A_1306, %swap3A_1307, %swap3A_1308] {strides = array<i32>} : memref<8x8x128xf32, #tpu.memory_space<vmem>>, vector<16xf32>,
        tpu.vector_store %arg10[%swap3A_1306, %swap3A_1307, %swap3A_1308], %add3A_1096 {strides = array<i32>} : memref<8x8x128xf32, #tpu.memory_space<vmem>>, vector<16xf32>,
        %swap3A_1310 = arith.constant 7 : i32
        %swap3A_1311 = arith.constant 1 : i32
        %swap3A_1312 = arith.index_cast %swap3A_1310 : i32 to index
        %swap3A_1313 = arith.index_cast %swap3A_1311 : i32 to index
        %swap3A_1314 = arith.index_cast %mul3A_139 : i32 to index
        %swap3A_1315 = tpu.vector_load %arg10[%swap3A_1312, %swap3A_1313, %swap3A_1314] {strides = array<i32>} : memref<8x8x128xf32, #tpu.memory_space<vmem>>, vector<16xf32>,
        tpu.vector_store %arg10[%swap3A_1312, %swap3A_1313, %swap3A_1314], %add3A_1105 {strides = array<i32>} : memref<8x8x128xf32, #tpu.memory_space<vmem>>, vector<16xf32>,
        %swap3A_1316 = arith.constant 7 : i32
        %swap3A_1317 = arith.constant 2 : i32
        %swap3A_1318 = arith.index_cast %swap3A_1316 : i32 to index
        %swap3A_1319 = arith.index_cast %swap3A_1317 : i32 to index
        %swap3A_1320 = arith.index_cast %mul3A_139 : i32 to index
        %swap3A_1321 = tpu.vector_load %arg10[%swap3A_1318, %swap3A_1319, %swap3A_1320] {strides = array<i32>} : memref<8x8x128xf32, #tpu.memory_space<vmem>>, vector<16xf32>,
        tpu.vector_store %arg10[%swap3A_1318, %swap3A_1319, %swap3A_1320], %add3A_1114 {strides = array<i32>} : memref<8x8x128xf32, #tpu.memory_space<vmem>>, vector<16xf32>,
        %swap3A_1322 = arith.constant 7 : i32
        %swap3A_1323 = arith.constant 3 : i32
        %swap3A_1324 = arith.index_cast %swap3A_1322 : i32 to index
        %swap3A_1325 = arith.index_cast %swap3A_1323 : i32 to index
        %swap3A_1326 = arith.index_cast %mul3A_139 : i32 to index
        %swap3A_1327 = tpu.vector_load %arg10[%swap3A_1324, %swap3A_1325, %swap3A_1326] {strides = array<i32>} : memref<8x8x128xf32, #tpu.memory_space<vmem>>, vector<16xf32>,
        tpu.vector_store %arg10[%swap3A_1324, %swap3A_1325, %swap3A_1326], %add3A_1123 {strides = array<i32>} : memref<8x8x128xf32, #tpu.memory_space<vmem>>, vector<16xf32>,
        %swap3A_1328 = arith.constant 7 : i32
        %swap3A_1329 = arith.constant 4 : i32
        %swap3A_1330 = arith.index_cast %swap3A_1328 : i32 to index
        %swap3A_1331 = arith.index_cast %swap3A_1329 : i32 to index
        %swap3A_1332 = arith.index_cast %mul3A_139 : i32 to index
        %swap3A_1333 = tpu.vector_load %arg10[%swap3A_1330, %swap3A_1331, %swap3A_1332] {strides = array<i32>} : memref<8x8x128xf32, #tpu.memory_space<vmem>>, vector<16xf32>,
        tpu.vector_store %arg10[%swap3A_1330, %swap3A_1331, %swap3A_1332], %add3A_1132 {strides = array<i32>} : memref<8x8x128xf32, #tpu.memory_space<vmem>>, vector<16xf32>,
        %swap3A_1334 = arith.constant 7 : i32
        %swap3A_1335 = arith.constant 5 : i32
        %swap3A_1336 = arith.index_cast %swap3A_1334 : i32 to index
        %swap3A_1337 = arith.index_cast %swap3A_1335 : i32 to index
        %swap3A_1338 = arith.index_cast %mul3A_139 : i32 to index
        %swap3A_1339 = tpu.vector_load %arg10[%swap3A_1336, %swap3A_1337, %swap3A_1338] {strides = array<i32>} : memref<8x8x128xf32, #tpu.memory_space<vmem>>, vector<16xf32>,
        tpu.vector_store %arg10[%swap3A_1336, %swap3A_1337, %swap3A_1338], %add3A_1141 {strides = array<i32>} : memref<8x8x128xf32, #tpu.memory_space<vmem>>, vector<16xf32>,
        %swap3A_1340 = arith.constant 7 : i32
        %swap3A_1341 = arith.constant 6 : i32
        %swap3A_1342 = arith.index_cast %swap3A_1340 : i32 to index
        %swap3A_1343 = arith.index_cast %swap3A_1341 : i32 to index
        %swap3A_1344 = arith.index_cast %mul3A_139 : i32 to index
        %swap3A_1345 = tpu.vector_load %arg10[%swap3A_1342, %swap3A_1343, %swap3A_1344] {strides = array<i32>} : memref<8x8x128xf32, #tpu.memory_space<vmem>>, vector<16xf32>,
        tpu.vector_store %arg10[%swap3A_1342, %swap3A_1343, %swap3A_1344], %add3A_1150 {strides = array<i32>} : memref<8x8x128xf32, #tpu.memory_space<vmem>>, vector<16xf32>,
        %swap3A_1346 = arith.constant 7 : i32
        %swap3A_1347 = arith.constant 7 : i32
        %swap3A_1348 = arith.index_cast %swap3A_1346 : i32 to index
        %swap3A_1349 = arith.index_cast %swap3A_1347 : i32 to index
        %swap3A_1350 = arith.index_cast %mul3A_139 : i32 to index
        %swap3A_1351 = tpu.vector_load %arg10[%swap3A_1348, %swap3A_1349, %swap3A_1350] {strides = array<i32>} : memref<8x8x128xf32, #tpu.memory_space<vmem>>, vector<16xf32>,
        tpu.vector_store %arg10[%swap3A_1348, %swap3A_1349, %swap3A_1350], %add3A_1159 {strides = array<i32>} : memref<8x8x128xf32, #tpu.memory_space<vmem>>, vector<16xf32>,
      }
      %scan3A_85 = arith.constant 8 : i32
      %add3A_86 = arith.constant 1 : i32
      %add3A_87 = arith.addi %mul3A_35, %add3A_86 : i32
      %add3A_88 = arith.addi %mul3A_2, %add3A_87 : i32
      %jit3A_89 = arith.constant 32 : i32
      %div3A_90 = arith.divsi %add3A_88, %jit3A_89 : i32
      %sign3A_91 = arith.constant 0 : i32
      %sign3A_92 = arith.cmpi sgt, %add3A_88, %sign3A_91 : i32
      %sign3A_93 = arith.extui %sign3A_92 : i1 to i32
      %sign3A_94 = arith.constant 0 : i32
      %sign3A_95 = arith.cmpi slt, %add3A_88, %sign3A_94 : i32
      %sign3A_96 = arith.extui %sign3A_95 : i1 to i32
      %sign3A_97 = arith.subi %sign3A_93, %sign3A_96 : i32
      %sign3A_98 = arith.constant 0 : i32
      %sign3A_99 = arith.cmpi sgt, %jit3A_89, %sign3A_98 : i32
      %sign3A_100 = arith.extui %sign3A_99 : i1 to i32
      %sign3A_101 = arith.constant 0 : i32
      %sign3A_102 = arith.cmpi slt, %jit3A_89, %sign3A_101 : i32
      %sign3A_103 = arith.extui %sign3A_102 : i1 to i32
      %sign3A_104 = arith.subi %sign3A_100, %sign3A_103 : i32
      %ne3A_105 = arith.cmpi ne, %sign3A_97, %sign3A_104 : i32
      %rem3A_106 = arith.remsi %add3A_88, %jit3A_89 : i32
      %ne3A_107 = arith.constant 0 : i32
      %ne3A_108 = arith.cmpi ne, %rem3A_106, %ne3A_107 : i32
      %and3A_109 = arith.andi %ne3A_105, %ne3A_108 : i1
      %sub3A_110 = arith.constant 1 : i32
      %sub3A_111 = arith.subi %div3A_90, %sub3A_110 : i32
      %select_n3A_112 = arith.select %and3A_109, %sub3A_111, %div3A_90 : i32
      %mul3A_113 = arith.constant 32 : i32
      %mul3A_114 = arith.muli %select_n3A_112, %mul3A_113 : i32
      %sub3A_115 = arith.subi %add3A_88, %mul3A_114 : i32
      %dma_start3A_116 = arith.constant 0 : i32
      %dma_start3A_117 = arith.constant 0 : i32
      %dma_start3A_118 = arith.constant 0 : i32
      %dma_start3A_119 = tpu.memref_slice %arg5[%select_n3A_112, %dma_start3A_116, %sub3A_115, %dma_start3A_117, %dma_start3A_118] : memref<200x8x32x8x128xf32, #tpu.memory_space<hbm>> -> memref<1x8x1x8x128xf32, #tpu.memory_space<hbm>>
      %dma_start3A_120 = tpu.memref_squeeze %dma_start3A_119 : memref<1x8x1x8x128xf32, #tpu.memory_space<hbm>> -> memref<8x8x128xf32, #tpu.memory_space<hbm>>
      %dma_start3A_121 = arith.constant 0 : i32
      %dma_start3A_122 = arith.constant 0 : i32
      %dma_start3A_123 = arith.constant 0 : i32
      %dma_start3A_124 = tpu.memref_slice %arg5[%select_n3A_112, %dma_start3A_121, %sub3A_115, %dma_start3A_122, %dma_start3A_123] : memref<200x8x32x8x128xf32, #tpu.memory_space<hbm>> -> memref<1x8x1x8x128xf32, #tpu.memory_space<hbm>>
      %dma_start3A_125 = tpu.memref_squeeze %dma_start3A_124 : memref<1x8x1x8x128xf32, #tpu.memory_space<hbm>> -> memref<8x8x128xf32, #tpu.memory_space<hbm>>
      tpu.enqueue_dma source(%arg10 : memref<8x8x128xf32, #tpu.memory_space<vmem>>) target(%dma_start3A_125 : memref<8x8x128xf32, #tpu.memory_space<hbm>>) target_semaphore(%arg12 : memref<!tpu.dma_semaphore, #tpu.memory_space<semaphore_mem>>)
    }
    %scan3A_9 = arith.constant 100 : i32
    %dma_wait3A = arith.constant 0 : i32
    %dma_wait3A_10 = arith.constant 0 : i32
    %dma_wait3A_11 = arith.constant 0 : i32
    %dma_wait3A_12 = arith.constant 0 : i32
    %dma_wait3A_13 = arith.constant 0 : i32
    %dma_wait3A_14 = tpu.memref_slice %arg5[%dma_wait3A, %dma_wait3A_11, %dma_wait3A_10, %dma_wait3A_12, %dma_wait3A_13] : memref<200x8x32x8x128xf32, #tpu.memory_space<hbm>> -> memref<1x8x1x8x128xf32, #tpu.memory_space<hbm>>
    %dma_wait3A_15 = tpu.memref_squeeze %dma_wait3A_14 : memref<1x8x1x8x128xf32, #tpu.memory_space<hbm>> -> memref<8x8x128xf32, #tpu.memory_space<hbm>>
    %dma_wait3A_16 = arith.constant 0 : i32
    %dma_wait3A_17 = arith.constant 0 : i32
    %dma_wait3A_18 = arith.constant 0 : i32
    %dma_wait3A_19 = tpu.memref_slice %arg5[%dma_wait3A, %dma_wait3A_16, %dma_wait3A_10, %dma_wait3A_17, %dma_wait3A_18] : memref<200x8x32x8x128xf32, #tpu.memory_space<hbm>> -> memref<1x8x1x8x128xf32, #tpu.memory_space<hbm>>
    %dma_wait3A_20 = tpu.memref_squeeze %dma_wait3A_19 : memref<1x8x1x8x128xf32, #tpu.memory_space<hbm>> -> memref<8x8x128xf32, #tpu.memory_space<hbm>>
    tpu.wait_dma2 semaphore(%arg11 : memref<!tpu.dma_semaphore, #tpu.memory_space<semaphore_mem>>) src(%arg9 : memref<8x8x128xf32, #tpu.memory_space<vmem>>) dst(%dma_wait3A_20 : memref<8x8x128xf32, #tpu.memory_space<hbm>>)
    %dma_wait3A_21 = arith.constant 0 : i32
    %dma_wait3A_22 = arith.constant 0 : i32
    %dma_wait3A_23 = arith.constant 0 : i32
    %dma_wait3A_24 = arith.constant 0 : i32
    %dma_wait3A_25 = arith.constant 0 : i32
    %dma_wait3A_26 = tpu.memref_slice %arg5[%dma_wait3A_21, %dma_wait3A_23, %dma_wait3A_22, %dma_wait3A_24, %dma_wait3A_25] : memref<200x8x32x8x128xf32, #tpu.memory_space<hbm>> -> memref<1x8x1x8x128xf32, #tpu.memory_space<hbm>>
    %dma_wait3A_27 = tpu.memref_squeeze %dma_wait3A_26 : memref<1x8x1x8x128xf32, #tpu.memory_space<hbm>> -> memref<8x8x128xf32, #tpu.memory_space<hbm>>
    %dma_wait3A_28 = arith.constant 0 : i32
    %dma_wait3A_29 = arith.constant 0 : i32
    %dma_wait3A_30 = arith.constant 0 : i32
    %dma_wait3A_31 = tpu.memref_slice %arg5[%dma_wait3A_21, %dma_wait3A_28, %dma_wait3A_22, %dma_wait3A_29, %dma_wait3A_30] : memref<200x8x32x8x128xf32, #tpu.memory_space<hbm>> -> memref<1x8x1x8x128xf32, #tpu.memory_space<hbm>>
    %dma_wait3A_32 = tpu.memref_squeeze %dma_wait3A_31 : memref<1x8x1x8x128xf32, #tpu.memory_space<hbm>> -> memref<8x8x128xf32, #tpu.memory_space<hbm>>
    tpu.wait_dma2 semaphore(%arg12 : memref<!tpu.dma_semaphore, #tpu.memory_space<semaphore_mem>>) src(%arg10 : memref<8x8x128xf32, #tpu.memory_space<vmem>>) dst(%dma_wait3A_32 : memref<8x8x128xf32, #tpu.memory_space<hbm>>)
    return
  }
}

</mosaic_0001>

<sc_bundles>
// kernel: kernel.3.cloned.1.call-start
scs
__scs_entry_jumppad:
0x0: {  	(pc) =	sbr.rel $0x88, $3  }
0x1: {  	(tag) =	ssettag $0x0;
	lr =	simm.s32 $0x1  }
0x2: {  	[smem:$0x3F9D] =	sst lr;
	_ =	strace $0xD0000000  }
0x3: {  	_ = 	snop  }
0x4: {  	_ = 	snop  }
0x5: {  	_ = 	snop  }
0x6: {  	_ = 	snop  }
0x7: {  	_ = 	snop  }
__scs_overlays_trampoline_lowered:
0x8: {  	[smem:$0x3FAC] =	sst s0  }
0x9: {  	[smem:$0x3FAD] =	sst s1  }
0xa: {  	[smem:$0x3FAE] =	sst s2  }
0xb: {  	[smem:$0x3FAF] =	sst s3  }
0xc: {  	[smem:$0x3FB0] =	sst s4  }
0xd: {  	[smem:$0x3FB1] =	sst s5  }
0xe: {  	[smem:$0x3FB2] =	sst s6  }
0xf: {  	[smem:$0x3FB3] =	sst s7  }
0x10: {  	[smem:$0x3FB4] =	sst s8  }
0x11: {  	[smem:$0x3FB5] =	sst s9;
	s0 =	simm.s32 @!p0 $0x0  }
0x12: {  	s1 =	sld [smem:$0x3F9B];
	s0 =	simm.s32 @p0 $0x1  }
0x13: {  	[smem:$0x3FB6] =	sst s0;
	s0 =	simm.s32 @!p1 $0x0  }
0x14: {  	s2 =	sld [smem:$0x3F9A];
	s0 =	simm.s32 @p1 $0x1  }
0x15: {  	[smem:$0x3FB7] =	sst s0;
	s0 =	simm.s32 @!p2 $0x0  }
0x16: {  	s3 =	sld [smem:$0x3FDB];
	s0 =	simm.s32 @p2 $0x1  }
0x17: {  	s4 =	simm.s32 $0x1BF5;
	[smem:$0x3FB9] =	sst s0  }
0x18: {  	s0 =	sld [smem:$0x3F9C];
	_ =	swait.ge [sflag:s4], $0x0  }
0x19: {  	s7 =	sld [smem:$0x3F9D]  }
0x1a: {  	s8 =	sadd.s32 $0xFFFFE003, lr  }
0x1b: {  	s9 =	sadd.s32 $0xFFFFFEF7, lr;
	s5 =	simm.s32 $0xFFFFFFFF;
	p2 =	slt.u32 s8, $0xFFFFF086  }
0x1c: {  	p1 =	slt.u32 s9, $0xF7A;
	s5 =	simm.s32 @!p2 $0x0  }
0x1d: {  	s5 =	simm.s32 @p1 $0x1;
	p0 =	seq.s32 s7, s2  }
0x1e: {  	s7 =	smul.u32 @!p0 $0xF7A, s2;
	p2 =	seq.s32 @!p0 s5, $0x0  }
0x1f: {  	s9 =	smul.u32 $0xF7A, s1;
	s8 =	simm.s32 @!p0 $0x1BF5;
	p2 =	por !p2, p0  }
0x20: {  	[sflag:s8] =	ssyncset.s32 @!p0 $0xFFFFF086;
	s6 =	sadd.s32 @!p0 s3, s7;
	s7 =	simm.s32 @!p0 $0x108  }
0x21: {  	s3 =	sadd.s32 s3, s9;
	s6 =	sadd.s32 @!p0 $0x88, s6;
	s7 =	simm.s32 @p2 $0x1082  }
0x22: {  	[simem:s7], [sflag:s8] =	dma.local @!p0 [hbm:s6], $0xF7A  }
0x23: {  	s9 =	sor.u32 $0xD0000000, s2;
	s6 =	simm.s32 $0x108;
	_ =	swait.ge @!p0 [sflag:s8], $0x0  }
0x24: {  	s3 =	sadd.s32 $0x88, s3;
	s6 =	simm.s32 @!p1 $0x1082;
	[sflag:s4] =	ssyncset.s32 $0xFFFFF086  }
0x25: {  	[simem:s6], [sflag:s4] =	dma.local [hbm:s3], $0xF7A  }
0x26: {  	[smem:$0x3F9D] =	sst s1;
	(tag) =	ssettag s2;
	_ =	strace s9  }
0x27: {  	s1 =	sld [smem:$0x3FAD]  }
0x28: {  	s2 =	sld [smem:$0x3FAE]  }
0x29: {  	s4 =	sld [smem:$0x3FB0]  }
0x2a: {  	p0 =	seq.s32 s5, $0x0;
	s5 =	sld [smem:$0x3FB1]  }
0x2b: {  	s6 =	sld [smem:$0x3FB2]  }
0x2c: {  	s7 =	sld [smem:$0x3FB3]  }
0x2d: {  	s3 =	simm.s32 $0x108;
	s8 =	sld [smem:$0x3FB4]  }
0x2e: {  	s3 =	simm.s32 @!p0 $0x1082;
	s9 =	sld [smem:$0x3FB5]  }
0x2f: {  	lr =	sadd.s32 s0, s3;
	s0 =	sld [smem:$0x3FAC]  }
0x30: {  	s3 =	sld [smem:$0x3FAF]  }
0x31: {  	[smem:$0x3FB8] =	sst s10  }
0x32: {  	s10 =	sld [smem:$0x3FB6];
	_ =	sdelay $0x3  }
0x33: {  	p0 =	seq.s32 s10, $0x1;
	s10 =	sld [smem:$0x3FB8];
	_ =	sdelay $0x3  }
0x34: {  	[smem:$0x3FB8] =	sst s10  }
0x35: {  	s10 =	sld [smem:$0x3FB7];
	_ =	sdelay $0x3  }
0x36: {  	p1 =	seq.s32 s10, $0x1;
	s10 =	sld [smem:$0x3FB8];
	_ =	sdelay $0x3  }
0x37: {  	[smem:$0x3FB8] =	sst s10  }
0x38: {  	s10 =	sld [smem:$0x3FB9]  }
0x39: {  	_ = 	snop;
	(pc) =	sbr.ind lr, $3  }
0x3a: {  	_ = 	snop  }
0x3b: {  	_ = 	snop  }
0x3c: {  	p2 =	seq.s32 s10, $0x1;
	s10 =	sld [smem:$0x3FB8]  }
0x3d: {  	_ =	shalt  }
0x3e: {  	_ =	shalt  }
0x3f: {  	_ =	shalt  }
0x40: {  	_ =	shalt  }
0x41: {  	_ =	shalt  }
0x42: {  	_ =	shalt  }
0x43: {  	_ =	shalt  }
0x44: {  	_ =	shalt  }
0x45: {  	_ =	shalt  }
0x46: {  	_ =	shalt  }
0x47: {  	_ =	shalt  }
0x48: {  	_ =	shalt  }
0x49: {  	_ =	shalt  }
0x4a: {  	_ =	shalt  }
0x4b: {  	_ =	shalt  }
0x4c: {  	_ =	shalt  }
0x4d: {  	_ =	shalt  }
0x4e: {  	_ =	shalt  }
0x4f: {  	_ =	shalt  }
0x50: {  	_ =	shalt  }
0x51: {  	_ =	shalt  }
0x52: {  	_ =	shalt  }
0x53: {  	_ =	shalt  }
0x54: {  	_ =	shalt  }
0x55: {  	_ =	shalt  }
0x56: {  	_ =	shalt  }
0x57: {  	_ =	shalt  }
0x58: {  	_ =	shalt  }
0x59: {  	_ =	shalt  }
0x5a: {  	_ =	shalt  }
0x5b: {  	_ =	shalt  }
0x5c: {  	_ =	shalt  }
0x5d: {  	_ =	shalt  }
0x5e: {  	_ =	shalt  }
0x5f: {  	_ =	shalt  }
0x60: {  	_ =	shalt  }
0x61: {  	_ =	shalt  }
0x62: {  	_ =	shalt  }
0x63: {  	_ =	shalt  }
0x64: {  	_ =	shalt  }
0x65: {  	_ =	shalt  }
0x66: {  	_ =	shalt  }
0x67: {  	_ =	shalt  }
0x68: {  	_ =	shalt  }
0x69: {  	_ =	shalt  }
0x6a: {  	_ =	shalt  }
0x6b: {  	_ =	shalt  }
0x6c: {  	_ =	shalt  }
0x6d: {  	_ =	shalt  }
0x6e: {  	_ =	shalt  }
0x6f: {  	_ =	shalt  }
0x70: {  	_ =	shalt  }
0x71: {  	_ =	shalt  }
0x72: {  	_ =	shalt  }
0x73: {  	_ =	shalt  }
0x74: {  	_ =	shalt  }
0x75: {  	_ =	shalt  }
0x76: {  	_ =	shalt  }
0x77: {  	_ =	shalt  }
0x78: {  	_ =	shalt  }
0x79: {  	_ =	shalt  }
0x7a: {  	_ =	shalt  }
0x7b: {  	_ =	shalt  }
0x7c: {  	_ =	shalt  }
0x7d: {  	_ =	shalt  }
0x7e: {  	_ =	shalt  }
0x7f: {  	_ =	shalt  }
0x80: {  	_ =	shalt  }
0x81: {  	_ =	shalt  }
0x82: {  	_ =	shalt  }
0x83: {  	_ =	shalt  }
0x84: {  	_ =	shalt  }
0x85: {  	_ =	shalt  }
0x86: {  	_ =	shalt  }
0x87: {  	_ =	shalt  }
.Lfunc_end0:
.L_simem_size_0:
called_computation_lowered:
.L_overlay_start_0:
0x88: {  	s2 =	sld [smem:$0x3FD9]  }
0x89: {  	s3 =	sld [smem:$0x3FFE];
	_ =	sdelay $0x1  }
0x8a: {  	s1 =	srdreg.scid  }
0x8b: {  	s0 =	sand.u32 $0x1, s1  }
0x8c: {  	s17 =	sshll.u32 s0, $0xA;
	s2 =	sadd.s32 s3, s2  }
0x8d: {  	s2 =	sadd.s32 s2, s17  }
0x8e: {  	[smem:$0x3FC4] =	sst s2  }
0x8f: {  	_ = 	snop  }
0x90: {  	s2 =	sld [smem:$0x3FD0];
	(tm) =	ssettm $0x1  }
0x91: {  	s18 =	sld [smem:$0x3FFB];
	_ =	sdelay $0x3  }
0x92: {  	_ =	strace s18  }
0x93: {  	s3 =	sld [smem:$0x3FFC];
	_ =	sdelay $0x3  }
0x94: {  	_ =	strace s3  }
0x95: {  	s3 =	sld [smem:$0x3FFD];
	_ =	sdelay $0x3  }
0x96: {  	_ =	strace s3  }
0x97: {  	_ =	strace $0x8FFFFFFF  }
0x98: {  	s19 =	sld [smem:$0x3FDB];
	_ =	sdelay $0x1  }
0x99: {  	s4 =	simm.s32 $_scs_section_size  }
0x9a: {  	s5 =	simm.s32 $_size__tile_overlayer_lowered;
	s6 =	simm.s32 $_tile_overlayer_lowered  }
0x9b: {  	s22 =	simm.s32 $0x1BFF;
	s21 =	sshll.u32 s6, $0x1;
	s3 =	sadd.s32 s4, s19  }
0x9c: {  	s7 =	simm.s32 $0x0;
	s20 =	sshll.u32 s5, $0x1;
	s5 =	sadd.s32 s21, s3  }
0x9d: {  	[timem:s7], [sflag:s22] =	dma.local [hbm:s5], s20  }
0x9e: {  	_ =	swait.ge [sflag:s22], s20  }
0x9f: {  	s4 =	ssub.s32 $0x0, s20;
	[sflag:s22] =	ssyncset.done $0x0  }
0xa0: {  	[sflag:s22] =	ssyncadd.s32 s4;
	_ =	sdelay $0x1  }
0xa1: {  	s23 =	simm.s32 $0x1B8B  }
0xa2: {  	_ =	swait.ge [sflag:s23], $0x1  }
0xa3: {  	[sflag:s23] =	ssyncset.done $0x0  }
0xa4: {  	s25 =	simm.s32 $0x1B8E;
	s24 =	sld [smem:$0x3FFE];
	[sflag:s23] =	ssyncadd.s32 $0xFFFFFFFF  }
0xa5: {  	s26 =	simm.s32 $execute0_lowered;
	[smem:$0x3FD2] =	sst s25  }
0xa6: {  	s5 =	sshll.u32 s26, $0x1;
	_ =	strace $0x80000046;
	[dreg:$0x1] =	wrdreg $0xFFFFFFFF  }
0xa7: {  	s28 =	simm.s32 $_size_execute0_lowered;
	s3 =	sadd.s32 s3, s5;
	[dreg:$0x0] =	wrdreg $0x0  }
0xa8: {  	s5 =	sshll.u32 s28, $0x1;
	[dreg:$0x2] =	wrdreg s3  }
0xa9: {  	[dreg:$0x3] =	wrdreg s5  }
0xaa: {  	[dreg:$0x4] =	wrdreg $0xC0  }
0xab: {  	_ =	task [dreg:s7], $0x5FFFF  }
0xac: {  	[dreg:$0x1] =	wrdreg $0xFFFFFFFF  }
0xad: {  	[dreg:$0x0] =	wrdreg $0x60  }
0xae: {  	[dreg:$0x2] =	wrdreg s24  }
0xaf: {  	[dreg:$0x3] =	wrdreg s2  }
0xb0: {  	[dreg:$0x4] =	wrdreg $0x9  }
0xb1: {  	_ =	task.clear_ibuf [dreg:s7], $0x5FFFF;
	_ =	strace $0x90000046  }
0xb2: {  	s29 =	simm.s32 $0x9;
	_ =	strace $0x80000048  }
0xb3: {  	_ =	swait.ge [sflag:s29], $0x1  }
0xb4: {  	[sflag:s29] =	ssyncadd.s32 $0xFFFFFFFF  }
0xb5: {  	_ =	strace $0x90000048  }
0xb6: {  	_ =	sfence  }
0xb7: {  	s30 =	sld [smem:$0x0];
	_ =	sdelay $0x2  }
0xb8: {  	s31 =	sshll.u32 s1, $0xD;
	s1 =	sshrl.u32 s1, $0x2  }
0xb9: {  	s3 =	sand.u32 $0x4000, s31;
	s1 =	sadd.s32 s1, s30  }
0xba: {  	s0 =	sor.u32 s3, s0;
	s1 =	sshll.u32 s1, $0x11  }
0xbb: {  	s0 =	sor.u32 s1, s0  }
0xbc: {  	s0 =	sadd.s32 $0x8F2B, s0  }
0xbd: {  	[sflag:s0] =	ssyncadd.remote.s32 $0x1  }
0xbe: {  	_ =	sfence.sel $0xFFFF  }
0xbf: {  	[dreg:$0x0] =	wrdreg $0xFFFFFFFF;
	(pc) =	sbr.abs _section_cstart, $3  }
0xc0: {  	[dreg:$0x1] =	wrdreg $0xFFFFFFFF  }
0xc1: {  	_ =	task.clear_ibuf [dreg:s7], $0x2FFFF;
	_ =	strace $0x9FFFFFFF  }
0xc2: {  	(tm) =	ssettm $0x7FFFFFFF  }
0xc3: {  	_ =	shalt  }
tec
execute0_lowered:
.L_overlay_start_1:
0x0: {  	(tag) =	ssettag $0x1  }
0x1: {  	s1 =	srdreg.scid  }
0x2: {  	s0 =	stileid.u32;
	s5 =	rddreg [dreg:$0x0]  }
0x3: {  	s2 =	rddreg [dreg:$0x1];
	s3 =	simm.s32 $0x0;
	s10 =	simm.s32 $0x8020  }
0x4: {  	s11 =	simm.s32 $0x400;
	s12 =	simm.s32 $0x8000;
	s13 =	simm.s32 $0x16440  }
0x5: {  	s14 =	simm.s32 $0x18440;
	s15 =	simm.s32 $0x1;
	s16 =	simm.s32 $0x2  }
0x6: {  	s4 =	sand.u32 $0x1, s1;
	s31 =	sshll.u32 s0, $0x1;
	s1 =	rddreg [dreg:$0x2]  }
0x7: {  	s17 =	simm.s32 $0x0;
	[smem:$0x7FF] =	sst s3;
	s6 =	sor.u32 s4, s31  }
0x8: {  	s8 =	ssub.s32 $0x2, s4;
	_ =	strace $0x80000047;
	s7 =	smul.u32 $0xC80, s6  }
0x9: {  	s4 =	sadd.s32 $0x400, s5;
	s9 =	sshrl.u32 s8, $0x1;
	s6 =	smul.u32 $0xC8, s6  }
0xa: {  	s8 =	ssub.s32 s8, s9;
	s9 =	simm.s32 $0x3;
	s7 =	sadd.s32 s7, s5  }
0xb: {  	s5 =	sadd.s32 $0x1600, s5;
	s8 =	smax.u32 s8, $0x1;
	s7 =	sadd.s32 $0x2800, s7  }
.LBB2_1:
0xc: {  	[tilespmem:s3], [sflag:$0x3] =	stream.linear.gather [hbm4b:s4+s3], $0x8020, $0x38;
	[tilespmem:$0x1A440] =	vst v63  }
0xd: {  	_ =	swait.ge [sflag:s9], $0x8020  }
0xe: {  	[sflag:s9] =	ssyncset.done $0x0  }
0xf: {  	[sflag:s9] =	ssyncadd.s32 $0xFFFF7FE0  }
0x10: {  	[tilespmem:s10], [sflag:$0x3] =	stream.linear.gather [hbm4b:s5+s3], $0x8020, $0x38;
	[tilespmem:$0x1A440] =	vst v63  }
0x11: {  	_ =	swait.ge [sflag:s9], $0x8020  }
0x12: {  	[sflag:s9] =	ssyncset.done $0x0  }
0x13: {  	s18 =	simm.s32 $0x10040;
	[sflag:s9] =	ssyncadd.s32 $0xFFFF7FE0  }
0x14: {  	[tilespmem:s18], [sflag:$0x3] =	stream.linear.gather [hbm4b:s7+s3], $0x6400, $0x38;
	[tilespmem:$0x1A440] =	vst v63  }
0x15: {  	_ =	swait.ge [sflag:s9], $0x6400  }
0x16: {  	[sflag:s9] =	ssyncset.done $0x0  }
0x17: {  	s19 =	simm.s32 $0x100C0;
	s20 =	simm.s32 $0x0;
	[sflag:s9] =	ssyncadd.s32 $0xFFFF9C00  }
.LBB2_2:
0x18: {  	p0 =	seq.s32 s20, $0x0  }
0x19: {  	v0 =	vmov s18;
	s22 =	simm.s32 @!p0 $0x1  }
0x1a: {  	_ =	swait.ge @!p0 [sflag:s22], $0x2000  }
0x1b: {  	[sflag:s22] =	ssyncset.done @!p0 $0x0  }
0x1c: {  	s21 =	sshll.u32 s20, $0x1;
	[sflag:s22] =	ssyncadd.s32 @!p0 $0xFFFFE000;
	s22 =	simm.s32 $0x0  }
.LBB2_3:
0x1d: {  	s23 =	sshra.s32 s22, $0x2  }
0x1e: {  	v1 =	vld.idx.msk [tilespmem:v0+s23+$0x0 ss:$0x1], $0xffff;
	_ =	sdelay $0x4  }
0x1f: {  	v2 =	vand.u32 $0xFFFF, v1  }
0x20: {  	v3 =	vadd.s32 $0x401, v2  }
0x21: {  	v4 =	vadd.s32 $0x802, v2  }
0x22: {  	v5 =	vadd.s32 $0xC03, v2  }
0x23: {  	v6 =	vadd.s32 $0x1004, v2  }
0x24: {  	v7 =	vadd.s32 $0x1405, v2;
	v9 =	vld.idx.msk [tilespmem:v2+s3+$0x0], $0xffff  }
0x25: {  	v12 =	vadd.s32 $0x1C07, v2;
	v10 =	vld.idx.msk [tilespmem:v3+s3+$0x0], $0xffff  }
0x26: {  	v37 =	vadd.s32 $0x2409, v2;
	v11 =	vld.idx.msk [tilespmem:v4+s3+$0x0], $0xffff  }
0x27: {  	v38 =	vadd.s32 $0x280A, v2;
	v13 =	vld.idx.msk [tilespmem:v5+s3+$0x0], $0xffff  }
0x28: {  	v40 =	vadd.s32 $0x340D, v2;
	v14 =	vld.idx.msk [tilespmem:v6+s3+$0x0], $0xffff  }
0x29: {  	v41 =	vadd.s32 $0x380E, v2;
	v15 =	vld.idx.msk [tilespmem:v7+s3+$0x0], $0xffff  }
0x2a: {  	v20 =	vadd.s32 $0x3C0F, v2;
	v12 =	vld.idx.msk [tilespmem:v12+s3+$0x0], $0xffff  }
0x2b: {  	v39 =	vadd.s32 $0x300C, v2;
	v18 =	vld.idx.msk [tilespmem:v37+s3+$0x0], $0xffff  }
0x2c: {  	v8 =	vadd.s32 $0x2008, v2;
	v3 =	vadd.s32 $0x1806, v2;
	v19 =	vld.idx.msk [tilespmem:v38+s3+$0x0], $0xffff  }
0x2d: {  	v8 =	vand.u32 $0x1FFF8, v8;
	v4 =	vand.u32 $0x7, v1;
	v1 =	vshrl.u32 v1, $0x10;
	v7 =	vld.idx.msk [tilespmem:v40+s3+$0x0], $0xffff  }
0x2e: {  	v6 =	vld.idx.msk [tilespmem:v41+s3+$0x0], $0xffff;
	v36 =	vor.u32 v4, v8  }
0x2f: {  	v5 =	vld.idx.msk [tilespmem:v20+s3+$0x0], $0xffff;
	v22 =	vadd.s32 $0x802, v1  }
0x30: {  	v8 =	vld.idx.msk [tilespmem:v39+s3+$0x0], $0xffff;
	v23 =	vadd.s32 $0xC03, v1  }
0x31: {  	v42 =	vadd.s32 $0x1004, v1;
	v16 =	vld.idx.msk [tilespmem:v3+s3+$0x0], $0xffff  }
0x32: {  	v25 =	vadd.s32 $0x1405, v1;
	v24 =	vld.idx.msk [tilespmem:v1+s10+$0x0], $0xffff  }
0x33: {  	v3 =	vadd.s32 $0x2C0B, v2;
	v17 =	vld.idx.msk [tilespmem:v36+s3+$0x0], $0xffff  }
0x34: {  	v27 =	vadd.s32 $0x1806, v1;
	v22 =	vld.idx.msk [tilespmem:v22+s10+$0x0], $0xffff  }
0x35: {  	v29 =	vadd.s32 $0x1C07, v1;
	v23 =	vld.idx.msk [tilespmem:v23+s10+$0x0], $0xffff  }
0x36: {  	v30 =	vadd.s32 $0x2409, v1;
	v20 =	vld.idx.msk [tilespmem:v42+s10+$0x0], $0xffff  }
0x37: {  	v31 =	vadd.s32 $0x280A, v1;
	v25 =	vld.idx.msk [tilespmem:v25+s10+$0x0], $0xffff  }
0x38: {  	v21 =	vld.idx.msk [tilespmem:v3+s3+$0x0], $0xffff;
	v3 =	vadd.s32 $0x401, v1  }
0x39: {  	v32 =	vadd.s32 $0x2C0B, v1;
	v27 =	vld.idx.msk [tilespmem:v27+s10+$0x0], $0xffff  }
0x3a: {  	v33 =	vadd.s32 $0x300C, v1;
	v29 =	vld.idx.msk [tilespmem:v29+s10+$0x0], $0xffff  }
0x3b: {  	v34 =	vadd.s32 $0x340D, v1;
	v30 =	vld.idx.msk [tilespmem:v30+s10+$0x0], $0xffff  }
0x3c: {  	v28 =	vadd.s32 $0x2008, v1;
	v35 =	vadd.s32 $0x380E, v1;
	v31 =	vld.idx.msk [tilespmem:v31+s10+$0x0], $0xffff  }
0x3d: {  	v28 =	vand.u32 $0x1FFF8, v28;
	v36 =	vadd.s32 $0x3C0F, v1;
	v26 =	vld.idx.msk [tilespmem:v3+s10+$0x0], $0xffff;
	v3 =	vand.u32 $0x7, v1  }
0x3e: {  	v32 =	vld.idx.msk [tilespmem:v32+s10+$0x0], $0xffff;
	v28 =	vor.u32 v3, v28  }
0x3f: {  	v37 =	vshll.u32 v9, $0x10;
	v9 =	vand.u32 $0xFFFF0000, v9;
	v43 =	vshll.u32 v10, $0x10;
	v33 =	vld.idx.msk [tilespmem:v33+s10+$0x0], $0xffff  }
0x40: {  	v10 =	vand.u32 $0xFFFF0000, v10;
	v45 =	vshll.u32 v11, $0x10;
	v34 =	vld.idx.msk [tilespmem:v34+s10+$0x0], $0xffff;
	v38 =	vshll.u32 v24, $0x10  }
0x41: {  	v11 =	vand.u32 $0xFFFF0000, v11;
	v35 =	vld.idx.msk [tilespmem:v35+s10+$0x0], $0xffff;
	v24 =	vand.u32 $0xFFFF0000, v24;
	v37 =	vadd.f32 v38, v37  }
0x42: {  	v48 =	vshll.u32 v13, $0x10;
	v9 =	vadd.f32 v24, v9;
	v36 =	vld.idx.msk [tilespmem:v36+s10+$0x0], $0xffff;
	v46 =	vshll.u32 v22, $0x10  }
0x43: {  	v13 =	vand.u32 $0xFFFF0000, v13;
	v22 =	vand.u32 $0xFFFF0000, v22;
	v47 =	vadd.f32 v46, v45;
	v28 =	vld.idx.msk [tilespmem:v28+s10+$0x0], $0xffff;
	[tilespmem:s23+$0x16440] =	vst v37  }
0x44: {  	v53 =	vshll.u32 v14, $0x10;
	v49 =	vshll.u32 v23, $0x10;
	v50 =	vadd.f32 v22, v11;
	[tilespmem:s23+$0x164C0] =	vst v9  }
0x45: {  	v14 =	vand.u32 $0xFFFF0000, v14;
	v52 =	vand.u32 $0xFFFF0000, v23;
	v51 =	vadd.f32 v49, v48;
	[tilespmem:s23+$0x16640] =	vst v47  }
0x46: {  	v57 =	vshll.u32 v15, $0x10;
	v54 =	vshll.u32 v20, $0x10;
	v55 =	vadd.f32 v52, v13;
	[tilespmem:s23+$0x166C0] =	vst v50  }
0x47: {  	v15 =	vand.u32 $0xFFFF0000, v15;
	v20 =	vand.u32 $0xFFFF0000, v20;
	v56 =	vadd.f32 v54, v53;
	[tilespmem:s23+$0x16740] =	vst v51  }
0x48: {  	v62 =	vshll.u32 v16, $0x10;
	v58 =	vshll.u32 v25, $0x10;
	v59 =	vadd.f32 v20, v14;
	[tilespmem:s23+$0x167C0] =	vst v55  }
0x49: {  	v61 =	vand.u32 $0xFFFF0000, v25;
	v63 =	vshll.u32 v27, $0x10;
	v60 =	vadd.f32 v58, v57;
	[tilespmem:s23+$0x16840] =	vst v56  }
0x4a: {  	v38 =	vshll.u32 v12, $0x10;
	v12 =	vand.u32 $0xFFFF0000, v12;
	v24 =	vadd.f32 v61, v15;
	[tilespmem:s23+$0x168C0] =	vst v59  }
0x4b: {  	v42 =	vand.u32 $0xFFFF0000, v29;
	v23 =	vshll.u32 v8, $0x10;
	v25 =	vadd.f32 v63, v62;
	[tilespmem:s23+$0x16940] =	vst v60  }
0x4c: {  	v45 =	vadd.f32 v42, v12;
	v53 =	vand.u32 $0xFFFF0000, v18;
	v54 =	vand.u32 $0xFFFF0000, v30;
	[tilespmem:s23+$0x169C0] =	vst v24  }
0x4d: {  	v62 =	vshll.u32 v32, $0x10;
	v57 =	vadd.f32 v54, v53;
	v61 =	vshll.u32 v21, $0x10;
	[tilespmem:s23+$0x16A40] =	vst v25  }
0x4e: {  	v8 =	vand.u32 $0xFFFF0000, v8;
	v20 =	vadd.f32 v62, v61;
	v39 =	vshll.u32 v26, $0x10;
	[tilespmem:s23+$0x16BC0] =	vst v45  }
0x4f: {  	v49 =	vshll.u32 v18, $0x10;
	v26 =	vand.u32 $0xFFFF0000, v26;
	v44 =	vadd.f32 v39, v43;
	[tilespmem:s23+$0x16DC0] =	vst v57  }
0x50: {  	v22 =	vand.u32 $0xFFFF0000, v32;
	v21 =	vand.u32 $0xFFFF0000, v21;
	v10 =	vadd.f32 v26, v10;
	[tilespmem:s23+$0x16F40] =	vst v20  }
0x51: {  	v26 =	vand.u32 $0xFFFF0000, v16;
	v37 =	vand.u32 $0xFFFF0000, v27;
	v25 =	vadd.f32 v22, v21;
	[tilespmem:s23+$0x16540] =	vst v44  }
0x52: {  	v32 =	vshll.u32 v6, $0x10;
	v39 =	vshll.u32 v29, $0x10;
	v40 =	vadd.f32 v37, v26;
	[tilespmem:s23+$0x165C0] =	vst v10  }
0x53: {  	v6 =	vand.u32 $0xFFFF0000, v6;
	v50 =	vshll.u32 v30, $0x10;
	v41 =	vadd.f32 v39, v38;
	[tilespmem:s23+$0x16FC0] =	vst v25  }
0x54: {  	v55 =	vshll.u32 v19, $0x10;
	v56 =	vshll.u32 v31, $0x10;
	v52 =	vadd.f32 v50, v49;
	[tilespmem:s23+$0x16AC0] =	vst v40  }
0x55: {  	v59 =	vand.u32 $0xFFFF0000, v19;
	v60 =	vand.u32 $0xFFFF0000, v31;
	v58 =	vadd.f32 v56, v55;
	[tilespmem:s23+$0x16B40] =	vst v41  }
0x56: {  	v43 =	vshll.u32 v17, $0x10;
	v24 =	vshll.u32 v33, $0x10;
	v63 =	vadd.f32 v60, v59;
	[tilespmem:s23+$0x16D40] =	vst v52  }
0x57: {  	v47 =	vand.u32 $0xFFFF0000, v17;
	v27 =	vand.u32 $0xFFFF0000, v33;
	v26 =	vadd.f32 v24, v23;
	[tilespmem:s23+$0x16E40] =	vst v58  }
0x58: {  	v29 =	vshll.u32 v34, $0x10;
	v33 =	vshll.u32 v35, $0x10;
	v8 =	vadd.f32 v27, v8;
	[tilespmem:s23+$0x16EC0] =	vst v63  }
0x59: {  	v31 =	vand.u32 $0xFFFF0000, v34;
	v34 =	vadd.f32 v33, v32;
	v37 =	vand.u32 $0xFFFF0000, v35;
	[tilespmem:s23+$0x17040] =	vst v26  }
0x5a: {  	v39 =	vshll.u32 v5, $0x10;
	v6 =	vadd.f32 v37, v6;
	[tilespmem:s23+$0x170C0] =	vst v8;
	v40 =	vshll.u32 v36, $0x10  }
0x5b: {  	v45 =	vadd.s32 $0x4812, v2;
	[tilespmem:s23+$0x17240] =	vst v34;
	v41 =	vadd.f32 v40, v39;
	v44 =	vshll.u32 v28, $0x10  }
0x5c: {  	v38 =	vadd.s32 $0x4010, v2;
	[tilespmem:s23+$0x172C0] =	vst v6;
	v48 =	vand.u32 $0xFFFF0000, v28;
	v46 =	vadd.f32 v44, v43  }
0x5d: {  	v8 =	vand.u32 $0x1FFF8, v38;
	v28 =	vshll.u32 v7, $0x10;
	v51 =	vadd.f32 v48, v47;
	[tilespmem:s23+$0x17340] =	vst v41  }
0x5e: {  	v42 =	vor.u32 v4, v8;
	v7 =	vand.u32 $0xFFFF0000, v7;
	v30 =	vadd.f32 v29, v28;
	[tilespmem:s23+$0x16C40] =	vst v46  }
0x5f: {  	v5 =	vand.u32 $0xFFFF0000, v5;
	v7 =	vadd.f32 v31, v7;
	v43 =	vand.u32 $0xFFFF0000, v36;
	[tilespmem:s23+$0x16CC0] =	vst v51  }
0x60: {  	v49 =	vadd.s32 $0x5816, v2;
	v50 =	vadd.s32 $0x6018, v2;
	v5 =	vadd.f32 v43, v5;
	[tilespmem:s23+$0x17140] =	vst v30  }
0x61: {  	v12 =	vand.u32 $0x1FFF8, v50;
	v52 =	vadd.s32 $0x5C17, v2;
	[tilespmem:s23+$0x171C0] =	vst v7  }
0x62: {  	v4 =	vor.u32 v4, v12;
	[tilespmem:s23+$0x173C0] =	vst v5  }
0x63: {  	v53 =	vadd.s32 $0x6419, v2;
	v7 =	vld.idx.msk [tilespmem:v42+s3+$0x0], $0xffff  }
0x64: {  	v54 =	vadd.s32 $0x681A, v2;
	v51 =	vld.idx.msk [tilespmem:v45+s3+$0x0], $0xffff  }
0x65: {  	v55 =	vadd.s32 $0x6C1B, v2;
	v11 =	vld.idx.msk [tilespmem:v49+s3+$0x0], $0xffff  }
0x66: {  	v56 =	vadd.s32 $0x701C, v2;
	v16 =	vld.idx.msk [tilespmem:v52+s3+$0x0], $0xffff  }
0x67: {  	v57 =	vadd.s32 $0x741D, v2;
	v17 =	vld.idx.msk [tilespmem:v4+s3+$0x0], $0xffff  }
0x68: {  	v58 =	vadd.s32 $0x781E, v2;
	v18 =	vld.idx.msk [tilespmem:v53+s3+$0x0], $0xffff  }
0x69: {  	v61 =	vadd.s32 $0x4411, v1;
	v14 =	vld.idx.msk [tilespmem:v54+s3+$0x0], $0xffff  }
0x6a: {  	v62 =	vadd.s32 $0x4812, v1;
	v59 =	vadd.s32 $0x4010, v1;
	v15 =	vld.idx.msk [tilespmem:v55+s3+$0x0], $0xffff  }
0x6b: {  	v63 =	vadd.s32 $0x4C13, v1;
	v5 =	vand.u32 $0x1FFF8, v59;
	v6 =	vld.idx.msk [tilespmem:v56+s3+$0x0], $0xffff  }
0x6c: {  	v32 =	vadd.s32 $0x5816, v1;
	v60 =	vor.u32 v3, v5;
	v5 =	vld.idx.msk [tilespmem:v57+s3+$0x0], $0xffff  }
0x6d: {  	v34 =	vadd.s32 $0x5C17, v1;
	v4 =	vld.idx.msk [tilespmem:v58+s3+$0x0], $0xffff  }
0x6e: {  	v35 =	vadd.s32 $0x6419, v1;
	v21 =	vld.idx.msk [tilespmem:v61+s10+$0x0], $0xffff  }
0x6f: {  	v37 =	vadd.s32 $0x6C1B, v1;
	v22 =	vld.idx.msk [tilespmem:v62+s10+$0x0], $0xffff  }
0x70: {  	v40 =	vadd.s32 $0x781E, v1;
	v19 =	vld.idx.msk [tilespmem:v63+s10+$0x0], $0xffff  }
0x71: {  	v33 =	vadd.s32 $0x6018, v1;
	v44 =	vadd.s32 $0x4411, v2;
	v25 =	vld.idx.msk [tilespmem:v32+s10+$0x0], $0xffff  }
0x72: {  	v26 =	vand.u32 $0x1FFF8, v33;
	v47 =	vadd.s32 $0x5014, v2;
	v27 =	vld.idx.msk [tilespmem:v34+s10+$0x0], $0xffff  }
0x73: {  	v48 =	vadd.s32 $0x5415, v2;
	v3 =	vor.u32 v3, v26;
	v26 =	vld.idx.msk [tilespmem:v35+s10+$0x0], $0xffff  }
0x74: {  	v31 =	vadd.s32 $0x5415, v1;
	v29 =	vld.idx.msk [tilespmem:v37+s10+$0x0], $0xffff  }
0x75: {  	v36 =	vadd.s32 $0x681A, v1;
	v32 =	vld.idx.msk [tilespmem:v40+s10+$0x0], $0xffff  }
0x76: {  	v39 =	vadd.s32 $0x741D, v1;
	v10 =	vld.idx.msk [tilespmem:v44+s3+$0x0], $0xffff  }
0x77: {  	v46 =	vadd.s32 $0x4C13, v2;
	v12 =	vld.idx.msk [tilespmem:v47+s3+$0x0], $0xffff  }
0x78: {  	v2 =	vadd.s32 $0x7C1F, v2;
	v9 =	vld.idx.msk [tilespmem:v48+s3+$0x0], $0xffff  }
0x79: {  	v30 =	vadd.s32 $0x5014, v1;
	v24 =	vld.idx.msk [tilespmem:v31+s10+$0x0], $0xffff  }
0x7a: {  	v38 =	vadd.s32 $0x701C, v1;
	v28 =	vld.idx.msk [tilespmem:v36+s10+$0x0], $0xffff  }
0x7b: {  	v1 =	vadd.s32 $0x7C1F, v1;
	v31 =	vld.idx.msk [tilespmem:v39+s10+$0x0], $0xffff  }
0x7c: {  	v8 =	vld.idx.msk [tilespmem:v46+s3+$0x0], $0xffff  }
0x7d: {  	v2 =	vld.idx.msk [tilespmem:v2+s3+$0x0], $0xffff;
	v44 =	vshll.u32 v21, $0x10  }
0x7e: {  	v23 =	vld.idx.msk [tilespmem:v30+s10+$0x0], $0xffff;
	v21 =	vand.u32 $0xFFFF0000, v21;
	v45 =	vshll.u32 v51, $0x10;
	v46 =	vshll.u32 v22, $0x10  }
0x7f: {  	v30 =	vld.idx.msk [tilespmem:v38+s10+$0x0], $0xffff;
	v13 =	vand.u32 $0xFFFF0000, v51;
	v48 =	vand.u32 $0xFFFF0000, v22;
	v50 =	vshll.u32 v19, $0x10  }
0x80: {  	v1 =	vld.idx.msk [tilespmem:v1+s10+$0x0], $0xffff;
	v19 =	vand.u32 $0xFFFF0000, v19;
	v62 =	vshll.u32 v11, $0x10;
	v47 =	vadd.f32 v46, v45  }
0x81: {  	v20 =	vld.idx.msk [tilespmem:v60+s10+$0x0], $0xffff;
	v38 =	vand.u32 $0xFFFF0000, v18;
	v39 =	vand.u32 $0xFFFF0000, v26;
	v13 =	vadd.f32 v48, v13  }
0x82: {  	v3 =	vld.idx.msk [tilespmem:v3+s10+$0x0], $0xffff;
	v43 =	vshll.u32 v10, $0x10;
	v10 =	vand.u32 $0xFFFF0000, v10;
	v40 =	vadd.f32 v39, v38;
	[tilespmem:s23+$0x17640] =	vst v47  }
0x83: {  	v57 =	vshll.u32 v9, $0x10;
	v58 =	vshll.u32 v24, $0x10;
	v10 =	vadd.f32 v21, v10;
	[tilespmem:s23+$0x176C0] =	vst v13  }
0x84: {  	v9 =	vand.u32 $0xFFFF0000, v9;
	v60 =	vand.u32 $0xFFFF0000, v24;
	v59 =	vadd.f32 v58, v57;
	[tilespmem:s23+$0x17DC0] =	vst v40  }
0x85: {  	v63 =	vshll.u32 v25, $0x10;
	v53 =	vshll.u32 v12, $0x10;
	v61 =	vadd.f32 v60, v9;
	[tilespmem:s23+$0x175C0] =	vst v10  }
0x86: {  	v12 =	vand.u32 $0xFFFF0000, v12;
	v9 =	vadd.f32 v63, v62;
	v49 =	vshll.u32 v8, $0x10;
	[tilespmem:s23+$0x17940] =	vst v59  }
0x87: {  	v24 =	vand.u32 $0xFFFF0000, v27;
	v8 =	vand.u32 $0xFFFF0000, v8;
	v51 =	vadd.f32 v50, v49;
	[tilespmem:s23+$0x179C0] =	vst v61  }
0x88: {  	v46 =	vshll.u32 v15, $0x10;
	v54 =	vshll.u32 v23, $0x10;
	v52 =	vadd.f32 v19, v8;
	[tilespmem:s23+$0x17A40] =	vst v9  }
0x89: {  	v55 =	vand.u32 $0xFFFF0000, v23;
	v13 =	vand.u32 $0xFFFF0000, v25;
	v8 =	vadd.f32 v54, v53;
	[tilespmem:s23+$0x17740] =	vst v51  }
0x8a: {  	v23 =	vand.u32 $0xFFFF0000, v16;
	v47 =	vshll.u32 v29, $0x10;
	v56 =	vadd.f32 v55, v12;
	[tilespmem:s23+$0x177C0] =	vst v52  }
0x8b: {  	v62 =	vshll.u32 v2, $0x10;
	v63 =	vshll.u32 v1, $0x10;
	v25 =	vadd.f32 v24, v23;
	[tilespmem:s23+$0x17840] =	vst v8  }
0x8c: {  	v2 =	vand.u32 $0xFFFF0000, v2;
	v1 =	vand.u32 $0xFFFF0000, v1;
	v48 =	vadd.f32 v47, v46;
	[tilespmem:s23+$0x178C0] =	vst v56  }
0x8d: {  	v57 =	vand.u32 $0xFFFF0000, v31;
	v12 =	vand.u32 $0xFFFF0000, v11;
	v1 =	vadd.f32 v1, v2;
	[tilespmem:s23+$0x17BC0] =	vst v25  }
0x8e: {  	v55 =	vshll.u32 v5, $0x10;
	v5 =	vand.u32 $0xFFFF0000, v5;
	v19 =	vadd.f32 v13, v12;
	[tilespmem:s23+$0x17F40] =	vst v48  }
0x8f: {  	v58 =	vshll.u32 v4, $0x10;
	v59 =	vshll.u32 v32, $0x10;
	v5 =	vadd.f32 v57, v5;
	[tilespmem:s23+$0x183C0] =	vst v1  }
0x90: {  	v41 =	vshll.u32 v7, $0x10;
	v42 =	vshll.u32 v20, $0x10;
	v60 =	vadd.f32 v59, v58;
	[tilespmem:s23+$0x17AC0] =	vst v19  }
0x91: {  	v7 =	vand.u32 $0xFFFF0000, v7;
	v20 =	vand.u32 $0xFFFF0000, v20;
	v33 =	vadd.f32 v42, v41;
	[tilespmem:s23+$0x181C0] =	vst v5  }
0x92: {  	v35 =	vand.u32 $0xFFFF0000, v17;
	v7 =	vadd.f32 v20, v7;
	[tilespmem:s23+$0x18240] =	vst v60  }
0x93: {  	v36 =	vshll.u32 v18, $0x10;
	v37 =	vshll.u32 v26, $0x10;
	v20 =	vadd.f32 v44, v43;
	[tilespmem:s23+$0x17440] =	vst v33  }
0x94: {  	v8 =	vadd.f32 v37, v36;
	v43 =	vand.u32 $0xFFFF0000, v14;
	v44 =	vand.u32 $0xFFFF0000, v28;
	[tilespmem:s23+$0x174C0] =	vst v7  }
0x95: {  	v45 =	vadd.f32 v44, v43;
	[tilespmem:s23+$0x17540] =	vst v20;
	v33 =	vshll.u32 v3, $0x10;
	v3 =	vand.u32 $0xFFFF0000, v3  }
0x96: {  	v51 =	vshll.u32 v6, $0x10;
	v52 =	vshll.u32 v30, $0x10;
	[tilespmem:s23+$0x17D40] =	vst v8;
	v3 =	vadd.f32 v3, v35  }
0x97: {  	v41 =	vshll.u32 v14, $0x10;
	v42 =	vshll.u32 v28, $0x10;
	v53 =	vadd.f32 v52, v51;
	[tilespmem:s23+$0x17EC0] =	vst v45  }
0x98: {  	v54 =	vand.u32 $0xFFFF0000, v30;
	v6 =	vand.u32 $0xFFFF0000, v6;
	[tilespmem:s23+$0x17CC0] =	vst v3;
	v3 =	vadd.f32 v42, v41  }
0x99: {  	v49 =	vand.u32 $0xFFFF0000, v15;
	v50 =	vand.u32 $0xFFFF0000, v29;
	v6 =	vadd.f32 v54, v6;
	[tilespmem:s23+$0x18040] =	vst v53  }
0x9a: {  	v21 =	vshll.u32 v27, $0x10;
	v20 =	vshll.u32 v16, $0x10;
	[tilespmem:s23+$0x17E40] =	vst v3;
	v3 =	vadd.f32 v50, v49  }
0x9b: {  	v56 =	vshll.u32 v31, $0x10;
	v22 =	vadd.f32 v21, v20;
	[tilespmem:s23+$0x180C0] =	vst v6  }
0x9c: {  	p1 =	sne.s32 s22, $0x1C0;
	v27 =	vshll.u32 v17, $0x10;
	[tilespmem:s23+$0x17FC0] =	vst v3;
	v3 =	vadd.f32 v56, v55  }
.Ltmp0:
0x9d: {  	v4 =	vand.u32 $0xFFFF0000, v4;
	v61 =	vand.u32 $0xFFFF0000, v32;
	v34 =	vadd.f32 v33, v27;
	[tilespmem:s23+$0x17B40] =	vst v22;
	(pc) =	sbr.rel @p1 .LBB2_3-.Ltmp0, $4  }
0x9e: {  	[tilespmem:s23+$0x18140] =	vst v3;
	v3 =	vadd.f32 v61, v4  }
0x9f: {  	[tilespmem:s23+$0x17C40] =	vst v34;
	v4 =	vadd.f32 v63, v62  }
0xa0: {  	[tilespmem:s23+$0x182C0] =	vst v3  }
0xa1: {  	s22 =	sadd.s32 $0x40, s22;
	[tilespmem:s23+$0x18340] =	vst v4  }
0xa2: {  	s22 =	sadd.s32 s6, s21  }
0xa3: {  	s23 =	sshrl.u32 s22, $0x5  }
0xa4: {  	s22 =	sshll.u32 s22, $0xA;
	s24 =	sshll.u32 s23, $0xF  }
0xa5: {  	s23 =	sshll.u32 s23, $0x12;
	s22 =	ssub.s32 s22, s24  }
0xa6: {  	s22 =	sadd.s32 s23, s22  }
0xa7: {  	s22 =	sshrl.u32 s22, $0x3  }
0xa8: {  	s22 =	sadd.s32 s2, s22  }
0xa9: {  	[hbm4b:s22+s11] =	stream.strided.scatter [tilespmem:s13], [sflag:$0x1], $0x2000, s12, s11, $0x38;
	[tilespmem:$0x1A440] =	vst v63  }
0xaa: {  	v0 =	vmov s19;
	s22 =	simm.s32 @!p0 $0x2  }
0xab: {  	_ =	swait.ge @!p0 [sflag:s22], $0x2000  }
0xac: {  	[sflag:s22] =	ssyncset.done @!p0 $0x0  }
0xad: {  	s21 =	sor.u32 $0x1, s21;
	[sflag:s22] =	ssyncadd.s32 @!p0 $0xFFFFE000;
	s22 =	simm.s32 $0x0  }
.LBB2_5:
0xae: {  	s23 =	sshra.s32 s22, $0x2  }
0xaf: {  	v1 =	vld.idx.msk [tilespmem:v0+s23+$0x0 ss:$0x1], $0xffff;
	_ =	sdelay $0x4  }
0xb0: {  	v2 =	vand.u32 $0xFFFF, v1  }
0xb1: {  	v3 =	vadd.s32 $0x401, v2  }
0xb2: {  	v4 =	vadd.s32 $0x802, v2  }
0xb3: {  	v5 =	vadd.s32 $0xC03, v2  }
0xb4: {  	v6 =	vadd.s32 $0x1004, v2  }
0xb5: {  	v7 =	vadd.s32 $0x1405, v2;
	v9 =	vld.idx.msk [tilespmem:v2+s3+$0x0], $0xffff  }
0xb6: {  	v12 =	vadd.s32 $0x1C07, v2;
	v10 =	vld.idx.msk [tilespmem:v3+s3+$0x0], $0xffff  }
0xb7: {  	v37 =	vadd.s32 $0x2409, v2;
	v11 =	vld.idx.msk [tilespmem:v4+s3+$0x0], $0xffff  }
0xb8: {  	v38 =	vadd.s32 $0x280A, v2;
	v13 =	vld.idx.msk [tilespmem:v5+s3+$0x0], $0xffff  }
0xb9: {  	v40 =	vadd.s32 $0x340D, v2;
	v14 =	vld.idx.msk [tilespmem:v6+s3+$0x0], $0xffff  }
0xba: {  	v41 =	vadd.s32 $0x380E, v2;
	v15 =	vld.idx.msk [tilespmem:v7+s3+$0x0], $0xffff  }
0xbb: {  	v20 =	vadd.s32 $0x3C0F, v2;
	v12 =	vld.idx.msk [tilespmem:v12+s3+$0x0], $0xffff  }
0xbc: {  	v39 =	vadd.s32 $0x300C, v2;
	v18 =	vld.idx.msk [tilespmem:v37+s3+$0x0], $0xffff  }
0xbd: {  	v8 =	vadd.s32 $0x2008, v2;
	v3 =	vadd.s32 $0x1806, v2;
	v19 =	vld.idx.msk [tilespmem:v38+s3+$0x0], $0xffff  }
0xbe: {  	v8 =	vand.u32 $0x1FFF8, v8;
	v4 =	vand.u32 $0x7, v1;
	v1 =	vshrl.u32 v1, $0x10;
	v7 =	vld.idx.msk [tilespmem:v40+s3+$0x0], $0xffff  }
0xbf: {  	v6 =	vld.idx.msk [tilespmem:v41+s3+$0x0], $0xffff;
	v36 =	vor.u32 v4, v8  }
0xc0: {  	v5 =	vld.idx.msk [tilespmem:v20+s3+$0x0], $0xffff;
	v22 =	vadd.s32 $0x802, v1  }
0xc1: {  	v8 =	vld.idx.msk [tilespmem:v39+s3+$0x0], $0xffff;
	v23 =	vadd.s32 $0xC03, v1  }
0xc2: {  	v42 =	vadd.s32 $0x1004, v1;
	v16 =	vld.idx.msk [tilespmem:v3+s3+$0x0], $0xffff  }
0xc3: {  	v25 =	vadd.s32 $0x1405, v1;
	v24 =	vld.idx.msk [tilespmem:v1+s10+$0x0], $0xffff  }
0xc4: {  	v3 =	vadd.s32 $0x2C0B, v2;
	v17 =	vld.idx.msk [tilespmem:v36+s3+$0x0], $0xffff  }
0xc5: {  	v27 =	vadd.s32 $0x1806, v1;
	v22 =	vld.idx.msk [tilespmem:v22+s10+$0x0], $0xffff  }
0xc6: {  	v29 =	vadd.s32 $0x1C07, v1;
	v23 =	vld.idx.msk [tilespmem:v23+s10+$0x0], $0xffff  }
0xc7: {  	v30 =	vadd.s32 $0x2409, v1;
	v20 =	vld.idx.msk [tilespmem:v42+s10+$0x0], $0xffff  }
0xc8: {  	v31 =	vadd.s32 $0x280A, v1;
	v25 =	vld.idx.msk [tilespmem:v25+s10+$0x0], $0xffff  }
0xc9: {  	v21 =	vld.idx.msk [tilespmem:v3+s3+$0x0], $0xffff;
	v3 =	vadd.s32 $0x401, v1  }
0xca: {  	v32 =	vadd.s32 $0x2C0B, v1;
	v27 =	vld.idx.msk [tilespmem:v27+s10+$0x0], $0xffff  }
0xcb: {  	v33 =	vadd.s32 $0x300C, v1;
	v29 =	vld.idx.msk [tilespmem:v29+s10+$0x0], $0xffff  }
0xcc: {  	v34 =	vadd.s32 $0x340D, v1;
	v30 =	vld.idx.msk [tilespmem:v30+s10+$0x0], $0xffff  }
0xcd: {  	v28 =	vadd.s32 $0x2008, v1;
	v35 =	vadd.s32 $0x380E, v1;
	v31 =	vld.idx.msk [tilespmem:v31+s10+$0x0], $0xffff  }
0xce: {  	v28 =	vand.u32 $0x1FFF8, v28;
	v36 =	vadd.s32 $0x3C0F, v1;
	v26 =	vld.idx.msk [tilespmem:v3+s10+$0x0], $0xffff;
	v3 =	vand.u32 $0x7, v1  }
0xcf: {  	v32 =	vld.idx.msk [tilespmem:v32+s10+$0x0], $0xffff;
	v28 =	vor.u32 v3, v28  }
0xd0: {  	v37 =	vshll.u32 v9, $0x10;
	v9 =	vand.u32 $0xFFFF0000, v9;
	v43 =	vshll.u32 v10, $0x10;
	v33 =	vld.idx.msk [tilespmem:v33+s10+$0x0], $0xffff  }
0xd1: {  	v10 =	vand.u32 $0xFFFF0000, v10;
	v45 =	vshll.u32 v11, $0x10;
	v34 =	vld.idx.msk [tilespmem:v34+s10+$0x0], $0xffff;
	v38 =	vshll.u32 v24, $0x10  }
0xd2: {  	v11 =	vand.u32 $0xFFFF0000, v11;
	v35 =	vld.idx.msk [tilespmem:v35+s10+$0x0], $0xffff;
	v24 =	vand.u32 $0xFFFF0000, v24;
	v37 =	vadd.f32 v38, v37  }
0xd3: {  	v48 =	vshll.u32 v13, $0x10;
	v9 =	vadd.f32 v24, v9;
	v36 =	vld.idx.msk [tilespmem:v36+s10+$0x0], $0xffff;
	v46 =	vshll.u32 v22, $0x10  }
0xd4: {  	v13 =	vand.u32 $0xFFFF0000, v13;
	v22 =	vand.u32 $0xFFFF0000, v22;
	v47 =	vadd.f32 v46, v45;
	v28 =	vld.idx.msk [tilespmem:v28+s10+$0x0], $0xffff;
	[tilespmem:s23+$0x18440] =	vst v37  }
0xd5: {  	v53 =	vshll.u32 v14, $0x10;
	v49 =	vshll.u32 v23, $0x10;
	v50 =	vadd.f32 v22, v11;
	[tilespmem:s23+$0x184C0] =	vst v9  }
0xd6: {  	v14 =	vand.u32 $0xFFFF0000, v14;
	v52 =	vand.u32 $0xFFFF0000, v23;
	v51 =	vadd.f32 v49, v48;
	[tilespmem:s23+$0x18640] =	vst v47  }
0xd7: {  	v57 =	vshll.u32 v15, $0x10;
	v54 =	vshll.u32 v20, $0x10;
	v55 =	vadd.f32 v52, v13;
	[tilespmem:s23+$0x186C0] =	vst v50  }
0xd8: {  	v15 =	vand.u32 $0xFFFF0000, v15;
	v20 =	vand.u32 $0xFFFF0000, v20;
	v56 =	vadd.f32 v54, v53;
	[tilespmem:s23+$0x18740] =	vst v51  }
0xd9: {  	v62 =	vshll.u32 v16, $0x10;
	v58 =	vshll.u32 v25, $0x10;
	v59 =	vadd.f32 v20, v14;
	[tilespmem:s23+$0x187C0] =	vst v55  }
0xda: {  	v61 =	vand.u32 $0xFFFF0000, v25;
	v63 =	vshll.u32 v27, $0x10;
	v60 =	vadd.f32 v58, v57;
	[tilespmem:s23+$0x18840] =	vst v56  }
0xdb: {  	v38 =	vshll.u32 v12, $0x10;
	v12 =	vand.u32 $0xFFFF0000, v12;
	v24 =	vadd.f32 v61, v15;
	[tilespmem:s23+$0x188C0] =	vst v59  }
0xdc: {  	v42 =	vand.u32 $0xFFFF0000, v29;
	v23 =	vshll.u32 v8, $0x10;
	v25 =	vadd.f32 v63, v62;
	[tilespmem:s23+$0x18940] =	vst v60  }
0xdd: {  	v45 =	vadd.f32 v42, v12;
	v53 =	vand.u32 $0xFFFF0000, v18;
	v54 =	vand.u32 $0xFFFF0000, v30;
	[tilespmem:s23+$0x189C0] =	vst v24  }
0xde: {  	v62 =	vshll.u32 v32, $0x10;
	v57 =	vadd.f32 v54, v53;
	v61 =	vshll.u32 v21, $0x10;
	[tilespmem:s23+$0x18A40] =	vst v25  }
0xdf: {  	v8 =	vand.u32 $0xFFFF0000, v8;
	v20 =	vadd.f32 v62, v61;
	v39 =	vshll.u32 v26, $0x10;
	[tilespmem:s23+$0x18BC0] =	vst v45  }
0xe0: {  	v49 =	vshll.u32 v18, $0x10;
	v26 =	vand.u32 $0xFFFF0000, v26;
	v44 =	vadd.f32 v39, v43;
	[tilespmem:s23+$0x18DC0] =	vst v57  }
0xe1: {  	v22 =	vand.u32 $0xFFFF0000, v32;
	v21 =	vand.u32 $0xFFFF0000, v21;
	v10 =	vadd.f32 v26, v10;
	[tilespmem:s23+$0x18F40] =	vst v20  }
0xe2: {  	v26 =	vand.u32 $0xFFFF0000, v16;
	v37 =	vand.u32 $0xFFFF0000, v27;
	v25 =	vadd.f32 v22, v21;
	[tilespmem:s23+$0x18540] =	vst v44  }
0xe3: {  	v32 =	vshll.u32 v6, $0x10;
	v39 =	vshll.u32 v29, $0x10;
	v40 =	vadd.f32 v37, v26;
	[tilespmem:s23+$0x185C0] =	vst v10  }
0xe4: {  	v6 =	vand.u32 $0xFFFF0000, v6;
	v50 =	vshll.u32 v30, $0x10;
	v41 =	vadd.f32 v39, v38;
	[tilespmem:s23+$0x18FC0] =	vst v25  }
0xe5: {  	v55 =	vshll.u32 v19, $0x10;
	v56 =	vshll.u32 v31, $0x10;
	v52 =	vadd.f32 v50, v49;
	[tilespmem:s23+$0x18AC0] =	vst v40  }
0xe6: {  	v59 =	vand.u32 $0xFFFF0000, v19;
	v60 =	vand.u32 $0xFFFF0000, v31;
	v58 =	vadd.f32 v56, v55;
	[tilespmem:s23+$0x18B40] =	vst v41  }
0xe7: {  	v43 =	vshll.u32 v17, $0x10;
	v24 =	vshll.u32 v33, $0x10;
	v63 =	vadd.f32 v60, v59;
	[tilespmem:s23+$0x18D40] =	vst v52  }
0xe8: {  	v47 =	vand.u32 $0xFFFF0000, v17;
	v27 =	vand.u32 $0xFFFF0000, v33;
	v26 =	vadd.f32 v24, v23;
	[tilespmem:s23+$0x18E40] =	vst v58  }
0xe9: {  	v29 =	vshll.u32 v34, $0x10;
	v33 =	vshll.u32 v35, $0x10;
	v8 =	vadd.f32 v27, v8;
	[tilespmem:s23+$0x18EC0] =	vst v63  }
0xea: {  	v31 =	vand.u32 $0xFFFF0000, v34;
	v34 =	vadd.f32 v33, v32;
	v37 =	vand.u32 $0xFFFF0000, v35;
	[tilespmem:s23+$0x19040] =	vst v26  }
0xeb: {  	v39 =	vshll.u32 v5, $0x10;
	v6 =	vadd.f32 v37, v6;
	[tilespmem:s23+$0x190C0] =	vst v8;
	v40 =	vshll.u32 v36, $0x10  }
0xec: {  	v45 =	vadd.s32 $0x4812, v2;
	[tilespmem:s23+$0x19240] =	vst v34;
	v41 =	vadd.f32 v40, v39;
	v44 =	vshll.u32 v28, $0x10  }
0xed: {  	v38 =	vadd.s32 $0x4010, v2;
	[tilespmem:s23+$0x192C0] =	vst v6;
	v48 =	vand.u32 $0xFFFF0000, v28;
	v46 =	vadd.f32 v44, v43  }
0xee: {  	v8 =	vand.u32 $0x1FFF8, v38;
	v28 =	vshll.u32 v7, $0x10;
	v51 =	vadd.f32 v48, v47;
	[tilespmem:s23+$0x19340] =	vst v41  }
0xef: {  	v42 =	vor.u32 v4, v8;
	v7 =	vand.u32 $0xFFFF0000, v7;
	v30 =	vadd.f32 v29, v28;
	[tilespmem:s23+$0x18C40] =	vst v46  }
0xf0: {  	v5 =	vand.u32 $0xFFFF0000, v5;
	v7 =	vadd.f32 v31, v7;
	v43 =	vand.u32 $0xFFFF0000, v36;
	[tilespmem:s23+$0x18CC0] =	vst v51  }
0xf1: {  	v49 =	vadd.s32 $0x5816, v2;
	v50 =	vadd.s32 $0x6018, v2;
	v5 =	vadd.f32 v43, v5;
	[tilespmem:s23+$0x19140] =	vst v30  }
0xf2: {  	v12 =	vand.u32 $0x1FFF8, v50;
	v52 =	vadd.s32 $0x5C17, v2;
	[tilespmem:s23+$0x191C0] =	vst v7  }
0xf3: {  	v4 =	vor.u32 v4, v12;
	[tilespmem:s23+$0x193C0] =	vst v5  }
0xf4: {  	v53 =	vadd.s32 $0x6419, v2;
	v7 =	vld.idx.msk [tilespmem:v42+s3+$0x0], $0xffff  }
0xf5: {  	v54 =	vadd.s32 $0x681A, v2;
	v51 =	vld.idx.msk [tilespmem:v45+s3+$0x0], $0xffff  }
0xf6: {  	v55 =	vadd.s32 $0x6C1B, v2;
	v11 =	vld.idx.msk [tilespmem:v49+s3+$0x0], $0xffff  }
0xf7: {  	v56 =	vadd.s32 $0x701C, v2;
	v16 =	vld.idx.msk [tilespmem:v52+s3+$0x0], $0xffff  }
0xf8: {  	v57 =	vadd.s32 $0x741D, v2;
	v17 =	vld.idx.msk [tilespmem:v4+s3+$0x0], $0xffff  }
0xf9: {  	v58 =	vadd.s32 $0x781E, v2;
	v18 =	vld.idx.msk [tilespmem:v53+s3+$0x0], $0xffff  }
0xfa: {  	v61 =	vadd.s32 $0x4411, v1;
	v14 =	vld.idx.msk [tilespmem:v54+s3+$0x0], $0xffff  }
0xfb: {  	v62 =	vadd.s32 $0x4812, v1;
	v59 =	vadd.s32 $0x4010, v1;
	v15 =	vld.idx.msk [tilespmem:v55+s3+$0x0], $0xffff  }
0xfc: {  	v63 =	vadd.s32 $0x4C13, v1;
	v5 =	vand.u32 $0x1FFF8, v59;
	v6 =	vld.idx.msk [tilespmem:v56+s3+$0x0], $0xffff  }
0xfd: {  	v32 =	vadd.s32 $0x5816, v1;
	v60 =	vor.u32 v3, v5;
	v5 =	vld.idx.msk [tilespmem:v57+s3+$0x0], $0xffff  }
0xfe: {  	v34 =	vadd.s32 $0x5C17, v1;
	v4 =	vld.idx.msk [tilespmem:v58+s3+$0x0], $0xffff  }
0xff: {  	v35 =	vadd.s32 $0x6419, v1;
	v21 =	vld.idx.msk [tilespmem:v61+s10+$0x0], $0xffff  }
0x100: {  	v37 =	vadd.s32 $0x6C1B, v1;
	v22 =	vld.idx.msk [tilespmem:v62+s10+$0x0], $0xffff  }
0x101: {  	v40 =	vadd.s32 $0x781E, v1;
	v19 =	vld.idx.msk [tilespmem:v63+s10+$0x0], $0xffff  }
0x102: {  	v33 =	vadd.s32 $0x6018, v1;
	v44 =	vadd.s32 $0x4411, v2;
	v25 =	vld.idx.msk [tilespmem:v32+s10+$0x0], $0xffff  }
0x103: {  	v26 =	vand.u32 $0x1FFF8, v33;
	v47 =	vadd.s32 $0x5014, v2;
	v27 =	vld.idx.msk [tilespmem:v34+s10+$0x0], $0xffff  }
0x104: {  	v48 =	vadd.s32 $0x5415, v2;
	v3 =	vor.u32 v3, v26;
	v26 =	vld.idx.msk [tilespmem:v35+s10+$0x0], $0xffff  }
0x105: {  	v31 =	vadd.s32 $0x5415, v1;
	v29 =	vld.idx.msk [tilespmem:v37+s10+$0x0], $0xffff  }
0x106: {  	v36 =	vadd.s32 $0x681A, v1;
	v32 =	vld.idx.msk [tilespmem:v40+s10+$0x0], $0xffff  }
0x107: {  	v39 =	vadd.s32 $0x741D, v1;
	v10 =	vld.idx.msk [tilespmem:v44+s3+$0x0], $0xffff  }
0x108: {  	v46 =	vadd.s32 $0x4C13, v2;
	v12 =	vld.idx.msk [tilespmem:v47+s3+$0x0], $0xffff  }
0x109: {  	v2 =	vadd.s32 $0x7C1F, v2;
	v9 =	vld.idx.msk [tilespmem:v48+s3+$0x0], $0xffff  }
0x10a: {  	v30 =	vadd.s32 $0x5014, v1;
	v24 =	vld.idx.msk [tilespmem:v31+s10+$0x0], $0xffff  }
0x10b: {  	v38 =	vadd.s32 $0x701C, v1;
	v28 =	vld.idx.msk [tilespmem:v36+s10+$0x0], $0xffff  }
0x10c: {  	v1 =	vadd.s32 $0x7C1F, v1;
	v31 =	vld.idx.msk [tilespmem:v39+s10+$0x0], $0xffff  }
0x10d: {  	v8 =	vld.idx.msk [tilespmem:v46+s3+$0x0], $0xffff  }
0x10e: {  	v2 =	vld.idx.msk [tilespmem:v2+s3+$0x0], $0xffff;
	v44 =	vshll.u32 v21, $0x10  }
0x10f: {  	v23 =	vld.idx.msk [tilespmem:v30+s10+$0x0], $0xffff;
	v21 =	vand.u32 $0xFFFF0000, v21;
	v45 =	vshll.u32 v51, $0x10;
	v46 =	vshll.u32 v22, $0x10  }
0x110: {  	v30 =	vld.idx.msk [tilespmem:v38+s10+$0x0], $0xffff;
	v13 =	vand.u32 $0xFFFF0000, v51;
	v48 =	vand.u32 $0xFFFF0000, v22;
	v50 =	vshll.u32 v19, $0x10  }
0x111: {  	v1 =	vld.idx.msk [tilespmem:v1+s10+$0x0], $0xffff;
	v19 =	vand.u32 $0xFFFF0000, v19;
	v62 =	vshll.u32 v11, $0x10;
	v47 =	vadd.f32 v46, v45  }
0x112: {  	v20 =	vld.idx.msk [tilespmem:v60+s10+$0x0], $0xffff;
	v38 =	vand.u32 $0xFFFF0000, v18;
	v39 =	vand.u32 $0xFFFF0000, v26;
	v13 =	vadd.f32 v48, v13  }
0x113: {  	v3 =	vld.idx.msk [tilespmem:v3+s10+$0x0], $0xffff;
	v43 =	vshll.u32 v10, $0x10;
	v10 =	vand.u32 $0xFFFF0000, v10;
	v40 =	vadd.f32 v39, v38;
	[tilespmem:s23+$0x19640] =	vst v47  }
0x114: {  	v57 =	vshll.u32 v9, $0x10;
	v58 =	vshll.u32 v24, $0x10;
	v10 =	vadd.f32 v21, v10;
	[tilespmem:s23+$0x196C0] =	vst v13  }
0x115: {  	v9 =	vand.u32 $0xFFFF0000, v9;
	v60 =	vand.u32 $0xFFFF0000, v24;
	v59 =	vadd.f32 v58, v57;
	[tilespmem:s23+$0x19DC0] =	vst v40  }
0x116: {  	v63 =	vshll.u32 v25, $0x10;
	v53 =	vshll.u32 v12, $0x10;
	v61 =	vadd.f32 v60, v9;
	[tilespmem:s23+$0x195C0] =	vst v10  }
0x117: {  	v12 =	vand.u32 $0xFFFF0000, v12;
	v9 =	vadd.f32 v63, v62;
	v49 =	vshll.u32 v8, $0x10;
	[tilespmem:s23+$0x19940] =	vst v59  }
0x118: {  	v24 =	vand.u32 $0xFFFF0000, v27;
	v8 =	vand.u32 $0xFFFF0000, v8;
	v51 =	vadd.f32 v50, v49;
	[tilespmem:s23+$0x199C0] =	vst v61  }
0x119: {  	v46 =	vshll.u32 v15, $0x10;
	v54 =	vshll.u32 v23, $0x10;
	v52 =	vadd.f32 v19, v8;
	[tilespmem:s23+$0x19A40] =	vst v9  }
0x11a: {  	v55 =	vand.u32 $0xFFFF0000, v23;
	v13 =	vand.u32 $0xFFFF0000, v25;
	v8 =	vadd.f32 v54, v53;
	[tilespmem:s23+$0x19740] =	vst v51  }
0x11b: {  	v23 =	vand.u32 $0xFFFF0000, v16;
	v47 =	vshll.u32 v29, $0x10;
	v56 =	vadd.f32 v55, v12;
	[tilespmem:s23+$0x197C0] =	vst v52  }
0x11c: {  	v62 =	vshll.u32 v2, $0x10;
	v63 =	vshll.u32 v1, $0x10;
	v25 =	vadd.f32 v24, v23;
	[tilespmem:s23+$0x19840] =	vst v8  }
0x11d: {  	v2 =	vand.u32 $0xFFFF0000, v2;
	v1 =	vand.u32 $0xFFFF0000, v1;
	v48 =	vadd.f32 v47, v46;
	[tilespmem:s23+$0x198C0] =	vst v56  }
0x11e: {  	v57 =	vand.u32 $0xFFFF0000, v31;
	v12 =	vand.u32 $0xFFFF0000, v11;
	v1 =	vadd.f32 v1, v2;
	[tilespmem:s23+$0x19BC0] =	vst v25  }
0x11f: {  	v55 =	vshll.u32 v5, $0x10;
	v5 =	vand.u32 $0xFFFF0000, v5;
	v19 =	vadd.f32 v13, v12;
	[tilespmem:s23+$0x19F40] =	vst v48  }
0x120: {  	v58 =	vshll.u32 v4, $0x10;
	v59 =	vshll.u32 v32, $0x10;
	v5 =	vadd.f32 v57, v5;
	[tilespmem:s23+$0x1A3C0] =	vst v1  }
0x121: {  	v41 =	vshll.u32 v7, $0x10;
	v42 =	vshll.u32 v20, $0x10;
	v60 =	vadd.f32 v59, v58;
	[tilespmem:s23+$0x19AC0] =	vst v19  }
0x122: {  	v7 =	vand.u32 $0xFFFF0000, v7;
	v20 =	vand.u32 $0xFFFF0000, v20;
	v33 =	vadd.f32 v42, v41;
	[tilespmem:s23+$0x1A1C0] =	vst v5  }
0x123: {  	v35 =	vand.u32 $0xFFFF0000, v17;
	v7 =	vadd.f32 v20, v7;
	[tilespmem:s23+$0x1A240] =	vst v60  }
0x124: {  	v36 =	vshll.u32 v18, $0x10;
	v37 =	vshll.u32 v26, $0x10;
	v20 =	vadd.f32 v44, v43;
	[tilespmem:s23+$0x19440] =	vst v33  }
0x125: {  	v8 =	vadd.f32 v37, v36;
	v43 =	vand.u32 $0xFFFF0000, v14;
	v44 =	vand.u32 $0xFFFF0000, v28;
	[tilespmem:s23+$0x194C0] =	vst v7  }
0x126: {  	v45 =	vadd.f32 v44, v43;
	[tilespmem:s23+$0x19540] =	vst v20;
	v33 =	vshll.u32 v3, $0x10;
	v3 =	vand.u32 $0xFFFF0000, v3  }
0x127: {  	v51 =	vshll.u32 v6, $0x10;
	v52 =	vshll.u32 v30, $0x10;
	[tilespmem:s23+$0x19D40] =	vst v8;
	v3 =	vadd.f32 v3, v35  }
0x128: {  	v41 =	vshll.u32 v14, $0x10;
	v42 =	vshll.u32 v28, $0x10;
	v53 =	vadd.f32 v52, v51;
	[tilespmem:s23+$0x19EC0] =	vst v45  }
0x129: {  	v54 =	vand.u32 $0xFFFF0000, v30;
	v6 =	vand.u32 $0xFFFF0000, v6;
	[tilespmem:s23+$0x19CC0] =	vst v3;
	v3 =	vadd.f32 v42, v41  }
0x12a: {  	v49 =	vand.u32 $0xFFFF0000, v15;
	v50 =	vand.u32 $0xFFFF0000, v29;
	v6 =	vadd.f32 v54, v6;
	[tilespmem:s23+$0x1A040] =	vst v53  }
0x12b: {  	v21 =	vshll.u32 v27, $0x10;
	v20 =	vshll.u32 v16, $0x10;
	[tilespmem:s23+$0x19E40] =	vst v3;
	v3 =	vadd.f32 v50, v49  }
0x12c: {  	v56 =	vshll.u32 v31, $0x10;
	v22 =	vadd.f32 v21, v20;
	[tilespmem:s23+$0x1A0C0] =	vst v6  }
0x12d: {  	p0 =	sne.s32 s22, $0x1C0;
	v27 =	vshll.u32 v17, $0x10;
	[tilespmem:s23+$0x19FC0] =	vst v3;
	v3 =	vadd.f32 v56, v55  }
.Ltmp1:
0x12e: {  	v4 =	vand.u32 $0xFFFF0000, v4;
	v61 =	vand.u32 $0xFFFF0000, v32;
	v34 =	vadd.f32 v33, v27;
	[tilespmem:s23+$0x19B40] =	vst v22;
	(pc) =	sbr.rel @p0 .LBB2_5-.Ltmp1, $4  }
0x12f: {  	[tilespmem:s23+$0x1A140] =	vst v3;
	v3 =	vadd.f32 v61, v4  }
0x130: {  	[tilespmem:s23+$0x19C40] =	vst v34;
	v4 =	vadd.f32 v63, v62  }
0x131: {  	[tilespmem:s23+$0x1A2C0] =	vst v3  }
0x132: {  	s22 =	sadd.s32 $0x40, s22;
	[tilespmem:s23+$0x1A340] =	vst v4  }
0x133: {  	s21 =	sadd.s32 s6, s21  }
0x134: {  	s20 =	sadd.s32 $0x1, s20;
	s22 =	sshrl.u32 s21, $0x5  }
0x135: {  	s21 =	sshll.u32 s21, $0xA;
	p0 =	sne.s32 s20, $0x64;
	s23 =	sshll.u32 s22, $0xF  }
.Ltmp2:
0x136: {  	s22 =	sshll.u32 s22, $0x12;
	s21 =	ssub.s32 s21, s23;
	(pc) =	sbr.rel @p0 .LBB2_2-.Ltmp2, $4  }
0x137: {  	s21 =	sadd.s32 s22, s21  }
0x138: {  	s21 =	sshrl.u32 s21, $0x3  }
0x139: {  	s18 =	sadd.s32 $0x100, s18;
	s19 =	sadd.s32 $0x100, s19;
	s21 =	sadd.s32 s2, s21  }
0x13a: {  	[hbm4b:s21+s11] =	stream.strided.scatter [tilespmem:s14], [sflag:$0x2], $0x2000, s12, s11, $0x38;
	[tilespmem:$0x1A440] =	vst v63  }
0x13b: {  	s17 =	sadd.s32 $0x1, s17  }
0x13c: {  	_ =	swait.ge [sflag:s15], $0x2000;
	p0 =	sne.s32 s17, s8  }
.Ltmp3:
0x13d: {  	[sflag:s15] =	ssyncset.done $0x0;
	(pc) =	sbr.rel @p0 .LBB2_1-.Ltmp3, $4  }
0x13e: {  	[sflag:s15] =	ssyncadd.s32 $0xFFFFE000  }
0x13f: {  	_ =	swait.ge [sflag:s16], $0x2000  }
0x140: {  	[sflag:s16] =	ssyncset.done $0x0  }
0x141: {  	[sflag:s16] =	ssyncadd.s32 $0xFFFFE000  }
0x142: {  	_ =	sfence.sel $0x180000  }
0x143: {  	[bflag:$0x0] =	sbarrier.arrive $0xFFFF  }
0x144: {  	p0 =	sne.s32 s0, $0x0;
	_ =	strace $0x90000047  }
0x145: {  	s0 =	sadd.s32 @!p0 $0x100000, s1;
	[bflag:$0x2] =	sbarrier.arrive $0xFFFF  }
0x146: {  	[sflag:s0] =	ssyncadd.tile.s32 @!p0 $0x1;
	_ =	shalt  }
.Lfunc_end2:
_tile_overlayer_lowered:
.L_overlay_start_2:
0x147: {  	(tag) =	ssettag $0x2  }
0x148: {  	s0 =	rddreg [dreg:$0x0];
	s2 =	stileid.u32  }
0x149: {  	s1 =	rddreg [dreg:$0x1];
	p0 =	sne.s32 s2, $0x0  }
0x14a: {  	s3 =	rddreg [dreg:$0x2];
	[bflag:$0x3] =	sbarrier.arrive $0xFFFF;
	s2 =	simm.s32 @!p0 $0x1C03  }
0x14b: {  	[timem:s3], [sflag:s2] =	dma.local @!p0 [hbm:s0], s1  }
0x14c: {  	s0 =	simm.s32 @!p0 $0x3  }
0x14d: {  	_ =	swait.ge @!p0 [sflag:s0], s1  }
0x14e: {  	s1 =	ssub.s32 @!p0 $0x0, s1;
	[sflag:s0] =	ssyncset.done @!p0 $0x0  }
0x14f: {  	[sflag:s0] =	ssyncadd.s32 @!p0 s1  }
0x150: {  	[bflag:$0x3] =	sbarrier.arrive $0xFFFF  }
0x151: {  	_ =	shalt  }

</sc_bundles>
